<compile_context>
chip_gen: v7x
topology: tpu7x:2x2x1
jax: 0.10.2.dev20260603
libtpu: 0.0.44.dev20260713+nightly
codegen_flags: <defaults>
</compile_context>

<pallas_src>
import functools

import jax
import jax.numpy as jnp
from jax import lax
from jax.experimental import pallas as pl
from jax.experimental.pallas import tpu as pltpu
from jax.experimental.pallas import tpu_sc as plsc

BATCH = 16384
NFEAT = 64
NIDX = 20
NUM_CORES = 2
NUM_SUBCORES = 16
NUM_WORKERS = NUM_CORES * NUM_SUBCORES
ROWS_PER_TILE = BATCH // NUM_WORKERS
GROUPS = ROWS_PER_TILE // 16


def _sc_body(y_hbm, stds_hbm, means_hbm, a_hbm, l_hbm, e_hbm, slack_hbm,
             out_hbm, y_v, w_v, stds_v, means_v, a_v, l_v, e_v, slack_v, sem):
    wid = lax.axis_index("s") * NUM_CORES + lax.axis_index("c")
    base = wid * ROWS_PER_TILE

    row_cp = pltpu.async_copy(y_hbm.at[pl.ds(base, ROWS_PER_TILE)], y_v, sem)
    pltpu.sync_copy(stds_hbm, stds_v)
    pltpu.sync_copy(means_hbm, means_v)
    pltpu.sync_copy(a_hbm, a_v)
    pltpu.sync_copy(l_hbm, l_v)
    pltpu.sync_copy(e_hbm, e_v)
    pltpu.sync_copy(slack_hbm, slack_v)

    lane = lax.iota(jnp.int32, 16)
    zero = jnp.zeros((16,), jnp.float32)
    for q in range(NFEAT // 16):
        w_v[pl.ds(q * 16, 16)] = zero

    tail_idx = jnp.minimum(lane + 16, NIDX - 1)
    tail_valid = (lane + 16) < NIDX
    c_parts = zero
    for idx_ref, sign in ((a_v, 1.0), (l_v, -1.0), (e_v, -1.0)):
        idx0 = idx_ref[pl.ds(0, 16)]
        plsc.addupdate_scatter(w_v, [idx0],
                               plsc.load_gather(stds_v, [idx0]) * sign)
        c_parts = c_parts + plsc.load_gather(means_v, [idx0]) * sign
        idx1 = plsc.load_gather(idx_ref, [tail_idx])
        sv1 = plsc.load_gather(stds_v, [idx1])
        mv1 = plsc.load_gather(means_v, [idx1])
        plsc.addupdate_scatter(w_v, [idx1],
                               jnp.where(tail_valid, sv1 * sign, 0.0),
                               mask=tail_valid)
        c_parts = c_parts + jnp.where(tail_valid, mv1 * sign, 0.0)
    c = jnp.sum(c_parts)

    sl = slack_v[...]
    inv_std_sl = 1.0 / plsc.load_gather(stds_v, [sl])

    row_cp.wait()

    blk = 2

    def block_body(b, carry):
        row0 = b * (16 * blk)
        rows = [row0 + 16 * gi + lane for gi in range(blk)]
        accs = [jnp.full((16,), c, jnp.float32) for _ in range(blk)]
        for j in range(NFEAT):
            jv = jnp.bitwise_and(lane + j, NFEAT - 1)
            wj = plsc.load_gather(w_v, [jv])
            for gi in range(blk):
                yv = plsc.load_gather(y_v, [rows[gi], jv])
                accs[gi] = accs[gi] + wj * yv
        for gi in range(blk):
            plsc.addupdate_scatter(y_v, [rows[gi], sl], accs[gi] * inv_std_sl)
        return carry

    lax.fori_loop(jnp.int32(0), jnp.int32(GROUPS // blk), block_body,
                  jnp.int32(0))

    pltpu.sync_copy(y_v, out_hbm.at[pl.ds(base, ROWS_PER_TILE)])


@functools.partial(jax.jit, static_argnames=())
def _sc_call(y, stds32, means32, a_idx, l_idx, e_idx, slack_vec):
    mesh = plsc.VectorSubcoreMesh(core_axis_name="c", subcore_axis_name="s",
                                  num_cores=NUM_CORES,
                                  num_subcores=NUM_SUBCORES)
    return pl.kernel(
        _sc_body,
        out_type=jax.ShapeDtypeStruct((BATCH, NFEAT), jnp.float32),
        mesh=mesh,
        compiler_params=pltpu.CompilerParams(needs_layout_passes=False,
                                             use_tc_tiling_on_sc=True),
        scratch_types=[
            pltpu.VMEM((ROWS_PER_TILE, NFEAT), jnp.float32),
            pltpu.VMEM((NFEAT,), jnp.float32),
            pltpu.VMEM((NFEAT,), jnp.float32),
            pltpu.VMEM((NFEAT,), jnp.float32),
            pltpu.VMEM((NIDX,), jnp.int32),
            pltpu.VMEM((NIDX,), jnp.int32),
            pltpu.VMEM((NIDX,), jnp.int32),
            pltpu.VMEM((16,), jnp.int32),
            pltpu.SemaphoreType.DMA,
        ],
    )(y, stds32, means32, a_idx, l_idx, e_idx, slack_vec)


def kernel(y, means, stds, asset_idx, liability_idx, equity_idx, slack_idx):
    stds32 = stds.astype(jnp.float32)
    means32 = means.astype(jnp.float32)
    a_idx = asset_idx.astype(jnp.int32)
    l_idx = liability_idx.astype(jnp.int32)
    e_idx = equity_idx.astype(jnp.int32)
    slack_vec = jnp.full((16,), jnp.asarray(slack_idx, jnp.int32), jnp.int32)
    return _sc_call(y, stds32, means32, a_idx, l_idx, e_idx, slack_vec)

# --- scband reference (transcript-rebuilt; emitter-appended) ---
"""Pipeline reference for scband-enforce-balance-84430467105440 (READ-ONLY COPY).

The authoritative reference and input builder live on the scoring server;
editing this copy changes nothing except your own understanding.
"""

import jax, jax.numpy as jnp
import numpy as np

jax.config.update("jax_enable_x64", True)

BATCH = 16384
N_FEAT = 64


def setup_inputs(seed: int = 0) -> dict:
    key = jax.random.key(seed)
    y = jax.random.normal(key, (BATCH, N_FEAT), dtype=jnp.float32)
    means = jnp.zeros((N_FEAT,), dtype=jnp.float64)
    stds = jnp.ones((N_FEAT,), dtype=jnp.float64)
    asset_idx = jnp.arange(0, 20, dtype=jnp.int32)
    liability_idx = jnp.arange(20, 40, dtype=jnp.int32)
    equity_idx = jnp.arange(40, 60, dtype=jnp.int32)
    return {
        "y": y,
        "means": means,
        "stds": stds,
        "asset_idx": asset_idx,
        "liability_idx": liability_idx,
        "equity_idx": equity_idx,
        "slack_idx": 40,
    }


def reference(y, means, stds, asset_idx, liability_idx, equity_idx, slack_idx):
    y64 = y.astype(jnp.float64)
    y_unscaled = y64 * stds + means
    assets = jnp.sum(jnp.take(y_unscaled, asset_idx, axis=-1), axis=-1, keepdims=True)
    liabilities = jnp.sum(jnp.take(y_unscaled, liability_idx, axis=-1), axis=-1, keepdims=True)
    equity = jnp.sum(jnp.take(y_unscaled, equity_idx, axis=-1), axis=-1, keepdims=True)
    diff = assets - (liabilities + equity)
    # scatter-add the residual into the slack column (tensor_scatter_nd_add equivalent)
    y_unscaled_corrected = y_unscaled.at[:, slack_idx].add(jnp.squeeze(diff, axis=-1))
    y_scaled64 = (y_unscaled_corrected - means) / stds
    return y_scaled64.astype(y.dtype)

if __name__ == "__main__":
    import jax
    _d = setup_inputs()
    print(jax.jit(kernel)(*tuple(_d.values())))

</pallas_src>

<mosaic_0001>
#map = affine_map<(d0, d1) -> (0, 0)>
#map1 = affine_map<(d0, d1) -> (0)>
module attributes {stable_mosaic.version = 14 : i64} {
  func.func @_sc_body(%arg0: i32, %arg1: i32, %arg2: memref<16384x64xf32, #tpu.memory_space<hbm>>, %arg3: memref<64xf32, #tpu.memory_space<hbm>>, %arg4: memref<64xf32, #tpu.memory_space<hbm>>, %arg5: memref<20xi32, #tpu.memory_space<hbm>>, %arg6: memref<20xi32, #tpu.memory_space<hbm>>, %arg7: memref<20xi32, #tpu.memory_space<hbm>>, %arg8: memref<16xi32, #tpu.memory_space<hbm>>, %arg9: memref<16384x64xf32, #tpu.memory_space<hbm>>, %arg10: memref<512x64xf32, #tpu.memory_space<vmem>>, %arg11: memref<64xf32, #tpu.memory_space<vmem>>, %arg12: memref<64xf32, #tpu.memory_space<vmem>>, %arg13: memref<64xf32, #tpu.memory_space<vmem>>, %arg14: memref<20xi32, #tpu.memory_space<vmem>>, %arg15: memref<20xi32, #tpu.memory_space<vmem>>, %arg16: memref<20xi32, #tpu.memory_space<vmem>>, %arg17: memref<16xi32, #tpu.memory_space<vmem>>, %arg18: memref<!tpu.dma_semaphore, #tpu.memory_space<semaphore_mem>>) attributes {dimension_semantics = [#tpu.dimension_semantics<core_parallel>, #tpu.dimension_semantics<subcore_parallel>], iteration_bounds = array<i64: 2, 16>, scalar_prefetch = 0 : i64, scratch_operands = 9 : i64, tpu.core_type = #tpu.core_type<sc_vector_subcore>, window_params = [{transform_indices = #map}, {transform_indices = #map1}, {transform_indices = #map1}, {transform_indices = #map1}, {transform_indices = #map1}, {transform_indices = #map1}, {transform_indices = #map1}, {transform_indices = #map}]} {
    %mul3A = arith.constant 2 : i32
    %mul3A_0 = arith.muli %arg1, %mul3A : i32
    %add3A = arith.addi %mul3A_0, %arg0 : i32
    %mul3A_1 = arith.constant 512 : i32
    %mul3A_2 = arith.muli %add3A, %mul3A_1 : i32
    %dma_start3A = arith.constant 0 : i32
    %dma_start3A_3 = tpu.memref_slice %arg2[%mul3A_2, %dma_start3A] : memref<16384x64xf32, #tpu.memory_space<hbm>> -> memref<512x64xf32, #tpu.memory_space<hbm>>
    %dma_start3A_4 = arith.constant 0 : i32
    %dma_start3A_5 = tpu.memref_slice %arg2[%mul3A_2, %dma_start3A_4] : memref<16384x64xf32, #tpu.memory_space<hbm>> -> memref<512x64xf32, #tpu.memory_space<hbm>>
    tpu.enqueue_dma source(%dma_start3A_5 : memref<512x64xf32, #tpu.memory_space<hbm>>) target(%arg10 : memref<512x64xf32, #tpu.memory_space<vmem>>) target_semaphore(%arg18 : memref<!tpu.dma_semaphore, #tpu.memory_space<semaphore_mem>>)
    "tpu.region"() ({
      %run_scoped3A = tpu.sem_alloc : memref<!tpu.dma_semaphore, #tpu.memory_space<semaphore_mem>>
      tpu.enqueue_dma source(%arg3 : memref<64xf32, #tpu.memory_space<hbm>>) target(%arg12 : memref<64xf32, #tpu.memory_space<vmem>>) target_semaphore(%run_scoped3A : memref<!tpu.dma_semaphore, #tpu.memory_space<semaphore_mem>>)
      tpu.wait_dma2 semaphore(%run_scoped3A : memref<!tpu.dma_semaphore, #tpu.memory_space<semaphore_mem>>) src(%arg3 : memref<64xf32, #tpu.memory_space<hbm>>) dst(%arg12 : memref<64xf32, #tpu.memory_space<vmem>>)
      tpu.yield
    }) : () -> ()
    "tpu.region"() ({
      %run_scoped3A = tpu.sem_alloc : memref<!tpu.dma_semaphore, #tpu.memory_space<semaphore_mem>>
      tpu.enqueue_dma source(%arg4 : memref<64xf32, #tpu.memory_space<hbm>>) target(%arg13 : memref<64xf32, #tpu.memory_space<vmem>>) target_semaphore(%run_scoped3A : memref<!tpu.dma_semaphore, #tpu.memory_space<semaphore_mem>>)
      tpu.wait_dma2 semaphore(%run_scoped3A : memref<!tpu.dma_semaphore, #tpu.memory_space<semaphore_mem>>) src(%arg4 : memref<64xf32, #tpu.memory_space<hbm>>) dst(%arg13 : memref<64xf32, #tpu.memory_space<vmem>>)
      tpu.yield
    }) : () -> ()
    "tpu.region"() ({
      %run_scoped3A = tpu.sem_alloc : memref<!tpu.dma_semaphore, #tpu.memory_space<semaphore_mem>>
      tpu.enqueue_dma source(%arg5 : memref<20xi32, #tpu.memory_space<hbm>>) target(%arg14 : memref<20xi32, #tpu.memory_space<vmem>>) target_semaphore(%run_scoped3A : memref<!tpu.dma_semaphore, #tpu.memory_space<semaphore_mem>>)
      tpu.wait_dma2 semaphore(%run_scoped3A : memref<!tpu.dma_semaphore, #tpu.memory_space<semaphore_mem>>) src(%arg5 : memref<20xi32, #tpu.memory_space<hbm>>) dst(%arg14 : memref<20xi32, #tpu.memory_space<vmem>>)
      tpu.yield
    }) : () -> ()
    "tpu.region"() ({
      %run_scoped3A = tpu.sem_alloc : memref<!tpu.dma_semaphore, #tpu.memory_space<semaphore_mem>>
      tpu.enqueue_dma source(%arg6 : memref<20xi32, #tpu.memory_space<hbm>>) target(%arg15 : memref<20xi32, #tpu.memory_space<vmem>>) target_semaphore(%run_scoped3A : memref<!tpu.dma_semaphore, #tpu.memory_space<semaphore_mem>>)
      tpu.wait_dma2 semaphore(%run_scoped3A : memref<!tpu.dma_semaphore, #tpu.memory_space<semaphore_mem>>) src(%arg6 : memref<20xi32, #tpu.memory_space<hbm>>) dst(%arg15 : memref<20xi32, #tpu.memory_space<vmem>>)
      tpu.yield
    }) : () -> ()
    "tpu.region"() ({
      %run_scoped3A = tpu.sem_alloc : memref<!tpu.dma_semaphore, #tpu.memory_space<semaphore_mem>>
      tpu.enqueue_dma source(%arg7 : memref<20xi32, #tpu.memory_space<hbm>>) target(%arg16 : memref<20xi32, #tpu.memory_space<vmem>>) target_semaphore(%run_scoped3A : memref<!tpu.dma_semaphore, #tpu.memory_space<semaphore_mem>>)
      tpu.wait_dma2 semaphore(%run_scoped3A : memref<!tpu.dma_semaphore, #tpu.memory_space<semaphore_mem>>) src(%arg7 : memref<20xi32, #tpu.memory_space<hbm>>) dst(%arg16 : memref<20xi32, #tpu.memory_space<vmem>>)
      tpu.yield
    }) : () -> ()
    "tpu.region"() ({
      %run_scoped3A = tpu.sem_alloc : memref<!tpu.dma_semaphore, #tpu.memory_space<semaphore_mem>>
      tpu.enqueue_dma source(%arg8 : memref<16xi32, #tpu.memory_space<hbm>>) target(%arg17 : memref<16xi32, #tpu.memory_space<vmem>>) target_semaphore(%run_scoped3A : memref<!tpu.dma_semaphore, #tpu.memory_space<semaphore_mem>>)
      tpu.wait_dma2 semaphore(%run_scoped3A : memref<!tpu.dma_semaphore, #tpu.memory_space<semaphore_mem>>) src(%arg8 : memref<16xi32, #tpu.memory_space<hbm>>) dst(%arg17 : memref<16xi32, #tpu.memory_space<vmem>>)
      tpu.yield
    }) : () -> ()
    %iota3A = tpu.iota {dimensions = array<i32: 0>} : vector<16xi32>
    %broadcast_in_dim3A = arith.constant 0.000000e+00 : f32
    %broadcast_in_dim3A_6 = vector.broadcast %broadcast_in_dim3A : f32 to vector<16xf32>
    %swap3A = arith.constant 0 : index
    %swap3A_7 = tpu.vector_load %arg11[%swap3A] {strides = array<i32>} : memref<64xf32, #tpu.memory_space<vmem>>, vector<16xf32>,
    tpu.vector_store %arg11[%swap3A], %broadcast_in_dim3A_6 {strides = array<i32>} : memref<64xf32, #tpu.memory_space<vmem>>, vector<16xf32>,
    %swap3A_8 = arith.constant 16 : index
    %swap3A_9 = tpu.vector_load %arg11[%swap3A_8] {strides = array<i32>} : memref<64xf32, #tpu.memory_space<vmem>>, vector<16xf32>,
    tpu.vector_store %arg11[%swap3A_8], %broadcast_in_dim3A_6 {strides = array<i32>} : memref<64xf32, #tpu.memory_space<vmem>>, vector<16xf32>,
    %swap3A_10 = arith.constant 32 : index
    %swap3A_11 = tpu.vector_load %arg11[%swap3A_10] {strides = array<i32>} : memref<64xf32, #tpu.memory_space<vmem>>, vector<16xf32>,
    tpu.vector_store %arg11[%swap3A_10], %broadcast_in_dim3A_6 {strides = array<i32>} : memref<64xf32, #tpu.memory_space<vmem>>, vector<16xf32>,
    %swap3A_12 = arith.constant 48 : index
    %swap3A_13 = tpu.vector_load %arg11[%swap3A_12] {strides = array<i32>} : memref<64xf32, #tpu.memory_space<vmem>>, vector<16xf32>,
    tpu.vector_store %arg11[%swap3A_12], %broadcast_in_dim3A_6 {strides = array<i32>} : memref<64xf32, #tpu.memory_space<vmem>>, vector<16xf32>,
    %add3A_14 = arith.constant 16 : i32
    %add3A_15 = vector.broadcast %add3A_14 : i32 to vector<16xi32>
    %add3A_16 = arith.addi %iota3A, %add3A_15 : vector<16xi32>
    %min3A = arith.constant 19 : i32
    %min3A_17 = vector.broadcast %min3A : i32 to vector<16xi32>
    %min3A_18 = arith.minsi %add3A_16, %min3A_17 : vector<16xi32>
    %add3A_19 = arith.constant 16 : i32
    %add3A_20 = vector.broadcast %add3A_19 : i32 to vector<16xi32>
    %add3A_21 = arith.addi %iota3A, %add3A_20 : vector<16xi32>
    %lt3A = arith.constant 20 : i32
    %lt3A_22 = vector.broadcast %lt3A : i32 to vector<16xi32>
    %lt3A_23 = arith.cmpi slt, %add3A_21, %lt3A_22 : vector<16xi32>
    %get3A = arith.constant 0 : index
    %get3A_24 = tpu.vector_load %arg14[%get3A] {strides = array<i32>} : memref<20xi32, #tpu.memory_space<vmem>>, vector<16xi32>,
    %gather3A = tpu.vector_load_idx %arg12[%get3A_24] : memref<64xf32, #tpu.memory_space<vmem>>[vector<16xi32>], vector<16xf32>,
    %mul3A_25 = arith.constant 1.000000e+00 : f32
    %mul3A_26 = vector.broadcast %mul3A_25 : f32 to vector<16xf32>
    %mul3A_27 = arith.mulf %gather3A, %mul3A_26 : vector<16xf32>
    tpu.vector_store_idx %arg11[%get3A_24], %mul3A_27 {add = true} : memref<64xf32, #tpu.memory_space<vmem>>[vector<16xi32>], vector<16xf32>,
    %gather3A_28 = tpu.vector_load_idx %arg13[%get3A_24] : memref<64xf32, #tpu.memory_space<vmem>>[vector<16xi32>], vector<16xf32>,
    %mul3A_29 = arith.constant 1.000000e+00 : f32
    %mul3A_30 = vector.broadcast %mul3A_29 : f32 to vector<16xf32>
    %mul3A_31 = arith.mulf %gather3A_28, %mul3A_30 : vector<16xf32>
    %add3A_32 = arith.addf %broadcast_in_dim3A_6, %mul3A_31 : vector<16xf32>
    %gather3A_33 = tpu.vector_load_idx %arg14[%min3A_18] : memref<20xi32, #tpu.memory_space<vmem>>[vector<16xi32>], vector<16xi32>,
    %gather3A_34 = tpu.vector_load_idx %arg12[%gather3A_33] : memref<64xf32, #tpu.memory_space<vmem>>[vector<16xi32>], vector<16xf32>,
    %gather3A_35 = tpu.vector_load_idx %arg13[%gather3A_33] : memref<64xf32, #tpu.memory_space<vmem>>[vector<16xi32>], vector<16xf32>,
    %mul3A_36 = arith.constant 1.000000e+00 : f32
    %mul3A_37 = vector.broadcast %mul3A_36 : f32 to vector<16xf32>
    %mul3A_38 = arith.mulf %gather3A_34, %mul3A_37 : vector<16xf32>
    %jit3A = arith.constant 0.000000e+00 : f64
    %convert_element_type3A = arith.truncf %jit3A : f64 to f32
    %broadcast_in_dim3A_39 = vector.broadcast %convert_element_type3A : f32 to vector<16xf32>
    %select_n3A = arith.select %lt3A_23, %mul3A_38, %broadcast_in_dim3A_39 : vector<16xi1>, vector<16xf32>
    tpu.vector_store_idx %arg11[%gather3A_33], %select_n3A masked %lt3A_23 {add = true} : memref<64xf32, #tpu.memory_space<vmem>>[vector<16xi32>], vector<16xf32>, vector<16xi1>
    %mul3A_40 = arith.constant 1.000000e+00 : f32
    %mul3A_41 = vector.broadcast %mul3A_40 : f32 to vector<16xf32>
    %mul3A_42 = arith.mulf %gather3A_35, %mul3A_41 : vector<16xf32>
    %jit3A_43 = arith.constant 0.000000e+00 : f64
    %convert_element_type3A_44 = arith.truncf %jit3A_43 : f64 to f32
    %broadcast_in_dim3A_45 = vector.broadcast %convert_element_type3A_44 : f32 to vector<16xf32>
    %select_n3A_46 = arith.select %lt3A_23, %mul3A_42, %broadcast_in_dim3A_45 : vector<16xi1>, vector<16xf32>
    %add3A_47 = arith.addf %add3A_32, %select_n3A_46 : vector<16xf32>
    %get3A_48 = arith.constant 0 : index
    %get3A_49 = tpu.vector_load %arg15[%get3A_48] {strides = array<i32>} : memref<20xi32, #tpu.memory_space<vmem>>, vector<16xi32>,
    %gather3A_50 = tpu.vector_load_idx %arg12[%get3A_49] : memref<64xf32, #tpu.memory_space<vmem>>[vector<16xi32>], vector<16xf32>,
    %mul3A_51 = arith.constant -1.000000e+00 : f32
    %mul3A_52 = vector.broadcast %mul3A_51 : f32 to vector<16xf32>
    %mul3A_53 = arith.mulf %gather3A_50, %mul3A_52 : vector<16xf32>
    tpu.vector_store_idx %arg11[%get3A_49], %mul3A_53 {add = true} : memref<64xf32, #tpu.memory_space<vmem>>[vector<16xi32>], vector<16xf32>,
    %gather3A_54 = tpu.vector_load_idx %arg13[%get3A_49] : memref<64xf32, #tpu.memory_space<vmem>>[vector<16xi32>], vector<16xf32>,
    %mul3A_55 = arith.constant -1.000000e+00 : f32
    %mul3A_56 = vector.broadcast %mul3A_55 : f32 to vector<16xf32>
    %mul3A_57 = arith.mulf %gather3A_54, %mul3A_56 : vector<16xf32>
    %add3A_58 = arith.addf %add3A_47, %mul3A_57 : vector<16xf32>
    %gather3A_59 = tpu.vector_load_idx %arg15[%min3A_18] : memref<20xi32, #tpu.memory_space<vmem>>[vector<16xi32>], vector<16xi32>,
    %gather3A_60 = tpu.vector_load_idx %arg12[%gather3A_59] : memref<64xf32, #tpu.memory_space<vmem>>[vector<16xi32>], vector<16xf32>,
    %gather3A_61 = tpu.vector_load_idx %arg13[%gather3A_59] : memref<64xf32, #tpu.memory_space<vmem>>[vector<16xi32>], vector<16xf32>,
    %mul3A_62 = arith.constant -1.000000e+00 : f32
    %mul3A_63 = vector.broadcast %mul3A_62 : f32 to vector<16xf32>
    %mul3A_64 = arith.mulf %gather3A_60, %mul3A_63 : vector<16xf32>
    %jit3A_65 = arith.constant 0.000000e+00 : f64
    %convert_element_type3A_66 = arith.truncf %jit3A_65 : f64 to f32
    %broadcast_in_dim3A_67 = vector.broadcast %convert_element_type3A_66 : f32 to vector<16xf32>
    %select_n3A_68 = arith.select %lt3A_23, %mul3A_64, %broadcast_in_dim3A_67 : vector<16xi1>, vector<16xf32>
    tpu.vector_store_idx %arg11[%gather3A_59], %select_n3A_68 masked %lt3A_23 {add = true} : memref<64xf32, #tpu.memory_space<vmem>>[vector<16xi32>], vector<16xf32>, vector<16xi1>
    %mul3A_69 = arith.constant -1.000000e+00 : f32
    %mul3A_70 = vector.broadcast %mul3A_69 : f32 to vector<16xf32>
    %mul3A_71 = arith.mulf %gather3A_61, %mul3A_70 : vector<16xf32>
    %jit3A_72 = arith.constant 0.000000e+00 : f64
    %convert_element_type3A_73 = arith.truncf %jit3A_72 : f64 to f32
    %broadcast_in_dim3A_74 = vector.broadcast %convert_element_type3A_73 : f32 to vector<16xf32>
    %select_n3A_75 = arith.select %lt3A_23, %mul3A_71, %broadcast_in_dim3A_74 : vector<16xi1>, vector<16xf32>
    %add3A_76 = arith.addf %add3A_58, %select_n3A_75 : vector<16xf32>
    %get3A_77 = arith.constant 0 : index
    %get3A_78 = tpu.vector_load %arg16[%get3A_77] {strides = array<i32>} : memref<20xi32, #tpu.memory_space<vmem>>, vector<16xi32>,
    %gather3A_79 = tpu.vector_load_idx %arg12[%get3A_78] : memref<64xf32, #tpu.memory_space<vmem>>[vector<16xi32>], vector<16xf32>,
    %mul3A_80 = arith.constant -1.000000e+00 : f32
    %mul3A_81 = vector.broadcast %mul3A_80 : f32 to vector<16xf32>
    %mul3A_82 = arith.mulf %gather3A_79, %mul3A_81 : vector<16xf32>
    tpu.vector_store_idx %arg11[%get3A_78], %mul3A_82 {add = true} : memref<64xf32, #tpu.memory_space<vmem>>[vector<16xi32>], vector<16xf32>,
    %gather3A_83 = tpu.vector_load_idx %arg13[%get3A_78] : memref<64xf32, #tpu.memory_space<vmem>>[vector<16xi32>], vector<16xf32>,
    %mul3A_84 = arith.constant -1.000000e+00 : f32
    %mul3A_85 = vector.broadcast %mul3A_84 : f32 to vector<16xf32>
    %mul3A_86 = arith.mulf %gather3A_83, %mul3A_85 : vector<16xf32>
    %add3A_87 = arith.addf %add3A_76, %mul3A_86 : vector<16xf32>
    %gather3A_88 = tpu.vector_load_idx %arg16[%min3A_18] : memref<20xi32, #tpu.memory_space<vmem>>[vector<16xi32>], vector<16xi32>,
    %gather3A_89 = tpu.vector_load_idx %arg12[%gather3A_88] : memref<64xf32, #tpu.memory_space<vmem>>[vector<16xi32>], vector<16xf32>,
    %gather3A_90 = tpu.vector_load_idx %arg13[%gather3A_88] : memref<64xf32, #tpu.memory_space<vmem>>[vector<16xi32>], vector<16xf32>,
    %mul3A_91 = arith.constant -1.000000e+00 : f32
    %mul3A_92 = vector.broadcast %mul3A_91 : f32 to vector<16xf32>
    %mul3A_93 = arith.mulf %gather3A_89, %mul3A_92 : vector<16xf32>
    %jit3A_94 = arith.constant 0.000000e+00 : f64
    %convert_element_type3A_95 = arith.truncf %jit3A_94 : f64 to f32
    %broadcast_in_dim3A_96 = vector.broadcast %convert_element_type3A_95 : f32 to vector<16xf32>
    %select_n3A_97 = arith.select %lt3A_23, %mul3A_93, %broadcast_in_dim3A_96 : vector<16xi1>, vector<16xf32>
    tpu.vector_store_idx %arg11[%gather3A_88], %select_n3A_97 masked %lt3A_23 {add = true} : memref<64xf32, #tpu.memory_space<vmem>>[vector<16xi32>], vector<16xf32>, vector<16xi1>
    %mul3A_98 = arith.constant -1.000000e+00 : f32
    %mul3A_99 = vector.broadcast %mul3A_98 : f32 to vector<16xf32>
    %mul3A_100 = arith.mulf %gather3A_90, %mul3A_99 : vector<16xf32>
    %jit3A_101 = arith.constant 0.000000e+00 : f64
    %convert_element_type3A_102 = arith.truncf %jit3A_101 : f64 to f32
    %broadcast_in_dim3A_103 = vector.broadcast %convert_element_type3A_102 : f32 to vector<16xf32>
    %select_n3A_104 = arith.select %lt3A_23, %mul3A_100, %broadcast_in_dim3A_103 : vector<16xi1>, vector<16xf32>
    %add3A_105 = arith.addf %add3A_87, %select_n3A_104 : vector<16xf32>
    %reduce_sum3A = arith.constant true
    %reduce_sum3A_106 = vector.broadcast %reduce_sum3A : i1 to vector<16xi1>
    %reduce_sum3A_107 = tpu.scan <sum>, %add3A_105 masked %reduce_sum3A_106 : vector<16xf32>, vector<16xi1> -> vector<16xf32>
    %reduce_sum3A_108 = vector.extract %reduce_sum3A_107[15] : f32 from vector<16xf32>
    %get3A_109 = arith.constant 0 : index
    %get3A_110 = tpu.vector_load %arg17[%get3A_109] {strides = array<i32>} : memref<16xi32, #tpu.memory_space<vmem>>, vector<16xi32>,
    %gather3A_111 = tpu.vector_load_idx %arg12[%get3A_110] : memref<64xf32, #tpu.memory_space<vmem>>[vector<16xi32>], vector<16xf32>,
    %div3A = arith.constant 1.000000e+00 : f32
    %div3A_112 = vector.broadcast %div3A : f32 to vector<16xf32>
    %div3A_113 = arith.divf %div3A_112, %gather3A_111 : vector<16xf32>
    %dma_wait3A = arith.constant 0 : i32
    %dma_wait3A_114 = tpu.memref_slice %arg2[%mul3A_2, %dma_wait3A] : memref<16384x64xf32, #tpu.memory_space<hbm>> -> memref<512x64xf32, #tpu.memory_space<hbm>>
    %dma_wait3A_115 = arith.constant 0 : i32
    %dma_wait3A_116 = tpu.memref_slice %arg2[%mul3A_2, %dma_wait3A_115] : memref<16384x64xf32, #tpu.memory_space<hbm>> -> memref<512x64xf32, #tpu.memory_space<hbm>>
    tpu.wait_dma2 semaphore(%arg18 : memref<!tpu.dma_semaphore, #tpu.memory_space<semaphore_mem>>) src(%dma_wait3A_116 : memref<512x64xf32, #tpu.memory_space<hbm>>) dst(%arg10 : memref<512x64xf32, #tpu.memory_space<vmem>>)
    %while3A = arith.constant 0 : i32
    %while3A_117 = arith.constant 0 : i32
    %while3A_118 = arith.constant 16 : i32
    %while3A_119 = arith.subi %while3A_118, %while3A_117 : i32
    %while3A_120 = arith.addi %while3A_117, %while3A_119 : i32
    %while3A_121 = arith.constant 1 : i32
    %while3A_122 = arith.divsi %while3A_119, %while3A_121 : i32
    %while3A_123 = arith.muli %while3A_122, %while3A_121 : i32
    %while3A_124 = arith.addi %while3A_117, %while3A_123 : i32
    %while3A_125 = arith.constant 1 : i32
    scf.for %while3A_127 = %while3A_117 to %while3A_124 step %while3A_125  : i32 {
      %mul3A_128 = arith.constant 32 : i32
      %mul3A_129 = arith.muli %while3A_127, %mul3A_128 : i32
      %add3A_130 = arith.constant 0 : i32
      %add3A_131 = arith.addi %mul3A_129, %add3A_130 : i32
      %add3A_132 = vector.broadcast %add3A_131 : i32 to vector<16xi32>
      %add3A_133 = arith.addi %add3A_132, %iota3A : vector<16xi32>
      %add3A_134 = arith.constant 16 : i32
      %add3A_135 = arith.addi %mul3A_129, %add3A_134 : i32
      %add3A_136 = vector.broadcast %add3A_135 : i32 to vector<16xi32>
      %add3A_137 = arith.addi %add3A_136, %iota3A : vector<16xi32>
      %broadcast_in_dim3A_138 = vector.broadcast %reduce_sum3A_108 : f32 to vector<16xf32>
      %broadcast_in_dim3A_139 = vector.broadcast %reduce_sum3A_108 : f32 to vector<16xf32>
      %add3A_140 = arith.constant 0 : i32
      %add3A_141 = vector.broadcast %add3A_140 : i32 to vector<16xi32>
      %add3A_142 = arith.addi %iota3A, %add3A_141 : vector<16xi32>
      %and3A = arith.constant 63 : i32
      %and3A_143 = vector.broadcast %and3A : i32 to vector<16xi32>
      %and3A_144 = arith.andi %add3A_142, %and3A_143 : vector<16xi32>
      %gather3A_145 = tpu.vector_load_idx %arg11[%and3A_144] : memref<64xf32, #tpu.memory_space<vmem>>[vector<16xi32>], vector<16xf32>,
      %gather3A_146 = tpu.vector_load_idx %arg10[%add3A_133, %and3A_144] : memref<512x64xf32, #tpu.memory_space<vmem>>[vector<16xi32>, vector<16xi32>], vector<16xf32>,
      %mul3A_147 = arith.mulf %gather3A_145, %gather3A_146 : vector<16xf32>
      %add3A_148 = arith.addf %broadcast_in_dim3A_138, %mul3A_147 : vector<16xf32>
      %gather3A_149 = tpu.vector_load_idx %arg10[%add3A_137, %and3A_144] : memref<512x64xf32, #tpu.memory_space<vmem>>[vector<16xi32>, vector<16xi32>], vector<16xf32>,
      %mul3A_150 = arith.mulf %gather3A_145, %gather3A_149 : vector<16xf32>
      %add3A_151 = arith.addf %broadcast_in_dim3A_139, %mul3A_150 : vector<16xf32>
      %add3A_152 = arith.constant 1 : i32
      %add3A_153 = vector.broadcast %add3A_152 : i32 to vector<16xi32>
      %add3A_154 = arith.addi %iota3A, %add3A_153 : vector<16xi32>
      %and3A_155 = arith.constant 63 : i32
      %and3A_156 = vector.broadcast %and3A_155 : i32 to vector<16xi32>
      %and3A_157 = arith.andi %add3A_154, %and3A_156 : vector<16xi32>
      %gather3A_158 = tpu.vector_load_idx %arg11[%and3A_157] : memref<64xf32, #tpu.memory_space<vmem>>[vector<16xi32>], vector<16xf32>,
      %gather3A_159 = tpu.vector_load_idx %arg10[%add3A_133, %and3A_157] : memref<512x64xf32, #tpu.memory_space<vmem>>[vector<16xi32>, vector<16xi32>], vector<16xf32>,
      %mul3A_160 = arith.mulf %gather3A_158, %gather3A_159 : vector<16xf32>
      %add3A_161 = arith.addf %add3A_148, %mul3A_160 : vector<16xf32>
      %gather3A_162 = tpu.vector_load_idx %arg10[%add3A_137, %and3A_157] : memref<512x64xf32, #tpu.memory_space<vmem>>[vector<16xi32>, vector<16xi32>], vector<16xf32>,
      %mul3A_163 = arith.mulf %gather3A_158, %gather3A_162 : vector<16xf32>
      %add3A_164 = arith.addf %add3A_151, %mul3A_163 : vector<16xf32>
      %add3A_165 = arith.constant 2 : i32
      %add3A_166 = vector.broadcast %add3A_165 : i32 to vector<16xi32>
      %add3A_167 = arith.addi %iota3A, %add3A_166 : vector<16xi32>
      %and3A_168 = arith.constant 63 : i32
      %and3A_169 = vector.broadcast %and3A_168 : i32 to vector<16xi32>
      %and3A_170 = arith.andi %add3A_167, %and3A_169 : vector<16xi32>
      %gather3A_171 = tpu.vector_load_idx %arg11[%and3A_170] : memref<64xf32, #tpu.memory_space<vmem>>[vector<16xi32>], vector<16xf32>,
      %gather3A_172 = tpu.vector_load_idx %arg10[%add3A_133, %and3A_170] : memref<512x64xf32, #tpu.memory_space<vmem>>[vector<16xi32>, vector<16xi32>], vector<16xf32>,
      %mul3A_173 = arith.mulf %gather3A_171, %gather3A_172 : vector<16xf32>
      %add3A_174 = arith.addf %add3A_161, %mul3A_173 : vector<16xf32>
      %gather3A_175 = tpu.vector_load_idx %arg10[%add3A_137, %and3A_170] : memref<512x64xf32, #tpu.memory_space<vmem>>[vector<16xi32>, vector<16xi32>], vector<16xf32>,
      %mul3A_176 = arith.mulf %gather3A_171, %gather3A_175 : vector<16xf32>
      %add3A_177 = arith.addf %add3A_164, %mul3A_176 : vector<16xf32>
      %add3A_178 = arith.constant 3 : i32
      %add3A_179 = vector.broadcast %add3A_178 : i32 to vector<16xi32>
      %add3A_180 = arith.addi %iota3A, %add3A_179 : vector<16xi32>
      %and3A_181 = arith.constant 63 : i32
      %and3A_182 = vector.broadcast %and3A_181 : i32 to vector<16xi32>
      %and3A_183 = arith.andi %add3A_180, %and3A_182 : vector<16xi32>
      %gather3A_184 = tpu.vector_load_idx %arg11[%and3A_183] : memref<64xf32, #tpu.memory_space<vmem>>[vector<16xi32>], vector<16xf32>,
      %gather3A_185 = tpu.vector_load_idx %arg10[%add3A_133, %and3A_183] : memref<512x64xf32, #tpu.memory_space<vmem>>[vector<16xi32>, vector<16xi32>], vector<16xf32>,
      %mul3A_186 = arith.mulf %gather3A_184, %gather3A_185 : vector<16xf32>
      %add3A_187 = arith.addf %add3A_174, %mul3A_186 : vector<16xf32>
      %gather3A_188 = tpu.vector_load_idx %arg10[%add3A_137, %and3A_183] : memref<512x64xf32, #tpu.memory_space<vmem>>[vector<16xi32>, vector<16xi32>], vector<16xf32>,
      %mul3A_189 = arith.mulf %gather3A_184, %gather3A_188 : vector<16xf32>
      %add3A_190 = arith.addf %add3A_177, %mul3A_189 : vector<16xf32>
      %add3A_191 = arith.constant 4 : i32
      %add3A_192 = vector.broadcast %add3A_191 : i32 to vector<16xi32>
      %add3A_193 = arith.addi %iota3A, %add3A_192 : vector<16xi32>
      %and3A_194 = arith.constant 63 : i32
      %and3A_195 = vector.broadcast %and3A_194 : i32 to vector<16xi32>
      %and3A_196 = arith.andi %add3A_193, %and3A_195 : vector<16xi32>
      %gather3A_197 = tpu.vector_load_idx %arg11[%and3A_196] : memref<64xf32, #tpu.memory_space<vmem>>[vector<16xi32>], vector<16xf32>,
      %gather3A_198 = tpu.vector_load_idx %arg10[%add3A_133, %and3A_196] : memref<512x64xf32, #tpu.memory_space<vmem>>[vector<16xi32>, vector<16xi32>], vector<16xf32>,
      %mul3A_199 = arith.mulf %gather3A_197, %gather3A_198 : vector<16xf32>
      %add3A_200 = arith.addf %add3A_187, %mul3A_199 : vector<16xf32>
      %gather3A_201 = tpu.vector_load_idx %arg10[%add3A_137, %and3A_196] : memref<512x64xf32, #tpu.memory_space<vmem>>[vector<16xi32>, vector<16xi32>], vector<16xf32>,
      %mul3A_202 = arith.mulf %gather3A_197, %gather3A_201 : vector<16xf32>
      %add3A_203 = arith.addf %add3A_190, %mul3A_202 : vector<16xf32>
      %add3A_204 = arith.constant 5 : i32
      %add3A_205 = vector.broadcast %add3A_204 : i32 to vector<16xi32>
      %add3A_206 = arith.addi %iota3A, %add3A_205 : vector<16xi32>
      %and3A_207 = arith.constant 63 : i32
      %and3A_208 = vector.broadcast %and3A_207 : i32 to vector<16xi32>
      %and3A_209 = arith.andi %add3A_206, %and3A_208 : vector<16xi32>
      %gather3A_210 = tpu.vector_load_idx %arg11[%and3A_209] : memref<64xf32, #tpu.memory_space<vmem>>[vector<16xi32>], vector<16xf32>,
      %gather3A_211 = tpu.vector_load_idx %arg10[%add3A_133, %and3A_209] : memref<512x64xf32, #tpu.memory_space<vmem>>[vector<16xi32>, vector<16xi32>], vector<16xf32>,
      %mul3A_212 = arith.mulf %gather3A_210, %gather3A_211 : vector<16xf32>
      %add3A_213 = arith.addf %add3A_200, %mul3A_212 : vector<16xf32>
      %gather3A_214 = tpu.vector_load_idx %arg10[%add3A_137, %and3A_209] : memref<512x64xf32, #tpu.memory_space<vmem>>[vector<16xi32>, vector<16xi32>], vector<16xf32>,
      %mul3A_215 = arith.mulf %gather3A_210, %gather3A_214 : vector<16xf32>
      %add3A_216 = arith.addf %add3A_203, %mul3A_215 : vector<16xf32>
      %add3A_217 = arith.constant 6 : i32
      %add3A_218 = vector.broadcast %add3A_217 : i32 to vector<16xi32>
      %add3A_219 = arith.addi %iota3A, %add3A_218 : vector<16xi32>
      %and3A_220 = arith.constant 63 : i32
      %and3A_221 = vector.broadcast %and3A_220 : i32 to vector<16xi32>
      %and3A_222 = arith.andi %add3A_219, %and3A_221 : vector<16xi32>
      %gather3A_223 = tpu.vector_load_idx %arg11[%and3A_222] : memref<64xf32, #tpu.memory_space<vmem>>[vector<16xi32>], vector<16xf32>,
      %gather3A_224 = tpu.vector_load_idx %arg10[%add3A_133, %and3A_222] : memref<512x64xf32, #tpu.memory_space<vmem>>[vector<16xi32>, vector<16xi32>], vector<16xf32>,
      %mul3A_225 = arith.mulf %gather3A_223, %gather3A_224 : vector<16xf32>
      %add3A_226 = arith.addf %add3A_213, %mul3A_225 : vector<16xf32>
      %gather3A_227 = tpu.vector_load_idx %arg10[%add3A_137, %and3A_222] : memref<512x64xf32, #tpu.memory_space<vmem>>[vector<16xi32>, vector<16xi32>], vector<16xf32>,
      %mul3A_228 = arith.mulf %gather3A_223, %gather3A_227 : vector<16xf32>
      %add3A_229 = arith.addf %add3A_216, %mul3A_228 : vector<16xf32>
      %add3A_230 = arith.constant 7 : i32
      %add3A_231 = vector.broadcast %add3A_230 : i32 to vector<16xi32>
      %add3A_232 = arith.addi %iota3A, %add3A_231 : vector<16xi32>
      %and3A_233 = arith.constant 63 : i32
      %and3A_234 = vector.broadcast %and3A_233 : i32 to vector<16xi32>
      %and3A_235 = arith.andi %add3A_232, %and3A_234 : vector<16xi32>
      %gather3A_236 = tpu.vector_load_idx %arg11[%and3A_235] : memref<64xf32, #tpu.memory_space<vmem>>[vector<16xi32>], vector<16xf32>,
      %gather3A_237 = tpu.vector_load_idx %arg10[%add3A_133, %and3A_235] : memref<512x64xf32, #tpu.memory_space<vmem>>[vector<16xi32>, vector<16xi32>], vector<16xf32>,
      %mul3A_238 = arith.mulf %gather3A_236, %gather3A_237 : vector<16xf32>
      %add3A_239 = arith.addf %add3A_226, %mul3A_238 : vector<16xf32>
      %gather3A_240 = tpu.vector_load_idx %arg10[%add3A_137, %and3A_235] : memref<512x64xf32, #tpu.memory_space<vmem>>[vector<16xi32>, vector<16xi32>], vector<16xf32>,
      %mul3A_241 = arith.mulf %gather3A_236, %gather3A_240 : vector<16xf32>
      %add3A_242 = arith.addf %add3A_229, %mul3A_241 : vector<16xf32>
      %add3A_243 = arith.constant 8 : i32
      %add3A_244 = vector.broadcast %add3A_243 : i32 to vector<16xi32>
      %add3A_245 = arith.addi %iota3A, %add3A_244 : vector<16xi32>
      %and3A_246 = arith.constant 63 : i32
      %and3A_247 = vector.broadcast %and3A_246 : i32 to vector<16xi32>
      %and3A_248 = arith.andi %add3A_245, %and3A_247 : vector<16xi32>
      %gather3A_249 = tpu.vector_load_idx %arg11[%and3A_248] : memref<64xf32, #tpu.memory_space<vmem>>[vector<16xi32>], vector<16xf32>,
      %gather3A_250 = tpu.vector_load_idx %arg10[%add3A_133, %and3A_248] : memref<512x64xf32, #tpu.memory_space<vmem>>[vector<16xi32>, vector<16xi32>], vector<16xf32>,
      %mul3A_251 = arith.mulf %gather3A_249, %gather3A_250 : vector<16xf32>
      %add3A_252 = arith.addf %add3A_239, %mul3A_251 : vector<16xf32>
      %gather3A_253 = tpu.vector_load_idx %arg10[%add3A_137, %and3A_248] : memref<512x64xf32, #tpu.memory_space<vmem>>[vector<16xi32>, vector<16xi32>], vector<16xf32>,
      %mul3A_254 = arith.mulf %gather3A_249, %gather3A_253 : vector<16xf32>
      %add3A_255 = arith.addf %add3A_242, %mul3A_254 : vector<16xf32>
      %add3A_256 = arith.constant 9 : i32
      %add3A_257 = vector.broadcast %add3A_256 : i32 to vector<16xi32>
      %add3A_258 = arith.addi %iota3A, %add3A_257 : vector<16xi32>
      %and3A_259 = arith.constant 63 : i32
      %and3A_260 = vector.broadcast %and3A_259 : i32 to vector<16xi32>
      %and3A_261 = arith.andi %add3A_258, %and3A_260 : vector<16xi32>
      %gather3A_262 = tpu.vector_load_idx %arg11[%and3A_261] : memref<64xf32, #tpu.memory_space<vmem>>[vector<16xi32>], vector<16xf32>,
      %gather3A_263 = tpu.vector_load_idx %arg10[%add3A_133, %and3A_261] : memref<512x64xf32, #tpu.memory_space<vmem>>[vector<16xi32>, vector<16xi32>], vector<16xf32>,
      %mul3A_264 = arith.mulf %gather3A_262, %gather3A_263 : vector<16xf32>
      %add3A_265 = arith.addf %add3A_252, %mul3A_264 : vector<16xf32>
      %gather3A_266 = tpu.vector_load_idx %arg10[%add3A_137, %and3A_261] : memref<512x64xf32, #tpu.memory_space<vmem>>[vector<16xi32>, vector<16xi32>], vector<16xf32>,
      %mul3A_267 = arith.mulf %gather3A_262, %gather3A_266 : vector<16xf32>
      %add3A_268 = arith.addf %add3A_255, %mul3A_267 : vector<16xf32>
      %add3A_269 = arith.constant 10 : i32
      %add3A_270 = vector.broadcast %add3A_269 : i32 to vector<16xi32>
      %add3A_271 = arith.addi %iota3A, %add3A_270 : vector<16xi32>
      %and3A_272 = arith.constant 63 : i32
      %and3A_273 = vector.broadcast %and3A_272 : i32 to vector<16xi32>
      %and3A_274 = arith.andi %add3A_271, %and3A_273 : vector<16xi32>
      %gather3A_275 = tpu.vector_load_idx %arg11[%and3A_274] : memref<64xf32, #tpu.memory_space<vmem>>[vector<16xi32>], vector<16xf32>,
      %gather3A_276 = tpu.vector_load_idx %arg10[%add3A_133, %and3A_274] : memref<512x64xf32, #tpu.memory_space<vmem>>[vector<16xi32>, vector<16xi32>], vector<16xf32>,
      %mul3A_277 = arith.mulf %gather3A_275, %gather3A_276 : vector<16xf32>
      %add3A_278 = arith.addf %add3A_265, %mul3A_277 : vector<16xf32>
      %gather3A_279 = tpu.vector_load_idx %arg10[%add3A_137, %and3A_274] : memref<512x64xf32, #tpu.memory_space<vmem>>[vector<16xi32>, vector<16xi32>], vector<16xf32>,
      %mul3A_280 = arith.mulf %gather3A_275, %gather3A_279 : vector<16xf32>
      %add3A_281 = arith.addf %add3A_268, %mul3A_280 : vector<16xf32>
      %add3A_282 = arith.constant 11 : i32
      %add3A_283 = vector.broadcast %add3A_282 : i32 to vector<16xi32>
      %add3A_284 = arith.addi %iota3A, %add3A_283 : vector<16xi32>
      %and3A_285 = arith.constant 63 : i32
      %and3A_286 = vector.broadcast %and3A_285 : i32 to vector<16xi32>
      %and3A_287 = arith.andi %add3A_284, %and3A_286 : vector<16xi32>
      %gather3A_288 = tpu.vector_load_idx %arg11[%and3A_287] : memref<64xf32, #tpu.memory_space<vmem>>[vector<16xi32>], vector<16xf32>,
      %gather3A_289 = tpu.vector_load_idx %arg10[%add3A_133, %and3A_287] : memref<512x64xf32, #tpu.memory_space<vmem>>[vector<16xi32>, vector<16xi32>], vector<16xf32>,
      %mul3A_290 = arith.mulf %gather3A_288, %gather3A_289 : vector<16xf32>
      %add3A_291 = arith.addf %add3A_278, %mul3A_290 : vector<16xf32>
      %gather3A_292 = tpu.vector_load_idx %arg10[%add3A_137, %and3A_287] : memref<512x64xf32, #tpu.memory_space<vmem>>[vector<16xi32>, vector<16xi32>], vector<16xf32>,
      %mul3A_293 = arith.mulf %gather3A_288, %gather3A_292 : vector<16xf32>
      %add3A_294 = arith.addf %add3A_281, %mul3A_293 : vector<16xf32>
      %add3A_295 = arith.constant 12 : i32
      %add3A_296 = vector.broadcast %add3A_295 : i32 to vector<16xi32>
      %add3A_297 = arith.addi %iota3A, %add3A_296 : vector<16xi32>
      %and3A_298 = arith.constant 63 : i32
      %and3A_299 = vector.broadcast %and3A_298 : i32 to vector<16xi32>
      %and3A_300 = arith.andi %add3A_297, %and3A_299 : vector<16xi32>
      %gather3A_301 = tpu.vector_load_idx %arg11[%and3A_300] : memref<64xf32, #tpu.memory_space<vmem>>[vector<16xi32>], vector<16xf32>,
      %gather3A_302 = tpu.vector_load_idx %arg10[%add3A_133, %and3A_300] : memref<512x64xf32, #tpu.memory_space<vmem>>[vector<16xi32>, vector<16xi32>], vector<16xf32>,
      %mul3A_303 = arith.mulf %gather3A_301, %gather3A_302 : vector<16xf32>
      %add3A_304 = arith.addf %add3A_291, %mul3A_303 : vector<16xf32>
      %gather3A_305 = tpu.vector_load_idx %arg10[%add3A_137, %and3A_300] : memref<512x64xf32, #tpu.memory_space<vmem>>[vector<16xi32>, vector<16xi32>], vector<16xf32>,
      %mul3A_306 = arith.mulf %gather3A_301, %gather3A_305 : vector<16xf32>
      %add3A_307 = arith.addf %add3A_294, %mul3A_306 : vector<16xf32>
      %add3A_308 = arith.constant 13 : i32
      %add3A_309 = vector.broadcast %add3A_308 : i32 to vector<16xi32>
      %add3A_310 = arith.addi %iota3A, %add3A_309 : vector<16xi32>
      %and3A_311 = arith.constant 63 : i32
      %and3A_312 = vector.broadcast %and3A_311 : i32 to vector<16xi32>
      %and3A_313 = arith.andi %add3A_310, %and3A_312 : vector<16xi32>
      %gather3A_314 = tpu.vector_load_idx %arg11[%and3A_313] : memref<64xf32, #tpu.memory_space<vmem>>[vector<16xi32>], vector<16xf32>,
      %gather3A_315 = tpu.vector_load_idx %arg10[%add3A_133, %and3A_313] : memref<512x64xf32, #tpu.memory_space<vmem>>[vector<16xi32>, vector<16xi32>], vector<16xf32>,
      %mul3A_316 = arith.mulf %gather3A_314, %gather3A_315 : vector<16xf32>
      %add3A_317 = arith.addf %add3A_304, %mul3A_316 : vector<16xf32>
      %gather3A_318 = tpu.vector_load_idx %arg10[%add3A_137, %and3A_313] : memref<512x64xf32, #tpu.memory_space<vmem>>[vector<16xi32>, vector<16xi32>], vector<16xf32>,
      %mul3A_319 = arith.mulf %gather3A_314, %gather3A_318 : vector<16xf32>
      %add3A_320 = arith.addf %add3A_307, %mul3A_319 : vector<16xf32>
      %add3A_321 = arith.constant 14 : i32
      %add3A_322 = vector.broadcast %add3A_321 : i32 to vector<16xi32>
      %add3A_323 = arith.addi %iota3A, %add3A_322 : vector<16xi32>
      %and3A_324 = arith.constant 63 : i32
      %and3A_325 = vector.broadcast %and3A_324 : i32 to vector<16xi32>
      %and3A_326 = arith.andi %add3A_323, %and3A_325 : vector<16xi32>
      %gather3A_327 = tpu.vector_load_idx %arg11[%and3A_326] : memref<64xf32, #tpu.memory_space<vmem>>[vector<16xi32>], vector<16xf32>,
      %gather3A_328 = tpu.vector_load_idx %arg10[%add3A_133, %and3A_326] : memref<512x64xf32, #tpu.memory_space<vmem>>[vector<16xi32>, vector<16xi32>], vector<16xf32>,
      %mul3A_329 = arith.mulf %gather3A_327, %gather3A_328 : vector<16xf32>
      %add3A_330 = arith.addf %add3A_317, %mul3A_329 : vector<16xf32>
      %gather3A_331 = tpu.vector_load_idx %arg10[%add3A_137, %and3A_326] : memref<512x64xf32, #tpu.memory_space<vmem>>[vector<16xi32>, vector<16xi32>], vector<16xf32>,
      %mul3A_332 = arith.mulf %gather3A_327, %gather3A_331 : vector<16xf32>
      %add3A_333 = arith.addf %add3A_320, %mul3A_332 : vector<16xf32>
      %add3A_334 = arith.constant 15 : i32
      %add3A_335 = vector.broadcast %add3A_334 : i32 to vector<16xi32>
      %add3A_336 = arith.addi %iota3A, %add3A_335 : vector<16xi32>
      %and3A_337 = arith.constant 63 : i32
      %and3A_338 = vector.broadcast %and3A_337 : i32 to vector<16xi32>
      %and3A_339 = arith.andi %add3A_336, %and3A_338 : vector<16xi32>
      %gather3A_340 = tpu.vector_load_idx %arg11[%and3A_339] : memref<64xf32, #tpu.memory_space<vmem>>[vector<16xi32>], vector<16xf32>,
      %gather3A_341 = tpu.vector_load_idx %arg10[%add3A_133, %and3A_339] : memref<512x64xf32, #tpu.memory_space<vmem>>[vector<16xi32>, vector<16xi32>], vector<16xf32>,
      %mul3A_342 = arith.mulf %gather3A_340, %gather3A_341 : vector<16xf32>
      %add3A_343 = arith.addf %add3A_330, %mul3A_342 : vector<16xf32>
      %gather3A_344 = tpu.vector_load_idx %arg10[%add3A_137, %and3A_339] : memref<512x64xf32, #tpu.memory_space<vmem>>[vector<16xi32>, vector<16xi32>], vector<16xf32>,
      %mul3A_345 = arith.mulf %gather3A_340, %gather3A_344 : vector<16xf32>
      %add3A_346 = arith.addf %add3A_333, %mul3A_345 : vector<16xf32>
      %add3A_347 = arith.constant 16 : i32
      %add3A_348 = vector.broadcast %add3A_347 : i32 to vector<16xi32>
      %add3A_349 = arith.addi %iota3A, %add3A_348 : vector<16xi32>
      %and3A_350 = arith.constant 63 : i32
      %and3A_351 = vector.broadcast %and3A_350 : i32 to vector<16xi32>
      %and3A_352 = arith.andi %add3A_349, %and3A_351 : vector<16xi32>
      %gather3A_353 = tpu.vector_load_idx %arg11[%and3A_352] : memref<64xf32, #tpu.memory_space<vmem>>[vector<16xi32>], vector<16xf32>,
      %gather3A_354 = tpu.vector_load_idx %arg10[%add3A_133, %and3A_352] : memref<512x64xf32, #tpu.memory_space<vmem>>[vector<16xi32>, vector<16xi32>], vector<16xf32>,
      %mul3A_355 = arith.mulf %gather3A_353, %gather3A_354 : vector<16xf32>
      %add3A_356 = arith.addf %add3A_343, %mul3A_355 : vector<16xf32>
      %gather3A_357 = tpu.vector_load_idx %arg10[%add3A_137, %and3A_352] : memref<512x64xf32, #tpu.memory_space<vmem>>[vector<16xi32>, vector<16xi32>], vector<16xf32>,
      %mul3A_358 = arith.mulf %gather3A_353, %gather3A_357 : vector<16xf32>
      %add3A_359 = arith.addf %add3A_346, %mul3A_358 : vector<16xf32>
      %add3A_360 = arith.constant 17 : i32
      %add3A_361 = vector.broadcast %add3A_360 : i32 to vector<16xi32>
      %add3A_362 = arith.addi %iota3A, %add3A_361 : vector<16xi32>
      %and3A_363 = arith.constant 63 : i32
      %and3A_364 = vector.broadcast %and3A_363 : i32 to vector<16xi32>
      %and3A_365 = arith.andi %add3A_362, %and3A_364 : vector<16xi32>
      %gather3A_366 = tpu.vector_load_idx %arg11[%and3A_365] : memref<64xf32, #tpu.memory_space<vmem>>[vector<16xi32>], vector<16xf32>,
      %gather3A_367 = tpu.vector_load_idx %arg10[%add3A_133, %and3A_365] : memref<512x64xf32, #tpu.memory_space<vmem>>[vector<16xi32>, vector<16xi32>], vector<16xf32>,
      %mul3A_368 = arith.mulf %gather3A_366, %gather3A_367 : vector<16xf32>
      %add3A_369 = arith.addf %add3A_356, %mul3A_368 : vector<16xf32>
      %gather3A_370 = tpu.vector_load_idx %arg10[%add3A_137, %and3A_365] : memref<512x64xf32, #tpu.memory_space<vmem>>[vector<16xi32>, vector<16xi32>], vector<16xf32>,
      %mul3A_371 = arith.mulf %gather3A_366, %gather3A_370 : vector<16xf32>
      %add3A_372 = arith.addf %add3A_359, %mul3A_371 : vector<16xf32>
      %add3A_373 = arith.constant 18 : i32
      %add3A_374 = vector.broadcast %add3A_373 : i32 to vector<16xi32>
      %add3A_375 = arith.addi %iota3A, %add3A_374 : vector<16xi32>
      %and3A_376 = arith.constant 63 : i32
      %and3A_377 = vector.broadcast %and3A_376 : i32 to vector<16xi32>
      %and3A_378 = arith.andi %add3A_375, %and3A_377 : vector<16xi32>
      %gather3A_379 = tpu.vector_load_idx %arg11[%and3A_378] : memref<64xf32, #tpu.memory_space<vmem>>[vector<16xi32>], vector<16xf32>,
      %gather3A_380 = tpu.vector_load_idx %arg10[%add3A_133, %and3A_378] : memref<512x64xf32, #tpu.memory_space<vmem>>[vector<16xi32>, vector<16xi32>], vector<16xf32>,
      %mul3A_381 = arith.mulf %gather3A_379, %gather3A_380 : vector<16xf32>
      %add3A_382 = arith.addf %add3A_369, %mul3A_381 : vector<16xf32>
      %gather3A_383 = tpu.vector_load_idx %arg10[%add3A_137, %and3A_378] : memref<512x64xf32, #tpu.memory_space<vmem>>[vector<16xi32>, vector<16xi32>], vector<16xf32>,
      %mul3A_384 = arith.mulf %gather3A_379, %gather3A_383 : vector<16xf32>
      %add3A_385 = arith.addf %add3A_372, %mul3A_384 : vector<16xf32>
      %add3A_386 = arith.constant 19 : i32
      %add3A_387 = vector.broadcast %add3A_386 : i32 to vector<16xi32>
      %add3A_388 = arith.addi %iota3A, %add3A_387 : vector<16xi32>
      %and3A_389 = arith.constant 63 : i32
      %and3A_390 = vector.broadcast %and3A_389 : i32 to vector<16xi32>
      %and3A_391 = arith.andi %add3A_388, %and3A_390 : vector<16xi32>
      %gather3A_392 = tpu.vector_load_idx %arg11[%and3A_391] : memref<64xf32, #tpu.memory_space<vmem>>[vector<16xi32>], vector<16xf32>,
      %gather3A_393 = tpu.vector_load_idx %arg10[%add3A_133, %and3A_391] : memref<512x64xf32, #tpu.memory_space<vmem>>[vector<16xi32>, vector<16xi32>], vector<16xf32>,
      %mul3A_394 = arith.mulf %gather3A_392, %gather3A_393 : vector<16xf32>
      %add3A_395 = arith.addf %add3A_382, %mul3A_394 : vector<16xf32>
      %gather3A_396 = tpu.vector_load_idx %arg10[%add3A_137, %and3A_391] : memref<512x64xf32, #tpu.memory_space<vmem>>[vector<16xi32>, vector<16xi32>], vector<16xf32>,
      %mul3A_397 = arith.mulf %gather3A_392, %gather3A_396 : vector<16xf32>
      %add3A_398 = arith.addf %add3A_385, %mul3A_397 : vector<16xf32>
      %add3A_399 = arith.constant 20 : i32
      %add3A_400 = vector.broadcast %add3A_399 : i32 to vector<16xi32>
      %add3A_401 = arith.addi %iota3A, %add3A_400 : vector<16xi32>
      %and3A_402 = arith.constant 63 : i32
      %and3A_403 = vector.broadcast %and3A_402 : i32 to vector<16xi32>
      %and3A_404 = arith.andi %add3A_401, %and3A_403 : vector<16xi32>
      %gather3A_405 = tpu.vector_load_idx %arg11[%and3A_404] : memref<64xf32, #tpu.memory_space<vmem>>[vector<16xi32>], vector<16xf32>,
      %gather3A_406 = tpu.vector_load_idx %arg10[%add3A_133, %and3A_404] : memref<512x64xf32, #tpu.memory_space<vmem>>[vector<16xi32>, vector<16xi32>], vector<16xf32>,
      %mul3A_407 = arith.mulf %gather3A_405, %gather3A_406 : vector<16xf32>
      %add3A_408 = arith.addf %add3A_395, %mul3A_407 : vector<16xf32>
      %gather3A_409 = tpu.vector_load_idx %arg10[%add3A_137, %and3A_404] : memref<512x64xf32, #tpu.memory_space<vmem>>[vector<16xi32>, vector<16xi32>], vector<16xf32>,
      %mul3A_410 = arith.mulf %gather3A_405, %gather3A_409 : vector<16xf32>
      %add3A_411 = arith.addf %add3A_398, %mul3A_410 : vector<16xf32>
      %add3A_412 = arith.constant 21 : i32
      %add3A_413 = vector.broadcast %add3A_412 : i32 to vector<16xi32>
      %add3A_414 = arith.addi %iota3A, %add3A_413 : vector<16xi32>
      %and3A_415 = arith.constant 63 : i32
      %and3A_416 = vector.broadcast %and3A_415 : i32 to vector<16xi32>
      %and3A_417 = arith.andi %add3A_414, %and3A_416 : vector<16xi32>
      %gather3A_418 = tpu.vector_load_idx %arg11[%and3A_417] : memref<64xf32, #tpu.memory_space<vmem>>[vector<16xi32>], vector<16xf32>,
      %gather3A_419 = tpu.vector_load_idx %arg10[%add3A_133, %and3A_417] : memref<512x64xf32, #tpu.memory_space<vmem>>[vector<16xi32>, vector<16xi32>], vector<16xf32>,
      %mul3A_420 = arith.mulf %gather3A_418, %gather3A_419 : vector<16xf32>
      %add3A_421 = arith.addf %add3A_408, %mul3A_420 : vector<16xf32>
      %gather3A_422 = tpu.vector_load_idx %arg10[%add3A_137, %and3A_417] : memref<512x64xf32, #tpu.memory_space<vmem>>[vector<16xi32>, vector<16xi32>], vector<16xf32>,
      %mul3A_423 = arith.mulf %gather3A_418, %gather3A_422 : vector<16xf32>
      %add3A_424 = arith.addf %add3A_411, %mul3A_423 : vector<16xf32>
      %add3A_425 = arith.constant 22 : i32
      %add3A_426 = vector.broadcast %add3A_425 : i32 to vector<16xi32>
      %add3A_427 = arith.addi %iota3A, %add3A_426 : vector<16xi32>
      %and3A_428 = arith.constant 63 : i32
      %and3A_429 = vector.broadcast %and3A_428 : i32 to vector<16xi32>
      %and3A_430 = arith.andi %add3A_427, %and3A_429 : vector<16xi32>
      %gather3A_431 = tpu.vector_load_idx %arg11[%and3A_430] : memref<64xf32, #tpu.memory_space<vmem>>[vector<16xi32>], vector<16xf32>,
      %gather3A_432 = tpu.vector_load_idx %arg10[%add3A_133, %and3A_430] : memref<512x64xf32, #tpu.memory_space<vmem>>[vector<16xi32>, vector<16xi32>], vector<16xf32>,
      %mul3A_433 = arith.mulf %gather3A_431, %gather3A_432 : vector<16xf32>
      %add3A_434 = arith.addf %add3A_421, %mul3A_433 : vector<16xf32>
      %gather3A_435 = tpu.vector_load_idx %arg10[%add3A_137, %and3A_430] : memref<512x64xf32, #tpu.memory_space<vmem>>[vector<16xi32>, vector<16xi32>], vector<16xf32>,
      %mul3A_436 = arith.mulf %gather3A_431, %gather3A_435 : vector<16xf32>
      %add3A_437 = arith.addf %add3A_424, %mul3A_436 : vector<16xf32>
      %add3A_438 = arith.constant 23 : i32
      %add3A_439 = vector.broadcast %add3A_438 : i32 to vector<16xi32>
      %add3A_440 = arith.addi %iota3A, %add3A_439 : vector<16xi32>
      %and3A_441 = arith.constant 63 : i32
      %and3A_442 = vector.broadcast %and3A_441 : i32 to vector<16xi32>
      %and3A_443 = arith.andi %add3A_440, %and3A_442 : vector<16xi32>
      %gather3A_444 = tpu.vector_load_idx %arg11[%and3A_443] : memref<64xf32, #tpu.memory_space<vmem>>[vector<16xi32>], vector<16xf32>,
      %gather3A_445 = tpu.vector_load_idx %arg10[%add3A_133, %and3A_443] : memref<512x64xf32, #tpu.memory_space<vmem>>[vector<16xi32>, vector<16xi32>], vector<16xf32>,
      %mul3A_446 = arith.mulf %gather3A_444, %gather3A_445 : vector<16xf32>
      %add3A_447 = arith.addf %add3A_434, %mul3A_446 : vector<16xf32>
      %gather3A_448 = tpu.vector_load_idx %arg10[%add3A_137, %and3A_443] : memref<512x64xf32, #tpu.memory_space<vmem>>[vector<16xi32>, vector<16xi32>], vector<16xf32>,
      %mul3A_449 = arith.mulf %gather3A_444, %gather3A_448 : vector<16xf32>
      %add3A_450 = arith.addf %add3A_437, %mul3A_449 : vector<16xf32>
      %add3A_451 = arith.constant 24 : i32
      %add3A_452 = vector.broadcast %add3A_451 : i32 to vector<16xi32>
      %add3A_453 = arith.addi %iota3A, %add3A_452 : vector<16xi32>
      %and3A_454 = arith.constant 63 : i32
      %and3A_455 = vector.broadcast %and3A_454 : i32 to vector<16xi32>
      %and3A_456 = arith.andi %add3A_453, %and3A_455 : vector<16xi32>
      %gather3A_457 = tpu.vector_load_idx %arg11[%and3A_456] : memref<64xf32, #tpu.memory_space<vmem>>[vector<16xi32>], vector<16xf32>,
      %gather3A_458 = tpu.vector_load_idx %arg10[%add3A_133, %and3A_456] : memref<512x64xf32, #tpu.memory_space<vmem>>[vector<16xi32>, vector<16xi32>], vector<16xf32>,
      %mul3A_459 = arith.mulf %gather3A_457, %gather3A_458 : vector<16xf32>
      %add3A_460 = arith.addf %add3A_447, %mul3A_459 : vector<16xf32>
      %gather3A_461 = tpu.vector_load_idx %arg10[%add3A_137, %and3A_456] : memref<512x64xf32, #tpu.memory_space<vmem>>[vector<16xi32>, vector<16xi32>], vector<16xf32>,
      %mul3A_462 = arith.mulf %gather3A_457, %gather3A_461 : vector<16xf32>
      %add3A_463 = arith.addf %add3A_450, %mul3A_462 : vector<16xf32>
      %add3A_464 = arith.constant 25 : i32
      %add3A_465 = vector.broadcast %add3A_464 : i32 to vector<16xi32>
      %add3A_466 = arith.addi %iota3A, %add3A_465 : vector<16xi32>
      %and3A_467 = arith.constant 63 : i32
      %and3A_468 = vector.broadcast %and3A_467 : i32 to vector<16xi32>
      %and3A_469 = arith.andi %add3A_466, %and3A_468 : vector<16xi32>
      %gather3A_470 = tpu.vector_load_idx %arg11[%and3A_469] : memref<64xf32, #tpu.memory_space<vmem>>[vector<16xi32>], vector<16xf32>,
      %gather3A_471 = tpu.vector_load_idx %arg10[%add3A_133, %and3A_469] : memref<512x64xf32, #tpu.memory_space<vmem>>[vector<16xi32>, vector<16xi32>], vector<16xf32>,
      %mul3A_472 = arith.mulf %gather3A_470, %gather3A_471 : vector<16xf32>
      %add3A_473 = arith.addf %add3A_460, %mul3A_472 : vector<16xf32>
      %gather3A_474 = tpu.vector_load_idx %arg10[%add3A_137, %and3A_469] : memref<512x64xf32, #tpu.memory_space<vmem>>[vector<16xi32>, vector<16xi32>], vector<16xf32>,
      %mul3A_475 = arith.mulf %gather3A_470, %gather3A_474 : vector<16xf32>
      %add3A_476 = arith.addf %add3A_463, %mul3A_475 : vector<16xf32>
      %add3A_477 = arith.constant 26 : i32
      %add3A_478 = vector.broadcast %add3A_477 : i32 to vector<16xi32>
      %add3A_479 = arith.addi %iota3A, %add3A_478 : vector<16xi32>
      %and3A_480 = arith.constant 63 : i32
      %and3A_481 = vector.broadcast %and3A_480 : i32 to vector<16xi32>
      %and3A_482 = arith.andi %add3A_479, %and3A_481 : vector<16xi32>
      %gather3A_483 = tpu.vector_load_idx %arg11[%and3A_482] : memref<64xf32, #tpu.memory_space<vmem>>[vector<16xi32>], vector<16xf32>,
      %gather3A_484 = tpu.vector_load_idx %arg10[%add3A_133, %and3A_482] : memref<512x64xf32, #tpu.memory_space<vmem>>[vector<16xi32>, vector<16xi32>], vector<16xf32>,
      %mul3A_485 = arith.mulf %gather3A_483, %gather3A_484 : vector<16xf32>
      %add3A_486 = arith.addf %add3A_473, %mul3A_485 : vector<16xf32>
      %gather3A_487 = tpu.vector_load_idx %arg10[%add3A_137, %and3A_482] : memref<512x64xf32, #tpu.memory_space<vmem>>[vector<16xi32>, vector<16xi32>], vector<16xf32>,
      %mul3A_488 = arith.mulf %gather3A_483, %gather3A_487 : vector<16xf32>
      %add3A_489 = arith.addf %add3A_476, %mul3A_488 : vector<16xf32>
      %add3A_490 = arith.constant 27 : i32
      %add3A_491 = vector.broadcast %add3A_490 : i32 to vector<16xi32>
      %add3A_492 = arith.addi %iota3A, %add3A_491 : vector<16xi32>
      %and3A_493 = arith.constant 63 : i32
      %and3A_494 = vector.broadcast %and3A_493 : i32 to vector<16xi32>
      %and3A_495 = arith.andi %add3A_492, %and3A_494 : vector<16xi32>
      %gather3A_496 = tpu.vector_load_idx %arg11[%and3A_495] : memref<64xf32, #tpu.memory_space<vmem>>[vector<16xi32>], vector<16xf32>,
      %gather3A_497 = tpu.vector_load_idx %arg10[%add3A_133, %and3A_495] : memref<512x64xf32, #tpu.memory_space<vmem>>[vector<16xi32>, vector<16xi32>], vector<16xf32>,
      %mul3A_498 = arith.mulf %gather3A_496, %gather3A_497 : vector<16xf32>
      %add3A_499 = arith.addf %add3A_486, %mul3A_498 : vector<16xf32>
      %gather3A_500 = tpu.vector_load_idx %arg10[%add3A_137, %and3A_495] : memref<512x64xf32, #tpu.memory_space<vmem>>[vector<16xi32>, vector<16xi32>], vector<16xf32>,
      %mul3A_501 = arith.mulf %gather3A_496, %gather3A_500 : vector<16xf32>
      %add3A_502 = arith.addf %add3A_489, %mul3A_501 : vector<16xf32>
      %add3A_503 = arith.constant 28 : i32
      %add3A_504 = vector.broadcast %add3A_503 : i32 to vector<16xi32>
      %add3A_505 = arith.addi %iota3A, %add3A_504 : vector<16xi32>
      %and3A_506 = arith.constant 63 : i32
      %and3A_507 = vector.broadcast %and3A_506 : i32 to vector<16xi32>
      %and3A_508 = arith.andi %add3A_505, %and3A_507 : vector<16xi32>
      %gather3A_509 = tpu.vector_load_idx %arg11[%and3A_508] : memref<64xf32, #tpu.memory_space<vmem>>[vector<16xi32>], vector<16xf32>,
      %gather3A_510 = tpu.vector_load_idx %arg10[%add3A_133, %and3A_508] : memref<512x64xf32, #tpu.memory_space<vmem>>[vector<16xi32>, vector<16xi32>], vector<16xf32>,
      %mul3A_511 = arith.mulf %gather3A_509, %gather3A_510 : vector<16xf32>
      %add3A_512 = arith.addf %add3A_499, %mul3A_511 : vector<16xf32>
      %gather3A_513 = tpu.vector_load_idx %arg10[%add3A_137, %and3A_508] : memref<512x64xf32, #tpu.memory_space<vmem>>[vector<16xi32>, vector<16xi32>], vector<16xf32>,
      %mul3A_514 = arith.mulf %gather3A_509, %gather3A_513 : vector<16xf32>
      %add3A_515 = arith.addf %add3A_502, %mul3A_514 : vector<16xf32>
      %add3A_516 = arith.constant 29 : i32
      %add3A_517 = vector.broadcast %add3A_516 : i32 to vector<16xi32>
      %add3A_518 = arith.addi %iota3A, %add3A_517 : vector<16xi32>
      %and3A_519 = arith.constant 63 : i32
      %and3A_520 = vector.broadcast %and3A_519 : i32 to vector<16xi32>
      %and3A_521 = arith.andi %add3A_518, %and3A_520 : vector<16xi32>
      %gather3A_522 = tpu.vector_load_idx %arg11[%and3A_521] : memref<64xf32, #tpu.memory_space<vmem>>[vector<16xi32>], vector<16xf32>,
      %gather3A_523 = tpu.vector_load_idx %arg10[%add3A_133, %and3A_521] : memref<512x64xf32, #tpu.memory_space<vmem>>[vector<16xi32>, vector<16xi32>], vector<16xf32>,
      %mul3A_524 = arith.mulf %gather3A_522, %gather3A_523 : vector<16xf32>
      %add3A_525 = arith.addf %add3A_512, %mul3A_524 : vector<16xf32>
      %gather3A_526 = tpu.vector_load_idx %arg10[%add3A_137, %and3A_521] : memref<512x64xf32, #tpu.memory_space<vmem>>[vector<16xi32>, vector<16xi32>], vector<16xf32>,
      %mul3A_527 = arith.mulf %gather3A_522, %gather3A_526 : vector<16xf32>
      %add3A_528 = arith.addf %add3A_515, %mul3A_527 : vector<16xf32>
      %add3A_529 = arith.constant 30 : i32
      %add3A_530 = vector.broadcast %add3A_529 : i32 to vector<16xi32>
      %add3A_531 = arith.addi %iota3A, %add3A_530 : vector<16xi32>
      %and3A_532 = arith.constant 63 : i32
      %and3A_533 = vector.broadcast %and3A_532 : i32 to vector<16xi32>
      %and3A_534 = arith.andi %add3A_531, %and3A_533 : vector<16xi32>
      %gather3A_535 = tpu.vector_load_idx %arg11[%and3A_534] : memref<64xf32, #tpu.memory_space<vmem>>[vector<16xi32>], vector<16xf32>,
      %gather3A_536 = tpu.vector_load_idx %arg10[%add3A_133, %and3A_534] : memref<512x64xf32, #tpu.memory_space<vmem>>[vector<16xi32>, vector<16xi32>], vector<16xf32>,
      %mul3A_537 = arith.mulf %gather3A_535, %gather3A_536 : vector<16xf32>
      %add3A_538 = arith.addf %add3A_525, %mul3A_537 : vector<16xf32>
      %gather3A_539 = tpu.vector_load_idx %arg10[%add3A_137, %and3A_534] : memref<512x64xf32, #tpu.memory_space<vmem>>[vector<16xi32>, vector<16xi32>], vector<16xf32>,
      %mul3A_540 = arith.mulf %gather3A_535, %gather3A_539 : vector<16xf32>
      %add3A_541 = arith.addf %add3A_528, %mul3A_540 : vector<16xf32>
      %add3A_542 = arith.constant 31 : i32
      %add3A_543 = vector.broadcast %add3A_542 : i32 to vector<16xi32>
      %add3A_544 = arith.addi %iota3A, %add3A_543 : vector<16xi32>
      %and3A_545 = arith.constant 63 : i32
      %and3A_546 = vector.broadcast %and3A_545 : i32 to vector<16xi32>
      %and3A_547 = arith.andi %add3A_544, %and3A_546 : vector<16xi32>
      %gather3A_548 = tpu.vector_load_idx %arg11[%and3A_547] : memref<64xf32, #tpu.memory_space<vmem>>[vector<16xi32>], vector<16xf32>,
      %gather3A_549 = tpu.vector_load_idx %arg10[%add3A_133, %and3A_547] : memref<512x64xf32, #tpu.memory_space<vmem>>[vector<16xi32>, vector<16xi32>], vector<16xf32>,
      %mul3A_550 = arith.mulf %gather3A_548, %gather3A_549 : vector<16xf32>
      %add3A_551 = arith.addf %add3A_538, %mul3A_550 : vector<16xf32>
      %gather3A_552 = tpu.vector_load_idx %arg10[%add3A_137, %and3A_547] : memref<512x64xf32, #tpu.memory_space<vmem>>[vector<16xi32>, vector<16xi32>], vector<16xf32>,
      %mul3A_553 = arith.mulf %gather3A_548, %gather3A_552 : vector<16xf32>
      %add3A_554 = arith.addf %add3A_541, %mul3A_553 : vector<16xf32>
      %add3A_555 = arith.constant 32 : i32
      %add3A_556 = vector.broadcast %add3A_555 : i32 to vector<16xi32>
      %add3A_557 = arith.addi %iota3A, %add3A_556 : vector<16xi32>
      %and3A_558 = arith.constant 63 : i32
      %and3A_559 = vector.broadcast %and3A_558 : i32 to vector<16xi32>
      %and3A_560 = arith.andi %add3A_557, %and3A_559 : vector<16xi32>
      %gather3A_561 = tpu.vector_load_idx %arg11[%and3A_560] : memref<64xf32, #tpu.memory_space<vmem>>[vector<16xi32>], vector<16xf32>,
      %gather3A_562 = tpu.vector_load_idx %arg10[%add3A_133, %and3A_560] : memref<512x64xf32, #tpu.memory_space<vmem>>[vector<16xi32>, vector<16xi32>], vector<16xf32>,
      %mul3A_563 = arith.mulf %gather3A_561, %gather3A_562 : vector<16xf32>
      %add3A_564 = arith.addf %add3A_551, %mul3A_563 : vector<16xf32>
      %gather3A_565 = tpu.vector_load_idx %arg10[%add3A_137, %and3A_560] : memref<512x64xf32, #tpu.memory_space<vmem>>[vector<16xi32>, vector<16xi32>], vector<16xf32>,
      %mul3A_566 = arith.mulf %gather3A_561, %gather3A_565 : vector<16xf32>
      %add3A_567 = arith.addf %add3A_554, %mul3A_566 : vector<16xf32>
      %add3A_568 = arith.constant 33 : i32
      %add3A_569 = vector.broadcast %add3A_568 : i32 to vector<16xi32>
      %add3A_570 = arith.addi %iota3A, %add3A_569 : vector<16xi32>
      %and3A_571 = arith.constant 63 : i32
      %and3A_572 = vector.broadcast %and3A_571 : i32 to vector<16xi32>
      %and3A_573 = arith.andi %add3A_570, %and3A_572 : vector<16xi32>
      %gather3A_574 = tpu.vector_load_idx %arg11[%and3A_573] : memref<64xf32, #tpu.memory_space<vmem>>[vector<16xi32>], vector<16xf32>,
      %gather3A_575 = tpu.vector_load_idx %arg10[%add3A_133, %and3A_573] : memref<512x64xf32, #tpu.memory_space<vmem>>[vector<16xi32>, vector<16xi32>], vector<16xf32>,
      %mul3A_576 = arith.mulf %gather3A_574, %gather3A_575 : vector<16xf32>
      %add3A_577 = arith.addf %add3A_564, %mul3A_576 : vector<16xf32>
      %gather3A_578 = tpu.vector_load_idx %arg10[%add3A_137, %and3A_573] : memref<512x64xf32, #tpu.memory_space<vmem>>[vector<16xi32>, vector<16xi32>], vector<16xf32>,
      %mul3A_579 = arith.mulf %gather3A_574, %gather3A_578 : vector<16xf32>
      %add3A_580 = arith.addf %add3A_567, %mul3A_579 : vector<16xf32>
      %add3A_581 = arith.constant 34 : i32
      %add3A_582 = vector.broadcast %add3A_581 : i32 to vector<16xi32>
      %add3A_583 = arith.addi %iota3A, %add3A_582 : vector<16xi32>
      %and3A_584 = arith.constant 63 : i32
      %and3A_585 = vector.broadcast %and3A_584 : i32 to vector<16xi32>
      %and3A_586 = arith.andi %add3A_583, %and3A_585 : vector<16xi32>
      %gather3A_587 = tpu.vector_load_idx %arg11[%and3A_586] : memref<64xf32, #tpu.memory_space<vmem>>[vector<16xi32>], vector<16xf32>,
      %gather3A_588 = tpu.vector_load_idx %arg10[%add3A_133, %and3A_586] : memref<512x64xf32, #tpu.memory_space<vmem>>[vector<16xi32>, vector<16xi32>], vector<16xf32>,
      %mul3A_589 = arith.mulf %gather3A_587, %gather3A_588 : vector<16xf32>
      %add3A_590 = arith.addf %add3A_577, %mul3A_589 : vector<16xf32>
      %gather3A_591 = tpu.vector_load_idx %arg10[%add3A_137, %and3A_586] : memref<512x64xf32, #tpu.memory_space<vmem>>[vector<16xi32>, vector<16xi32>], vector<16xf32>,
      %mul3A_592 = arith.mulf %gather3A_587, %gather3A_591 : vector<16xf32>
      %add3A_593 = arith.addf %add3A_580, %mul3A_592 : vector<16xf32>
      %add3A_594 = arith.constant 35 : i32
      %add3A_595 = vector.broadcast %add3A_594 : i32 to vector<16xi32>
      %add3A_596 = arith.addi %iota3A, %add3A_595 : vector<16xi32>
      %and3A_597 = arith.constant 63 : i32
      %and3A_598 = vector.broadcast %and3A_597 : i32 to vector<16xi32>
      %and3A_599 = arith.andi %add3A_596, %and3A_598 : vector<16xi32>
      %gather3A_600 = tpu.vector_load_idx %arg11[%and3A_599] : memref<64xf32, #tpu.memory_space<vmem>>[vector<16xi32>], vector<16xf32>,
      %gather3A_601 = tpu.vector_load_idx %arg10[%add3A_133, %and3A_599] : memref<512x64xf32, #tpu.memory_space<vmem>>[vector<16xi32>, vector<16xi32>], vector<16xf32>,
      %mul3A_602 = arith.mulf %gather3A_600, %gather3A_601 : vector<16xf32>
      %add3A_603 = arith.addf %add3A_590, %mul3A_602 : vector<16xf32>
      %gather3A_604 = tpu.vector_load_idx %arg10[%add3A_137, %and3A_599] : memref<512x64xf32, #tpu.memory_space<vmem>>[vector<16xi32>, vector<16xi32>], vector<16xf32>,
      %mul3A_605 = arith.mulf %gather3A_600, %gather3A_604 : vector<16xf32>
      %add3A_606 = arith.addf %add3A_593, %mul3A_605 : vector<16xf32>
      %add3A_607 = arith.constant 36 : i32
      %add3A_608 = vector.broadcast %add3A_607 : i32 to vector<16xi32>
      %add3A_609 = arith.addi %iota3A, %add3A_608 : vector<16xi32>
      %and3A_610 = arith.constant 63 : i32
      %and3A_611 = vector.broadcast %and3A_610 : i32 to vector<16xi32>
      %and3A_612 = arith.andi %add3A_609, %and3A_611 : vector<16xi32>
      %gather3A_613 = tpu.vector_load_idx %arg11[%and3A_612] : memref<64xf32, #tpu.memory_space<vmem>>[vector<16xi32>], vector<16xf32>,
      %gather3A_614 = tpu.vector_load_idx %arg10[%add3A_133, %and3A_612] : memref<512x64xf32, #tpu.memory_space<vmem>>[vector<16xi32>, vector<16xi32>], vector<16xf32>,
      %mul3A_615 = arith.mulf %gather3A_613, %gather3A_614 : vector<16xf32>
      %add3A_616 = arith.addf %add3A_603, %mul3A_615 : vector<16xf32>
      %gather3A_617 = tpu.vector_load_idx %arg10[%add3A_137, %and3A_612] : memref<512x64xf32, #tpu.memory_space<vmem>>[vector<16xi32>, vector<16xi32>], vector<16xf32>,
      %mul3A_618 = arith.mulf %gather3A_613, %gather3A_617 : vector<16xf32>
      %add3A_619 = arith.addf %add3A_606, %mul3A_618 : vector<16xf32>
      %add3A_620 = arith.constant 37 : i32
      %add3A_621 = vector.broadcast %add3A_620 : i32 to vector<16xi32>
      %add3A_622 = arith.addi %iota3A, %add3A_621 : vector<16xi32>
      %and3A_623 = arith.constant 63 : i32
      %and3A_624 = vector.broadcast %and3A_623 : i32 to vector<16xi32>
      %and3A_625 = arith.andi %add3A_622, %and3A_624 : vector<16xi32>
      %gather3A_626 = tpu.vector_load_idx %arg11[%and3A_625] : memref<64xf32, #tpu.memory_space<vmem>>[vector<16xi32>], vector<16xf32>,
      %gather3A_627 = tpu.vector_load_idx %arg10[%add3A_133, %and3A_625] : memref<512x64xf32, #tpu.memory_space<vmem>>[vector<16xi32>, vector<16xi32>], vector<16xf32>,
      %mul3A_628 = arith.mulf %gather3A_626, %gather3A_627 : vector<16xf32>
      %add3A_629 = arith.addf %add3A_616, %mul3A_628 : vector<16xf32>
      %gather3A_630 = tpu.vector_load_idx %arg10[%add3A_137, %and3A_625] : memref<512x64xf32, #tpu.memory_space<vmem>>[vector<16xi32>, vector<16xi32>], vector<16xf32>,
      %mul3A_631 = arith.mulf %gather3A_626, %gather3A_630 : vector<16xf32>
      %add3A_632 = arith.addf %add3A_619, %mul3A_631 : vector<16xf32>
      %add3A_633 = arith.constant 38 : i32
      %add3A_634 = vector.broadcast %add3A_633 : i32 to vector<16xi32>
      %add3A_635 = arith.addi %iota3A, %add3A_634 : vector<16xi32>
      %and3A_636 = arith.constant 63 : i32
      %and3A_637 = vector.broadcast %and3A_636 : i32 to vector<16xi32>
      %and3A_638 = arith.andi %add3A_635, %and3A_637 : vector<16xi32>
      %gather3A_639 = tpu.vector_load_idx %arg11[%and3A_638] : memref<64xf32, #tpu.memory_space<vmem>>[vector<16xi32>], vector<16xf32>,
      %gather3A_640 = tpu.vector_load_idx %arg10[%add3A_133, %and3A_638] : memref<512x64xf32, #tpu.memory_space<vmem>>[vector<16xi32>, vector<16xi32>], vector<16xf32>,
      %mul3A_641 = arith.mulf %gather3A_639, %gather3A_640 : vector<16xf32>
      %add3A_642 = arith.addf %add3A_629, %mul3A_641 : vector<16xf32>
      %gather3A_643 = tpu.vector_load_idx %arg10[%add3A_137, %and3A_638] : memref<512x64xf32, #tpu.memory_space<vmem>>[vector<16xi32>, vector<16xi32>], vector<16xf32>,
      %mul3A_644 = arith.mulf %gather3A_639, %gather3A_643 : vector<16xf32>
      %add3A_645 = arith.addf %add3A_632, %mul3A_644 : vector<16xf32>
      %add3A_646 = arith.constant 39 : i32
      %add3A_647 = vector.broadcast %add3A_646 : i32 to vector<16xi32>
      %add3A_648 = arith.addi %iota3A, %add3A_647 : vector<16xi32>
      %and3A_649 = arith.constant 63 : i32
      %and3A_650 = vector.broadcast %and3A_649 : i32 to vector<16xi32>
      %and3A_651 = arith.andi %add3A_648, %and3A_650 : vector<16xi32>
      %gather3A_652 = tpu.vector_load_idx %arg11[%and3A_651] : memref<64xf32, #tpu.memory_space<vmem>>[vector<16xi32>], vector<16xf32>,
      %gather3A_653 = tpu.vector_load_idx %arg10[%add3A_133, %and3A_651] : memref<512x64xf32, #tpu.memory_space<vmem>>[vector<16xi32>, vector<16xi32>], vector<16xf32>,
      %mul3A_654 = arith.mulf %gather3A_652, %gather3A_653 : vector<16xf32>
      %add3A_655 = arith.addf %add3A_642, %mul3A_654 : vector<16xf32>
      %gather3A_656 = tpu.vector_load_idx %arg10[%add3A_137, %and3A_651] : memref<512x64xf32, #tpu.memory_space<vmem>>[vector<16xi32>, vector<16xi32>], vector<16xf32>,
      %mul3A_657 = arith.mulf %gather3A_652, %gather3A_656 : vector<16xf32>
      %add3A_658 = arith.addf %add3A_645, %mul3A_657 : vector<16xf32>
      %add3A_659 = arith.constant 40 : i32
      %add3A_660 = vector.broadcast %add3A_659 : i32 to vector<16xi32>
      %add3A_661 = arith.addi %iota3A, %add3A_660 : vector<16xi32>
      %and3A_662 = arith.constant 63 : i32
      %and3A_663 = vector.broadcast %and3A_662 : i32 to vector<16xi32>
      %and3A_664 = arith.andi %add3A_661, %and3A_663 : vector<16xi32>
      %gather3A_665 = tpu.vector_load_idx %arg11[%and3A_664] : memref<64xf32, #tpu.memory_space<vmem>>[vector<16xi32>], vector<16xf32>,
      %gather3A_666 = tpu.vector_load_idx %arg10[%add3A_133, %and3A_664] : memref<512x64xf32, #tpu.memory_space<vmem>>[vector<16xi32>, vector<16xi32>], vector<16xf32>,
      %mul3A_667 = arith.mulf %gather3A_665, %gather3A_666 : vector<16xf32>
      %add3A_668 = arith.addf %add3A_655, %mul3A_667 : vector<16xf32>
      %gather3A_669 = tpu.vector_load_idx %arg10[%add3A_137, %and3A_664] : memref<512x64xf32, #tpu.memory_space<vmem>>[vector<16xi32>, vector<16xi32>], vector<16xf32>,
      %mul3A_670 = arith.mulf %gather3A_665, %gather3A_669 : vector<16xf32>
      %add3A_671 = arith.addf %add3A_658, %mul3A_670 : vector<16xf32>
      %add3A_672 = arith.constant 41 : i32
      %add3A_673 = vector.broadcast %add3A_672 : i32 to vector<16xi32>
      %add3A_674 = arith.addi %iota3A, %add3A_673 : vector<16xi32>
      %and3A_675 = arith.constant 63 : i32
      %and3A_676 = vector.broadcast %and3A_675 : i32 to vector<16xi32>
      %and3A_677 = arith.andi %add3A_674, %and3A_676 : vector<16xi32>
      %gather3A_678 = tpu.vector_load_idx %arg11[%and3A_677] : memref<64xf32, #tpu.memory_space<vmem>>[vector<16xi32>], vector<16xf32>,
      %gather3A_679 = tpu.vector_load_idx %arg10[%add3A_133, %and3A_677] : memref<512x64xf32, #tpu.memory_space<vmem>>[vector<16xi32>, vector<16xi32>], vector<16xf32>,
      %mul3A_680 = arith.mulf %gather3A_678, %gather3A_679 : vector<16xf32>
      %add3A_681 = arith.addf %add3A_668, %mul3A_680 : vector<16xf32>
      %gather3A_682 = tpu.vector_load_idx %arg10[%add3A_137, %and3A_677] : memref<512x64xf32, #tpu.memory_space<vmem>>[vector<16xi32>, vector<16xi32>], vector<16xf32>,
      %mul3A_683 = arith.mulf %gather3A_678, %gather3A_682 : vector<16xf32>
      %add3A_684 = arith.addf %add3A_671, %mul3A_683 : vector<16xf32>
      %add3A_685 = arith.constant 42 : i32
      %add3A_686 = vector.broadcast %add3A_685 : i32 to vector<16xi32>
      %add3A_687 = arith.addi %iota3A, %add3A_686 : vector<16xi32>
      %and3A_688 = arith.constant 63 : i32
      %and3A_689 = vector.broadcast %and3A_688 : i32 to vector<16xi32>
      %and3A_690 = arith.andi %add3A_687, %and3A_689 : vector<16xi32>
      %gather3A_691 = tpu.vector_load_idx %arg11[%and3A_690] : memref<64xf32, #tpu.memory_space<vmem>>[vector<16xi32>], vector<16xf32>,
      %gather3A_692 = tpu.vector_load_idx %arg10[%add3A_133, %and3A_690] : memref<512x64xf32, #tpu.memory_space<vmem>>[vector<16xi32>, vector<16xi32>], vector<16xf32>,
      %mul3A_693 = arith.mulf %gather3A_691, %gather3A_692 : vector<16xf32>
      %add3A_694 = arith.addf %add3A_681, %mul3A_693 : vector<16xf32>
      %gather3A_695 = tpu.vector_load_idx %arg10[%add3A_137, %and3A_690] : memref<512x64xf32, #tpu.memory_space<vmem>>[vector<16xi32>, vector<16xi32>], vector<16xf32>,
      %mul3A_696 = arith.mulf %gather3A_691, %gather3A_695 : vector<16xf32>
      %add3A_697 = arith.addf %add3A_684, %mul3A_696 : vector<16xf32>
      %add3A_698 = arith.constant 43 : i32
      %add3A_699 = vector.broadcast %add3A_698 : i32 to vector<16xi32>
      %add3A_700 = arith.addi %iota3A, %add3A_699 : vector<16xi32>
      %and3A_701 = arith.constant 63 : i32
      %and3A_702 = vector.broadcast %and3A_701 : i32 to vector<16xi32>
      %and3A_703 = arith.andi %add3A_700, %and3A_702 : vector<16xi32>
      %gather3A_704 = tpu.vector_load_idx %arg11[%and3A_703] : memref<64xf32, #tpu.memory_space<vmem>>[vector<16xi32>], vector<16xf32>,
      %gather3A_705 = tpu.vector_load_idx %arg10[%add3A_133, %and3A_703] : memref<512x64xf32, #tpu.memory_space<vmem>>[vector<16xi32>, vector<16xi32>], vector<16xf32>,
      %mul3A_706 = arith.mulf %gather3A_704, %gather3A_705 : vector<16xf32>
      %add3A_707 = arith.addf %add3A_694, %mul3A_706 : vector<16xf32>
      %gather3A_708 = tpu.vector_load_idx %arg10[%add3A_137, %and3A_703] : memref<512x64xf32, #tpu.memory_space<vmem>>[vector<16xi32>, vector<16xi32>], vector<16xf32>,
      %mul3A_709 = arith.mulf %gather3A_704, %gather3A_708 : vector<16xf32>
      %add3A_710 = arith.addf %add3A_697, %mul3A_709 : vector<16xf32>
      %add3A_711 = arith.constant 44 : i32
      %add3A_712 = vector.broadcast %add3A_711 : i32 to vector<16xi32>
      %add3A_713 = arith.addi %iota3A, %add3A_712 : vector<16xi32>
      %and3A_714 = arith.constant 63 : i32
      %and3A_715 = vector.broadcast %and3A_714 : i32 to vector<16xi32>
      %and3A_716 = arith.andi %add3A_713, %and3A_715 : vector<16xi32>
      %gather3A_717 = tpu.vector_load_idx %arg11[%and3A_716] : memref<64xf32, #tpu.memory_space<vmem>>[vector<16xi32>], vector<16xf32>,
      %gather3A_718 = tpu.vector_load_idx %arg10[%add3A_133, %and3A_716] : memref<512x64xf32, #tpu.memory_space<vmem>>[vector<16xi32>, vector<16xi32>], vector<16xf32>,
      %mul3A_719 = arith.mulf %gather3A_717, %gather3A_718 : vector<16xf32>
      %add3A_720 = arith.addf %add3A_707, %mul3A_719 : vector<16xf32>
      %gather3A_721 = tpu.vector_load_idx %arg10[%add3A_137, %and3A_716] : memref<512x64xf32, #tpu.memory_space<vmem>>[vector<16xi32>, vector<16xi32>], vector<16xf32>,
      %mul3A_722 = arith.mulf %gather3A_717, %gather3A_721 : vector<16xf32>
      %add3A_723 = arith.addf %add3A_710, %mul3A_722 : vector<16xf32>
      %add3A_724 = arith.constant 45 : i32
      %add3A_725 = vector.broadcast %add3A_724 : i32 to vector<16xi32>
      %add3A_726 = arith.addi %iota3A, %add3A_725 : vector<16xi32>
      %and3A_727 = arith.constant 63 : i32
      %and3A_728 = vector.broadcast %and3A_727 : i32 to vector<16xi32>
      %and3A_729 = arith.andi %add3A_726, %and3A_728 : vector<16xi32>
      %gather3A_730 = tpu.vector_load_idx %arg11[%and3A_729] : memref<64xf32, #tpu.memory_space<vmem>>[vector<16xi32>], vector<16xf32>,
      %gather3A_731 = tpu.vector_load_idx %arg10[%add3A_133, %and3A_729] : memref<512x64xf32, #tpu.memory_space<vmem>>[vector<16xi32>, vector<16xi32>], vector<16xf32>,
      %mul3A_732 = arith.mulf %gather3A_730, %gather3A_731 : vector<16xf32>
      %add3A_733 = arith.addf %add3A_720, %mul3A_732 : vector<16xf32>
      %gather3A_734 = tpu.vector_load_idx %arg10[%add3A_137, %and3A_729] : memref<512x64xf32, #tpu.memory_space<vmem>>[vector<16xi32>, vector<16xi32>], vector<16xf32>,
      %mul3A_735 = arith.mulf %gather3A_730, %gather3A_734 : vector<16xf32>
      %add3A_736 = arith.addf %add3A_723, %mul3A_735 : vector<16xf32>
      %add3A_737 = arith.constant 46 : i32
      %add3A_738 = vector.broadcast %add3A_737 : i32 to vector<16xi32>
      %add3A_739 = arith.addi %iota3A, %add3A_738 : vector<16xi32>
      %and3A_740 = arith.constant 63 : i32
      %and3A_741 = vector.broadcast %and3A_740 : i32 to vector<16xi32>
      %and3A_742 = arith.andi %add3A_739, %and3A_741 : vector<16xi32>
      %gather3A_743 = tpu.vector_load_idx %arg11[%and3A_742] : memref<64xf32, #tpu.memory_space<vmem>>[vector<16xi32>], vector<16xf32>,
      %gather3A_744 = tpu.vector_load_idx %arg10[%add3A_133, %and3A_742] : memref<512x64xf32, #tpu.memory_space<vmem>>[vector<16xi32>, vector<16xi32>], vector<16xf32>,
      %mul3A_745 = arith.mulf %gather3A_743, %gather3A_744 : vector<16xf32>
      %add3A_746 = arith.addf %add3A_733, %mul3A_745 : vector<16xf32>
      %gather3A_747 = tpu.vector_load_idx %arg10[%add3A_137, %and3A_742] : memref<512x64xf32, #tpu.memory_space<vmem>>[vector<16xi32>, vector<16xi32>], vector<16xf32>,
      %mul3A_748 = arith.mulf %gather3A_743, %gather3A_747 : vector<16xf32>
      %add3A_749 = arith.addf %add3A_736, %mul3A_748 : vector<16xf32>
      %add3A_750 = arith.constant 47 : i32
      %add3A_751 = vector.broadcast %add3A_750 : i32 to vector<16xi32>
      %add3A_752 = arith.addi %iota3A, %add3A_751 : vector<16xi32>
      %and3A_753 = arith.constant 63 : i32
      %and3A_754 = vector.broadcast %and3A_753 : i32 to vector<16xi32>
      %and3A_755 = arith.andi %add3A_752, %and3A_754 : vector<16xi32>
      %gather3A_756 = tpu.vector_load_idx %arg11[%and3A_755] : memref<64xf32, #tpu.memory_space<vmem>>[vector<16xi32>], vector<16xf32>,
      %gather3A_757 = tpu.vector_load_idx %arg10[%add3A_133, %and3A_755] : memref<512x64xf32, #tpu.memory_space<vmem>>[vector<16xi32>, vector<16xi32>], vector<16xf32>,
      %mul3A_758 = arith.mulf %gather3A_756, %gather3A_757 : vector<16xf32>
      %add3A_759 = arith.addf %add3A_746, %mul3A_758 : vector<16xf32>
      %gather3A_760 = tpu.vector_load_idx %arg10[%add3A_137, %and3A_755] : memref<512x64xf32, #tpu.memory_space<vmem>>[vector<16xi32>, vector<16xi32>], vector<16xf32>,
      %mul3A_761 = arith.mulf %gather3A_756, %gather3A_760 : vector<16xf32>
      %add3A_762 = arith.addf %add3A_749, %mul3A_761 : vector<16xf32>
      %add3A_763 = arith.constant 48 : i32
      %add3A_764 = vector.broadcast %add3A_763 : i32 to vector<16xi32>
      %add3A_765 = arith.addi %iota3A, %add3A_764 : vector<16xi32>
      %and3A_766 = arith.constant 63 : i32
      %and3A_767 = vector.broadcast %and3A_766 : i32 to vector<16xi32>
      %and3A_768 = arith.andi %add3A_765, %and3A_767 : vector<16xi32>
      %gather3A_769 = tpu.vector_load_idx %arg11[%and3A_768] : memref<64xf32, #tpu.memory_space<vmem>>[vector<16xi32>], vector<16xf32>,
      %gather3A_770 = tpu.vector_load_idx %arg10[%add3A_133, %and3A_768] : memref<512x64xf32, #tpu.memory_space<vmem>>[vector<16xi32>, vector<16xi32>], vector<16xf32>,
      %mul3A_771 = arith.mulf %gather3A_769, %gather3A_770 : vector<16xf32>
      %add3A_772 = arith.addf %add3A_759, %mul3A_771 : vector<16xf32>
      %gather3A_773 = tpu.vector_load_idx %arg10[%add3A_137, %and3A_768] : memref<512x64xf32, #tpu.memory_space<vmem>>[vector<16xi32>, vector<16xi32>], vector<16xf32>,
      %mul3A_774 = arith.mulf %gather3A_769, %gather3A_773 : vector<16xf32>
      %add3A_775 = arith.addf %add3A_762, %mul3A_774 : vector<16xf32>
      %add3A_776 = arith.constant 49 : i32
      %add3A_777 = vector.broadcast %add3A_776 : i32 to vector<16xi32>
      %add3A_778 = arith.addi %iota3A, %add3A_777 : vector<16xi32>
      %and3A_779 = arith.constant 63 : i32
      %and3A_780 = vector.broadcast %and3A_779 : i32 to vector<16xi32>
      %and3A_781 = arith.andi %add3A_778, %and3A_780 : vector<16xi32>
      %gather3A_782 = tpu.vector_load_idx %arg11[%and3A_781] : memref<64xf32, #tpu.memory_space<vmem>>[vector<16xi32>], vector<16xf32>,
      %gather3A_783 = tpu.vector_load_idx %arg10[%add3A_133, %and3A_781] : memref<512x64xf32, #tpu.memory_space<vmem>>[vector<16xi32>, vector<16xi32>], vector<16xf32>,
      %mul3A_784 = arith.mulf %gather3A_782, %gather3A_783 : vector<16xf32>
      %add3A_785 = arith.addf %add3A_772, %mul3A_784 : vector<16xf32>
      %gather3A_786 = tpu.vector_load_idx %arg10[%add3A_137, %and3A_781] : memref<512x64xf32, #tpu.memory_space<vmem>>[vector<16xi32>, vector<16xi32>], vector<16xf32>,
      %mul3A_787 = arith.mulf %gather3A_782, %gather3A_786 : vector<16xf32>
      %add3A_788 = arith.addf %add3A_775, %mul3A_787 : vector<16xf32>
      %add3A_789 = arith.constant 50 : i32
      %add3A_790 = vector.broadcast %add3A_789 : i32 to vector<16xi32>
      %add3A_791 = arith.addi %iota3A, %add3A_790 : vector<16xi32>
      %and3A_792 = arith.constant 63 : i32
      %and3A_793 = vector.broadcast %and3A_792 : i32 to vector<16xi32>
      %and3A_794 = arith.andi %add3A_791, %and3A_793 : vector<16xi32>
      %gather3A_795 = tpu.vector_load_idx %arg11[%and3A_794] : memref<64xf32, #tpu.memory_space<vmem>>[vector<16xi32>], vector<16xf32>,
      %gather3A_796 = tpu.vector_load_idx %arg10[%add3A_133, %and3A_794] : memref<512x64xf32, #tpu.memory_space<vmem>>[vector<16xi32>, vector<16xi32>], vector<16xf32>,
      %mul3A_797 = arith.mulf %gather3A_795, %gather3A_796 : vector<16xf32>
      %add3A_798 = arith.addf %add3A_785, %mul3A_797 : vector<16xf32>
      %gather3A_799 = tpu.vector_load_idx %arg10[%add3A_137, %and3A_794] : memref<512x64xf32, #tpu.memory_space<vmem>>[vector<16xi32>, vector<16xi32>], vector<16xf32>,
      %mul3A_800 = arith.mulf %gather3A_795, %gather3A_799 : vector<16xf32>
      %add3A_801 = arith.addf %add3A_788, %mul3A_800 : vector<16xf32>
      %add3A_802 = arith.constant 51 : i32
      %add3A_803 = vector.broadcast %add3A_802 : i32 to vector<16xi32>
      %add3A_804 = arith.addi %iota3A, %add3A_803 : vector<16xi32>
      %and3A_805 = arith.constant 63 : i32
      %and3A_806 = vector.broadcast %and3A_805 : i32 to vector<16xi32>
      %and3A_807 = arith.andi %add3A_804, %and3A_806 : vector<16xi32>
      %gather3A_808 = tpu.vector_load_idx %arg11[%and3A_807] : memref<64xf32, #tpu.memory_space<vmem>>[vector<16xi32>], vector<16xf32>,
      %gather3A_809 = tpu.vector_load_idx %arg10[%add3A_133, %and3A_807] : memref<512x64xf32, #tpu.memory_space<vmem>>[vector<16xi32>, vector<16xi32>], vector<16xf32>,
      %mul3A_810 = arith.mulf %gather3A_808, %gather3A_809 : vector<16xf32>
      %add3A_811 = arith.addf %add3A_798, %mul3A_810 : vector<16xf32>
      %gather3A_812 = tpu.vector_load_idx %arg10[%add3A_137, %and3A_807] : memref<512x64xf32, #tpu.memory_space<vmem>>[vector<16xi32>, vector<16xi32>], vector<16xf32>,
      %mul3A_813 = arith.mulf %gather3A_808, %gather3A_812 : vector<16xf32>
      %add3A_814 = arith.addf %add3A_801, %mul3A_813 : vector<16xf32>
      %add3A_815 = arith.constant 52 : i32
      %add3A_816 = vector.broadcast %add3A_815 : i32 to vector<16xi32>
      %add3A_817 = arith.addi %iota3A, %add3A_816 : vector<16xi32>
      %and3A_818 = arith.constant 63 : i32
      %and3A_819 = vector.broadcast %and3A_818 : i32 to vector<16xi32>
      %and3A_820 = arith.andi %add3A_817, %and3A_819 : vector<16xi32>
      %gather3A_821 = tpu.vector_load_idx %arg11[%and3A_820] : memref<64xf32, #tpu.memory_space<vmem>>[vector<16xi32>], vector<16xf32>,
      %gather3A_822 = tpu.vector_load_idx %arg10[%add3A_133, %and3A_820] : memref<512x64xf32, #tpu.memory_space<vmem>>[vector<16xi32>, vector<16xi32>], vector<16xf32>,
      %mul3A_823 = arith.mulf %gather3A_821, %gather3A_822 : vector<16xf32>
      %add3A_824 = arith.addf %add3A_811, %mul3A_823 : vector<16xf32>
      %gather3A_825 = tpu.vector_load_idx %arg10[%add3A_137, %and3A_820] : memref<512x64xf32, #tpu.memory_space<vmem>>[vector<16xi32>, vector<16xi32>], vector<16xf32>,
      %mul3A_826 = arith.mulf %gather3A_821, %gather3A_825 : vector<16xf32>
      %add3A_827 = arith.addf %add3A_814, %mul3A_826 : vector<16xf32>
      %add3A_828 = arith.constant 53 : i32
      %add3A_829 = vector.broadcast %add3A_828 : i32 to vector<16xi32>
      %add3A_830 = arith.addi %iota3A, %add3A_829 : vector<16xi32>
      %and3A_831 = arith.constant 63 : i32
      %and3A_832 = vector.broadcast %and3A_831 : i32 to vector<16xi32>
      %and3A_833 = arith.andi %add3A_830, %and3A_832 : vector<16xi32>
      %gather3A_834 = tpu.vector_load_idx %arg11[%and3A_833] : memref<64xf32, #tpu.memory_space<vmem>>[vector<16xi32>], vector<16xf32>,
      %gather3A_835 = tpu.vector_load_idx %arg10[%add3A_133, %and3A_833] : memref<512x64xf32, #tpu.memory_space<vmem>>[vector<16xi32>, vector<16xi32>], vector<16xf32>,
      %mul3A_836 = arith.mulf %gather3A_834, %gather3A_835 : vector<16xf32>
      %add3A_837 = arith.addf %add3A_824, %mul3A_836 : vector<16xf32>
      %gather3A_838 = tpu.vector_load_idx %arg10[%add3A_137, %and3A_833] : memref<512x64xf32, #tpu.memory_space<vmem>>[vector<16xi32>, vector<16xi32>], vector<16xf32>,
      %mul3A_839 = arith.mulf %gather3A_834, %gather3A_838 : vector<16xf32>
      %add3A_840 = arith.addf %add3A_827, %mul3A_839 : vector<16xf32>
      %add3A_841 = arith.constant 54 : i32
      %add3A_842 = vector.broadcast %add3A_841 : i32 to vector<16xi32>
      %add3A_843 = arith.addi %iota3A, %add3A_842 : vector<16xi32>
      %and3A_844 = arith.constant 63 : i32
      %and3A_845 = vector.broadcast %and3A_844 : i32 to vector<16xi32>
      %and3A_846 = arith.andi %add3A_843, %and3A_845 : vector<16xi32>
      %gather3A_847 = tpu.vector_load_idx %arg11[%and3A_846] : memref<64xf32, #tpu.memory_space<vmem>>[vector<16xi32>], vector<16xf32>,
      %gather3A_848 = tpu.vector_load_idx %arg10[%add3A_133, %and3A_846] : memref<512x64xf32, #tpu.memory_space<vmem>>[vector<16xi32>, vector<16xi32>], vector<16xf32>,
      %mul3A_849 = arith.mulf %gather3A_847, %gather3A_848 : vector<16xf32>
      %add3A_850 = arith.addf %add3A_837, %mul3A_849 : vector<16xf32>
      %gather3A_851 = tpu.vector_load_idx %arg10[%add3A_137, %and3A_846] : memref<512x64xf32, #tpu.memory_space<vmem>>[vector<16xi32>, vector<16xi32>], vector<16xf32>,
      %mul3A_852 = arith.mulf %gather3A_847, %gather3A_851 : vector<16xf32>
      %add3A_853 = arith.addf %add3A_840, %mul3A_852 : vector<16xf32>
      %add3A_854 = arith.constant 55 : i32
      %add3A_855 = vector.broadcast %add3A_854 : i32 to vector<16xi32>
      %add3A_856 = arith.addi %iota3A, %add3A_855 : vector<16xi32>
      %and3A_857 = arith.constant 63 : i32
      %and3A_858 = vector.broadcast %and3A_857 : i32 to vector<16xi32>
      %and3A_859 = arith.andi %add3A_856, %and3A_858 : vector<16xi32>
      %gather3A_860 = tpu.vector_load_idx %arg11[%and3A_859] : memref<64xf32, #tpu.memory_space<vmem>>[vector<16xi32>], vector<16xf32>,
      %gather3A_861 = tpu.vector_load_idx %arg10[%add3A_133, %and3A_859] : memref<512x64xf32, #tpu.memory_space<vmem>>[vector<16xi32>, vector<16xi32>], vector<16xf32>,
      %mul3A_862 = arith.mulf %gather3A_860, %gather3A_861 : vector<16xf32>
      %add3A_863 = arith.addf %add3A_850, %mul3A_862 : vector<16xf32>
      %gather3A_864 = tpu.vector_load_idx %arg10[%add3A_137, %and3A_859] : memref<512x64xf32, #tpu.memory_space<vmem>>[vector<16xi32>, vector<16xi32>], vector<16xf32>,
      %mul3A_865 = arith.mulf %gather3A_860, %gather3A_864 : vector<16xf32>
      %add3A_866 = arith.addf %add3A_853, %mul3A_865 : vector<16xf32>
      %add3A_867 = arith.constant 56 : i32
      %add3A_868 = vector.broadcast %add3A_867 : i32 to vector<16xi32>
      %add3A_869 = arith.addi %iota3A, %add3A_868 : vector<16xi32>
      %and3A_870 = arith.constant 63 : i32
      %and3A_871 = vector.broadcast %and3A_870 : i32 to vector<16xi32>
      %and3A_872 = arith.andi %add3A_869, %and3A_871 : vector<16xi32>
      %gather3A_873 = tpu.vector_load_idx %arg11[%and3A_872] : memref<64xf32, #tpu.memory_space<vmem>>[vector<16xi32>], vector<16xf32>,
      %gather3A_874 = tpu.vector_load_idx %arg10[%add3A_133, %and3A_872] : memref<512x64xf32, #tpu.memory_space<vmem>>[vector<16xi32>, vector<16xi32>], vector<16xf32>,
      %mul3A_875 = arith.mulf %gather3A_873, %gather3A_874 : vector<16xf32>
      %add3A_876 = arith.addf %add3A_863, %mul3A_875 : vector<16xf32>
      %gather3A_877 = tpu.vector_load_idx %arg10[%add3A_137, %and3A_872] : memref<512x64xf32, #tpu.memory_space<vmem>>[vector<16xi32>, vector<16xi32>], vector<16xf32>,
      %mul3A_878 = arith.mulf %gather3A_873, %gather3A_877 : vector<16xf32>
      %add3A_879 = arith.addf %add3A_866, %mul3A_878 : vector<16xf32>
      %add3A_880 = arith.constant 57 : i32
      %add3A_881 = vector.broadcast %add3A_880 : i32 to vector<16xi32>
      %add3A_882 = arith.addi %iota3A, %add3A_881 : vector<16xi32>
      %and3A_883 = arith.constant 63 : i32
      %and3A_884 = vector.broadcast %and3A_883 : i32 to vector<16xi32>
      %and3A_885 = arith.andi %add3A_882, %and3A_884 : vector<16xi32>
      %gather3A_886 = tpu.vector_load_idx %arg11[%and3A_885] : memref<64xf32, #tpu.memory_space<vmem>>[vector<16xi32>], vector<16xf32>,
      %gather3A_887 = tpu.vector_load_idx %arg10[%add3A_133, %and3A_885] : memref<512x64xf32, #tpu.memory_space<vmem>>[vector<16xi32>, vector<16xi32>], vector<16xf32>,
      %mul3A_888 = arith.mulf %gather3A_886, %gather3A_887 : vector<16xf32>
      %add3A_889 = arith.addf %add3A_876, %mul3A_888 : vector<16xf32>
      %gather3A_890 = tpu.vector_load_idx %arg10[%add3A_137, %and3A_885] : memref<512x64xf32, #tpu.memory_space<vmem>>[vector<16xi32>, vector<16xi32>], vector<16xf32>,
      %mul3A_891 = arith.mulf %gather3A_886, %gather3A_890 : vector<16xf32>
      %add3A_892 = arith.addf %add3A_879, %mul3A_891 : vector<16xf32>
      %add3A_893 = arith.constant 58 : i32
      %add3A_894 = vector.broadcast %add3A_893 : i32 to vector<16xi32>
      %add3A_895 = arith.addi %iota3A, %add3A_894 : vector<16xi32>
      %and3A_896 = arith.constant 63 : i32
      %and3A_897 = vector.broadcast %and3A_896 : i32 to vector<16xi32>
      %and3A_898 = arith.andi %add3A_895, %and3A_897 : vector<16xi32>
      %gather3A_899 = tpu.vector_load_idx %arg11[%and3A_898] : memref<64xf32, #tpu.memory_space<vmem>>[vector<16xi32>], vector<16xf32>,
      %gather3A_900 = tpu.vector_load_idx %arg10[%add3A_133, %and3A_898] : memref<512x64xf32, #tpu.memory_space<vmem>>[vector<16xi32>, vector<16xi32>], vector<16xf32>,
      %mul3A_901 = arith.mulf %gather3A_899, %gather3A_900 : vector<16xf32>
      %add3A_902 = arith.addf %add3A_889, %mul3A_901 : vector<16xf32>
      %gather3A_903 = tpu.vector_load_idx %arg10[%add3A_137, %and3A_898] : memref<512x64xf32, #tpu.memory_space<vmem>>[vector<16xi32>, vector<16xi32>], vector<16xf32>,
      %mul3A_904 = arith.mulf %gather3A_899, %gather3A_903 : vector<16xf32>
      %add3A_905 = arith.addf %add3A_892, %mul3A_904 : vector<16xf32>
      %add3A_906 = arith.constant 59 : i32
      %add3A_907 = vector.broadcast %add3A_906 : i32 to vector<16xi32>
      %add3A_908 = arith.addi %iota3A, %add3A_907 : vector<16xi32>
      %and3A_909 = arith.constant 63 : i32
      %and3A_910 = vector.broadcast %and3A_909 : i32 to vector<16xi32>
      %and3A_911 = arith.andi %add3A_908, %and3A_910 : vector<16xi32>
      %gather3A_912 = tpu.vector_load_idx %arg11[%and3A_911] : memref<64xf32, #tpu.memory_space<vmem>>[vector<16xi32>], vector<16xf32>,
      %gather3A_913 = tpu.vector_load_idx %arg10[%add3A_133, %and3A_911] : memref<512x64xf32, #tpu.memory_space<vmem>>[vector<16xi32>, vector<16xi32>], vector<16xf32>,
      %mul3A_914 = arith.mulf %gather3A_912, %gather3A_913 : vector<16xf32>
      %add3A_915 = arith.addf %add3A_902, %mul3A_914 : vector<16xf32>
      %gather3A_916 = tpu.vector_load_idx %arg10[%add3A_137, %and3A_911] : memref<512x64xf32, #tpu.memory_space<vmem>>[vector<16xi32>, vector<16xi32>], vector<16xf32>,
      %mul3A_917 = arith.mulf %gather3A_912, %gather3A_916 : vector<16xf32>
      %add3A_918 = arith.addf %add3A_905, %mul3A_917 : vector<16xf32>
      %add3A_919 = arith.constant 60 : i32
      %add3A_920 = vector.broadcast %add3A_919 : i32 to vector<16xi32>
      %add3A_921 = arith.addi %iota3A, %add3A_920 : vector<16xi32>
      %and3A_922 = arith.constant 63 : i32
      %and3A_923 = vector.broadcast %and3A_922 : i32 to vector<16xi32>
      %and3A_924 = arith.andi %add3A_921, %and3A_923 : vector<16xi32>
      %gather3A_925 = tpu.vector_load_idx %arg11[%and3A_924] : memref<64xf32, #tpu.memory_space<vmem>>[vector<16xi32>], vector<16xf32>,
      %gather3A_926 = tpu.vector_load_idx %arg10[%add3A_133, %and3A_924] : memref<512x64xf32, #tpu.memory_space<vmem>>[vector<16xi32>, vector<16xi32>], vector<16xf32>,
      %mul3A_927 = arith.mulf %gather3A_925, %gather3A_926 : vector<16xf32>
      %add3A_928 = arith.addf %add3A_915, %mul3A_927 : vector<16xf32>
      %gather3A_929 = tpu.vector_load_idx %arg10[%add3A_137, %and3A_924] : memref<512x64xf32, #tpu.memory_space<vmem>>[vector<16xi32>, vector<16xi32>], vector<16xf32>,
      %mul3A_930 = arith.mulf %gather3A_925, %gather3A_929 : vector<16xf32>
      %add3A_931 = arith.addf %add3A_918, %mul3A_930 : vector<16xf32>
      %add3A_932 = arith.constant 61 : i32
      %add3A_933 = vector.broadcast %add3A_932 : i32 to vector<16xi32>
      %add3A_934 = arith.addi %iota3A, %add3A_933 : vector<16xi32>
      %and3A_935 = arith.constant 63 : i32
      %and3A_936 = vector.broadcast %and3A_935 : i32 to vector<16xi32>
      %and3A_937 = arith.andi %add3A_934, %and3A_936 : vector<16xi32>
      %gather3A_938 = tpu.vector_load_idx %arg11[%and3A_937] : memref<64xf32, #tpu.memory_space<vmem>>[vector<16xi32>], vector<16xf32>,
      %gather3A_939 = tpu.vector_load_idx %arg10[%add3A_133, %and3A_937] : memref<512x64xf32, #tpu.memory_space<vmem>>[vector<16xi32>, vector<16xi32>], vector<16xf32>,
      %mul3A_940 = arith.mulf %gather3A_938, %gather3A_939 : vector<16xf32>
      %add3A_941 = arith.addf %add3A_928, %mul3A_940 : vector<16xf32>
      %gather3A_942 = tpu.vector_load_idx %arg10[%add3A_137, %and3A_937] : memref<512x64xf32, #tpu.memory_space<vmem>>[vector<16xi32>, vector<16xi32>], vector<16xf32>,
      %mul3A_943 = arith.mulf %gather3A_938, %gather3A_942 : vector<16xf32>
      %add3A_944 = arith.addf %add3A_931, %mul3A_943 : vector<16xf32>
      %add3A_945 = arith.constant 62 : i32
      %add3A_946 = vector.broadcast %add3A_945 : i32 to vector<16xi32>
      %add3A_947 = arith.addi %iota3A, %add3A_946 : vector<16xi32>
      %and3A_948 = arith.constant 63 : i32
      %and3A_949 = vector.broadcast %and3A_948 : i32 to vector<16xi32>
      %and3A_950 = arith.andi %add3A_947, %and3A_949 : vector<16xi32>
      %gather3A_951 = tpu.vector_load_idx %arg11[%and3A_950] : memref<64xf32, #tpu.memory_space<vmem>>[vector<16xi32>], vector<16xf32>,
      %gather3A_952 = tpu.vector_load_idx %arg10[%add3A_133, %and3A_950] : memref<512x64xf32, #tpu.memory_space<vmem>>[vector<16xi32>, vector<16xi32>], vector<16xf32>,
      %mul3A_953 = arith.mulf %gather3A_951, %gather3A_952 : vector<16xf32>
      %add3A_954 = arith.addf %add3A_941, %mul3A_953 : vector<16xf32>
      %gather3A_955 = tpu.vector_load_idx %arg10[%add3A_137, %and3A_950] : memref<512x64xf32, #tpu.memory_space<vmem>>[vector<16xi32>, vector<16xi32>], vector<16xf32>,
      %mul3A_956 = arith.mulf %gather3A_951, %gather3A_955 : vector<16xf32>
      %add3A_957 = arith.addf %add3A_944, %mul3A_956 : vector<16xf32>
      %add3A_958 = arith.constant 63 : i32
      %add3A_959 = vector.broadcast %add3A_958 : i32 to vector<16xi32>
      %add3A_960 = arith.addi %iota3A, %add3A_959 : vector<16xi32>
      %and3A_961 = arith.constant 63 : i32
      %and3A_962 = vector.broadcast %and3A_961 : i32 to vector<16xi32>
      %and3A_963 = arith.andi %add3A_960, %and3A_962 : vector<16xi32>
      %gather3A_964 = tpu.vector_load_idx %arg11[%and3A_963] : memref<64xf32, #tpu.memory_space<vmem>>[vector<16xi32>], vector<16xf32>,
      %gather3A_965 = tpu.vector_load_idx %arg10[%add3A_133, %and3A_963] : memref<512x64xf32, #tpu.memory_space<vmem>>[vector<16xi32>, vector<16xi32>], vector<16xf32>,
      %mul3A_966 = arith.mulf %gather3A_964, %gather3A_965 : vector<16xf32>
      %add3A_967 = arith.addf %add3A_954, %mul3A_966 : vector<16xf32>
      %gather3A_968 = tpu.vector_load_idx %arg10[%add3A_137, %and3A_963] : memref<512x64xf32, #tpu.memory_space<vmem>>[vector<16xi32>, vector<16xi32>], vector<16xf32>,
      %mul3A_969 = arith.mulf %gather3A_964, %gather3A_968 : vector<16xf32>
      %add3A_970 = arith.addf %add3A_957, %mul3A_969 : vector<16xf32>
      %mul3A_971 = arith.mulf %add3A_967, %div3A_113 : vector<16xf32>
      tpu.vector_store_idx %arg10[%add3A_133, %get3A_110], %mul3A_971 {add = true} : memref<512x64xf32, #tpu.memory_space<vmem>>[vector<16xi32>, vector<16xi32>], vector<16xf32>,
      %mul3A_972 = arith.mulf %add3A_970, %div3A_113 : vector<16xf32>
      tpu.vector_store_idx %arg10[%add3A_137, %get3A_110], %mul3A_972 {add = true} : memref<512x64xf32, #tpu.memory_space<vmem>>[vector<16xi32>, vector<16xi32>], vector<16xf32>,
    }
    %while3A_126 = arith.constant 1 : i32
    scf.for %while3A_127 = %while3A_124 to %while3A_120 step %while3A_126  : i32 {
      %mul3A_128 = arith.constant 32 : i32
      %mul3A_129 = arith.muli %while3A_127, %mul3A_128 : i32
      %add3A_130 = arith.constant 0 : i32
      %add3A_131 = arith.addi %mul3A_129, %add3A_130 : i32
      %add3A_132 = vector.broadcast %add3A_131 : i32 to vector<16xi32>
      %add3A_133 = arith.addi %add3A_132, %iota3A : vector<16xi32>
      %add3A_134 = arith.constant 16 : i32
      %add3A_135 = arith.addi %mul3A_129, %add3A_134 : i32
      %add3A_136 = vector.broadcast %add3A_135 : i32 to vector<16xi32>
      %add3A_137 = arith.addi %add3A_136, %iota3A : vector<16xi32>
      %broadcast_in_dim3A_138 = vector.broadcast %reduce_sum3A_108 : f32 to vector<16xf32>
      %broadcast_in_dim3A_139 = vector.broadcast %reduce_sum3A_108 : f32 to vector<16xf32>
      %add3A_140 = arith.constant 0 : i32
      %add3A_141 = vector.broadcast %add3A_140 : i32 to vector<16xi32>
      %add3A_142 = arith.addi %iota3A, %add3A_141 : vector<16xi32>
      %and3A = arith.constant 63 : i32
      %and3A_143 = vector.broadcast %and3A : i32 to vector<16xi32>
      %and3A_144 = arith.andi %add3A_142, %and3A_143 : vector<16xi32>
      %gather3A_145 = tpu.vector_load_idx %arg11[%and3A_144] : memref<64xf32, #tpu.memory_space<vmem>>[vector<16xi32>], vector<16xf32>,
      %gather3A_146 = tpu.vector_load_idx %arg10[%add3A_133, %and3A_144] : memref<512x64xf32, #tpu.memory_space<vmem>>[vector<16xi32>, vector<16xi32>], vector<16xf32>,
      %mul3A_147 = arith.mulf %gather3A_145, %gather3A_146 : vector<16xf32>
      %add3A_148 = arith.addf %broadcast_in_dim3A_138, %mul3A_147 : vector<16xf32>
      %gather3A_149 = tpu.vector_load_idx %arg10[%add3A_137, %and3A_144] : memref<512x64xf32, #tpu.memory_space<vmem>>[vector<16xi32>, vector<16xi32>], vector<16xf32>,
      %mul3A_150 = arith.mulf %gather3A_145, %gather3A_149 : vector<16xf32>
      %add3A_151 = arith.addf %broadcast_in_dim3A_139, %mul3A_150 : vector<16xf32>
      %add3A_152 = arith.constant 1 : i32
      %add3A_153 = vector.broadcast %add3A_152 : i32 to vector<16xi32>
      %add3A_154 = arith.addi %iota3A, %add3A_153 : vector<16xi32>
      %and3A_155 = arith.constant 63 : i32
      %and3A_156 = vector.broadcast %and3A_155 : i32 to vector<16xi32>
      %and3A_157 = arith.andi %add3A_154, %and3A_156 : vector<16xi32>
      %gather3A_158 = tpu.vector_load_idx %arg11[%and3A_157] : memref<64xf32, #tpu.memory_space<vmem>>[vector<16xi32>], vector<16xf32>,
      %gather3A_159 = tpu.vector_load_idx %arg10[%add3A_133, %and3A_157] : memref<512x64xf32, #tpu.memory_space<vmem>>[vector<16xi32>, vector<16xi32>], vector<16xf32>,
      %mul3A_160 = arith.mulf %gather3A_158, %gather3A_159 : vector<16xf32>
      %add3A_161 = arith.addf %add3A_148, %mul3A_160 : vector<16xf32>
      %gather3A_162 = tpu.vector_load_idx %arg10[%add3A_137, %and3A_157] : memref<512x64xf32, #tpu.memory_space<vmem>>[vector<16xi32>, vector<16xi32>], vector<16xf32>,
      %mul3A_163 = arith.mulf %gather3A_158, %gather3A_162 : vector<16xf32>
      %add3A_164 = arith.addf %add3A_151, %mul3A_163 : vector<16xf32>
      %add3A_165 = arith.constant 2 : i32
      %add3A_166 = vector.broadcast %add3A_165 : i32 to vector<16xi32>
      %add3A_167 = arith.addi %iota3A, %add3A_166 : vector<16xi32>
      %and3A_168 = arith.constant 63 : i32
      %and3A_169 = vector.broadcast %and3A_168 : i32 to vector<16xi32>
      %and3A_170 = arith.andi %add3A_167, %and3A_169 : vector<16xi32>
      %gather3A_171 = tpu.vector_load_idx %arg11[%and3A_170] : memref<64xf32, #tpu.memory_space<vmem>>[vector<16xi32>], vector<16xf32>,
      %gather3A_172 = tpu.vector_load_idx %arg10[%add3A_133, %and3A_170] : memref<512x64xf32, #tpu.memory_space<vmem>>[vector<16xi32>, vector<16xi32>], vector<16xf32>,
      %mul3A_173 = arith.mulf %gather3A_171, %gather3A_172 : vector<16xf32>
      %add3A_174 = arith.addf %add3A_161, %mul3A_173 : vector<16xf32>
      %gather3A_175 = tpu.vector_load_idx %arg10[%add3A_137, %and3A_170] : memref<512x64xf32, #tpu.memory_space<vmem>>[vector<16xi32>, vector<16xi32>], vector<16xf32>,
      %mul3A_176 = arith.mulf %gather3A_171, %gather3A_175 : vector<16xf32>
      %add3A_177 = arith.addf %add3A_164, %mul3A_176 : vector<16xf32>
      %add3A_178 = arith.constant 3 : i32
      %add3A_179 = vector.broadcast %add3A_178 : i32 to vector<16xi32>
      %add3A_180 = arith.addi %iota3A, %add3A_179 : vector<16xi32>
      %and3A_181 = arith.constant 63 : i32
      %and3A_182 = vector.broadcast %and3A_181 : i32 to vector<16xi32>
      %and3A_183 = arith.andi %add3A_180, %and3A_182 : vector<16xi32>
      %gather3A_184 = tpu.vector_load_idx %arg11[%and3A_183] : memref<64xf32, #tpu.memory_space<vmem>>[vector<16xi32>], vector<16xf32>,
      %gather3A_185 = tpu.vector_load_idx %arg10[%add3A_133, %and3A_183] : memref<512x64xf32, #tpu.memory_space<vmem>>[vector<16xi32>, vector<16xi32>], vector<16xf32>,
      %mul3A_186 = arith.mulf %gather3A_184, %gather3A_185 : vector<16xf32>
      %add3A_187 = arith.addf %add3A_174, %mul3A_186 : vector<16xf32>
      %gather3A_188 = tpu.vector_load_idx %arg10[%add3A_137, %and3A_183] : memref<512x64xf32, #tpu.memory_space<vmem>>[vector<16xi32>, vector<16xi32>], vector<16xf32>,
      %mul3A_189 = arith.mulf %gather3A_184, %gather3A_188 : vector<16xf32>
      %add3A_190 = arith.addf %add3A_177, %mul3A_189 : vector<16xf32>
      %add3A_191 = arith.constant 4 : i32
      %add3A_192 = vector.broadcast %add3A_191 : i32 to vector<16xi32>
      %add3A_193 = arith.addi %iota3A, %add3A_192 : vector<16xi32>
      %and3A_194 = arith.constant 63 : i32
      %and3A_195 = vector.broadcast %and3A_194 : i32 to vector<16xi32>
      %and3A_196 = arith.andi %add3A_193, %and3A_195 : vector<16xi32>
      %gather3A_197 = tpu.vector_load_idx %arg11[%and3A_196] : memref<64xf32, #tpu.memory_space<vmem>>[vector<16xi32>], vector<16xf32>,
      %gather3A_198 = tpu.vector_load_idx %arg10[%add3A_133, %and3A_196] : memref<512x64xf32, #tpu.memory_space<vmem>>[vector<16xi32>, vector<16xi32>], vector<16xf32>,
      %mul3A_199 = arith.mulf %gather3A_197, %gather3A_198 : vector<16xf32>
      %add3A_200 = arith.addf %add3A_187, %mul3A_199 : vector<16xf32>
      %gather3A_201 = tpu.vector_load_idx %arg10[%add3A_137, %and3A_196] : memref<512x64xf32, #tpu.memory_space<vmem>>[vector<16xi32>, vector<16xi32>], vector<16xf32>,
      %mul3A_202 = arith.mulf %gather3A_197, %gather3A_201 : vector<16xf32>
      %add3A_203 = arith.addf %add3A_190, %mul3A_202 : vector<16xf32>
      %add3A_204 = arith.constant 5 : i32
      %add3A_205 = vector.broadcast %add3A_204 : i32 to vector<16xi32>
      %add3A_206 = arith.addi %iota3A, %add3A_205 : vector<16xi32>
      %and3A_207 = arith.constant 63 : i32
      %and3A_208 = vector.broadcast %and3A_207 : i32 to vector<16xi32>
      %and3A_209 = arith.andi %add3A_206, %and3A_208 : vector<16xi32>
      %gather3A_210 = tpu.vector_load_idx %arg11[%and3A_209] : memref<64xf32, #tpu.memory_space<vmem>>[vector<16xi32>], vector<16xf32>,
      %gather3A_211 = tpu.vector_load_idx %arg10[%add3A_133, %and3A_209] : memref<512x64xf32, #tpu.memory_space<vmem>>[vector<16xi32>, vector<16xi32>], vector<16xf32>,
      %mul3A_212 = arith.mulf %gather3A_210, %gather3A_211 : vector<16xf32>
      %add3A_213 = arith.addf %add3A_200, %mul3A_212 : vector<16xf32>
      %gather3A_214 = tpu.vector_load_idx %arg10[%add3A_137, %and3A_209] : memref<512x64xf32, #tpu.memory_space<vmem>>[vector<16xi32>, vector<16xi32>], vector<16xf32>,
      %mul3A_215 = arith.mulf %gather3A_210, %gather3A_214 : vector<16xf32>
      %add3A_216 = arith.addf %add3A_203, %mul3A_215 : vector<16xf32>
      %add3A_217 = arith.constant 6 : i32
      %add3A_218 = vector.broadcast %add3A_217 : i32 to vector<16xi32>
      %add3A_219 = arith.addi %iota3A, %add3A_218 : vector<16xi32>
      %and3A_220 = arith.constant 63 : i32
      %and3A_221 = vector.broadcast %and3A_220 : i32 to vector<16xi32>
      %and3A_222 = arith.andi %add3A_219, %and3A_221 : vector<16xi32>
      %gather3A_223 = tpu.vector_load_idx %arg11[%and3A_222] : memref<64xf32, #tpu.memory_space<vmem>>[vector<16xi32>], vector<16xf32>,
      %gather3A_224 = tpu.vector_load_idx %arg10[%add3A_133, %and3A_222] : memref<512x64xf32, #tpu.memory_space<vmem>>[vector<16xi32>, vector<16xi32>], vector<16xf32>,
      %mul3A_225 = arith.mulf %gather3A_223, %gather3A_224 : vector<16xf32>
      %add3A_226 = arith.addf %add3A_213, %mul3A_225 : vector<16xf32>
      %gather3A_227 = tpu.vector_load_idx %arg10[%add3A_137, %and3A_222] : memref<512x64xf32, #tpu.memory_space<vmem>>[vector<16xi32>, vector<16xi32>], vector<16xf32>,
      %mul3A_228 = arith.mulf %gather3A_223, %gather3A_227 : vector<16xf32>
      %add3A_229 = arith.addf %add3A_216, %mul3A_228 : vector<16xf32>
      %add3A_230 = arith.constant 7 : i32
      %add3A_231 = vector.broadcast %add3A_230 : i32 to vector<16xi32>
      %add3A_232 = arith.addi %iota3A, %add3A_231 : vector<16xi32>
      %and3A_233 = arith.constant 63 : i32
      %and3A_234 = vector.broadcast %and3A_233 : i32 to vector<16xi32>
      %and3A_235 = arith.andi %add3A_232, %and3A_234 : vector<16xi32>
      %gather3A_236 = tpu.vector_load_idx %arg11[%and3A_235] : memref<64xf32, #tpu.memory_space<vmem>>[vector<16xi32>], vector<16xf32>,
      %gather3A_237 = tpu.vector_load_idx %arg10[%add3A_133, %and3A_235] : memref<512x64xf32, #tpu.memory_space<vmem>>[vector<16xi32>, vector<16xi32>], vector<16xf32>,
      %mul3A_238 = arith.mulf %gather3A_236, %gather3A_237 : vector<16xf32>
      %add3A_239 = arith.addf %add3A_226, %mul3A_238 : vector<16xf32>
      %gather3A_240 = tpu.vector_load_idx %arg10[%add3A_137, %and3A_235] : memref<512x64xf32, #tpu.memory_space<vmem>>[vector<16xi32>, vector<16xi32>], vector<16xf32>,
      %mul3A_241 = arith.mulf %gather3A_236, %gather3A_240 : vector<16xf32>
      %add3A_242 = arith.addf %add3A_229, %mul3A_241 : vector<16xf32>
      %add3A_243 = arith.constant 8 : i32
      %add3A_244 = vector.broadcast %add3A_243 : i32 to vector<16xi32>
      %add3A_245 = arith.addi %iota3A, %add3A_244 : vector<16xi32>
      %and3A_246 = arith.constant 63 : i32
      %and3A_247 = vector.broadcast %and3A_246 : i32 to vector<16xi32>
      %and3A_248 = arith.andi %add3A_245, %and3A_247 : vector<16xi32>
      %gather3A_249 = tpu.vector_load_idx %arg11[%and3A_248] : memref<64xf32, #tpu.memory_space<vmem>>[vector<16xi32>], vector<16xf32>,
      %gather3A_250 = tpu.vector_load_idx %arg10[%add3A_133, %and3A_248] : memref<512x64xf32, #tpu.memory_space<vmem>>[vector<16xi32>, vector<16xi32>], vector<16xf32>,
      %mul3A_251 = arith.mulf %gather3A_249, %gather3A_250 : vector<16xf32>
      %add3A_252 = arith.addf %add3A_239, %mul3A_251 : vector<16xf32>
      %gather3A_253 = tpu.vector_load_idx %arg10[%add3A_137, %and3A_248] : memref<512x64xf32, #tpu.memory_space<vmem>>[vector<16xi32>, vector<16xi32>], vector<16xf32>,
      %mul3A_254 = arith.mulf %gather3A_249, %gather3A_253 : vector<16xf32>
      %add3A_255 = arith.addf %add3A_242, %mul3A_254 : vector<16xf32>
      %add3A_256 = arith.constant 9 : i32
      %add3A_257 = vector.broadcast %add3A_256 : i32 to vector<16xi32>
      %add3A_258 = arith.addi %iota3A, %add3A_257 : vector<16xi32>
      %and3A_259 = arith.constant 63 : i32
      %and3A_260 = vector.broadcast %and3A_259 : i32 to vector<16xi32>
      %and3A_261 = arith.andi %add3A_258, %and3A_260 : vector<16xi32>
      %gather3A_262 = tpu.vector_load_idx %arg11[%and3A_261] : memref<64xf32, #tpu.memory_space<vmem>>[vector<16xi32>], vector<16xf32>,
      %gather3A_263 = tpu.vector_load_idx %arg10[%add3A_133, %and3A_261] : memref<512x64xf32, #tpu.memory_space<vmem>>[vector<16xi32>, vector<16xi32>], vector<16xf32>,
      %mul3A_264 = arith.mulf %gather3A_262, %gather3A_263 : vector<16xf32>
      %add3A_265 = arith.addf %add3A_252, %mul3A_264 : vector<16xf32>
      %gather3A_266 = tpu.vector_load_idx %arg10[%add3A_137, %and3A_261] : memref<512x64xf32, #tpu.memory_space<vmem>>[vector<16xi32>, vector<16xi32>], vector<16xf32>,
      %mul3A_267 = arith.mulf %gather3A_262, %gather3A_266 : vector<16xf32>
      %add3A_268 = arith.addf %add3A_255, %mul3A_267 : vector<16xf32>
      %add3A_269 = arith.constant 10 : i32
      %add3A_270 = vector.broadcast %add3A_269 : i32 to vector<16xi32>
      %add3A_271 = arith.addi %iota3A, %add3A_270 : vector<16xi32>
      %and3A_272 = arith.constant 63 : i32
      %and3A_273 = vector.broadcast %and3A_272 : i32 to vector<16xi32>
      %and3A_274 = arith.andi %add3A_271, %and3A_273 : vector<16xi32>
      %gather3A_275 = tpu.vector_load_idx %arg11[%and3A_274] : memref<64xf32, #tpu.memory_space<vmem>>[vector<16xi32>], vector<16xf32>,
      %gather3A_276 = tpu.vector_load_idx %arg10[%add3A_133, %and3A_274] : memref<512x64xf32, #tpu.memory_space<vmem>>[vector<16xi32>, vector<16xi32>], vector<16xf32>,
      %mul3A_277 = arith.mulf %gather3A_275, %gather3A_276 : vector<16xf32>
      %add3A_278 = arith.addf %add3A_265, %mul3A_277 : vector<16xf32>
      %gather3A_279 = tpu.vector_load_idx %arg10[%add3A_137, %and3A_274] : memref<512x64xf32, #tpu.memory_space<vmem>>[vector<16xi32>, vector<16xi32>], vector<16xf32>,
      %mul3A_280 = arith.mulf %gather3A_275, %gather3A_279 : vector<16xf32>
      %add3A_281 = arith.addf %add3A_268, %mul3A_280 : vector<16xf32>
      %add3A_282 = arith.constant 11 : i32
      %add3A_283 = vector.broadcast %add3A_282 : i32 to vector<16xi32>
      %add3A_284 = arith.addi %iota3A, %add3A_283 : vector<16xi32>
      %and3A_285 = arith.constant 63 : i32
      %and3A_286 = vector.broadcast %and3A_285 : i32 to vector<16xi32>
      %and3A_287 = arith.andi %add3A_284, %and3A_286 : vector<16xi32>
      %gather3A_288 = tpu.vector_load_idx %arg11[%and3A_287] : memref<64xf32, #tpu.memory_space<vmem>>[vector<16xi32>], vector<16xf32>,
      %gather3A_289 = tpu.vector_load_idx %arg10[%add3A_133, %and3A_287] : memref<512x64xf32, #tpu.memory_space<vmem>>[vector<16xi32>, vector<16xi32>], vector<16xf32>,
      %mul3A_290 = arith.mulf %gather3A_288, %gather3A_289 : vector<16xf32>
      %add3A_291 = arith.addf %add3A_278, %mul3A_290 : vector<16xf32>
      %gather3A_292 = tpu.vector_load_idx %arg10[%add3A_137, %and3A_287] : memref<512x64xf32, #tpu.memory_space<vmem>>[vector<16xi32>, vector<16xi32>], vector<16xf32>,
      %mul3A_293 = arith.mulf %gather3A_288, %gather3A_292 : vector<16xf32>
      %add3A_294 = arith.addf %add3A_281, %mul3A_293 : vector<16xf32>
      %add3A_295 = arith.constant 12 : i32
      %add3A_296 = vector.broadcast %add3A_295 : i32 to vector<16xi32>
      %add3A_297 = arith.addi %iota3A, %add3A_296 : vector<16xi32>
      %and3A_298 = arith.constant 63 : i32
      %and3A_299 = vector.broadcast %and3A_298 : i32 to vector<16xi32>
      %and3A_300 = arith.andi %add3A_297, %and3A_299 : vector<16xi32>
      %gather3A_301 = tpu.vector_load_idx %arg11[%and3A_300] : memref<64xf32, #tpu.memory_space<vmem>>[vector<16xi32>], vector<16xf32>,
      %gather3A_302 = tpu.vector_load_idx %arg10[%add3A_133, %and3A_300] : memref<512x64xf32, #tpu.memory_space<vmem>>[vector<16xi32>, vector<16xi32>], vector<16xf32>,
      %mul3A_303 = arith.mulf %gather3A_301, %gather3A_302 : vector<16xf32>
      %add3A_304 = arith.addf %add3A_291, %mul3A_303 : vector<16xf32>
      %gather3A_305 = tpu.vector_load_idx %arg10[%add3A_137, %and3A_300] : memref<512x64xf32, #tpu.memory_space<vmem>>[vector<16xi32>, vector<16xi32>], vector<16xf32>,
      %mul3A_306 = arith.mulf %gather3A_301, %gather3A_305 : vector<16xf32>
      %add3A_307 = arith.addf %add3A_294, %mul3A_306 : vector<16xf32>
      %add3A_308 = arith.constant 13 : i32
      %add3A_309 = vector.broadcast %add3A_308 : i32 to vector<16xi32>
      %add3A_310 = arith.addi %iota3A, %add3A_309 : vector<16xi32>
      %and3A_311 = arith.constant 63 : i32
      %and3A_312 = vector.broadcast %and3A_311 : i32 to vector<16xi32>
      %and3A_313 = arith.andi %add3A_310, %and3A_312 : vector<16xi32>
      %gather3A_314 = tpu.vector_load_idx %arg11[%and3A_313] : memref<64xf32, #tpu.memory_space<vmem>>[vector<16xi32>], vector<16xf32>,
      %gather3A_315 = tpu.vector_load_idx %arg10[%add3A_133, %and3A_313] : memref<512x64xf32, #tpu.memory_space<vmem>>[vector<16xi32>, vector<16xi32>], vector<16xf32>,
      %mul3A_316 = arith.mulf %gather3A_314, %gather3A_315 : vector<16xf32>
      %add3A_317 = arith.addf %add3A_304, %mul3A_316 : vector<16xf32>
      %gather3A_318 = tpu.vector_load_idx %arg10[%add3A_137, %and3A_313] : memref<512x64xf32, #tpu.memory_space<vmem>>[vector<16xi32>, vector<16xi32>], vector<16xf32>,
      %mul3A_319 = arith.mulf %gather3A_314, %gather3A_318 : vector<16xf32>
      %add3A_320 = arith.addf %add3A_307, %mul3A_319 : vector<16xf32>
      %add3A_321 = arith.constant 14 : i32
      %add3A_322 = vector.broadcast %add3A_321 : i32 to vector<16xi32>
      %add3A_323 = arith.addi %iota3A, %add3A_322 : vector<16xi32>
      %and3A_324 = arith.constant 63 : i32
      %and3A_325 = vector.broadcast %and3A_324 : i32 to vector<16xi32>
      %and3A_326 = arith.andi %add3A_323, %and3A_325 : vector<16xi32>
      %gather3A_327 = tpu.vector_load_idx %arg11[%and3A_326] : memref<64xf32, #tpu.memory_space<vmem>>[vector<16xi32>], vector<16xf32>,
      %gather3A_328 = tpu.vector_load_idx %arg10[%add3A_133, %and3A_326] : memref<512x64xf32, #tpu.memory_space<vmem>>[vector<16xi32>, vector<16xi32>], vector<16xf32>,
      %mul3A_329 = arith.mulf %gather3A_327, %gather3A_328 : vector<16xf32>
      %add3A_330 = arith.addf %add3A_317, %mul3A_329 : vector<16xf32>
      %gather3A_331 = tpu.vector_load_idx %arg10[%add3A_137, %and3A_326] : memref<512x64xf32, #tpu.memory_space<vmem>>[vector<16xi32>, vector<16xi32>], vector<16xf32>,
      %mul3A_332 = arith.mulf %gather3A_327, %gather3A_331 : vector<16xf32>
      %add3A_333 = arith.addf %add3A_320, %mul3A_332 : vector<16xf32>
      %add3A_334 = arith.constant 15 : i32
      %add3A_335 = vector.broadcast %add3A_334 : i32 to vector<16xi32>
      %add3A_336 = arith.addi %iota3A, %add3A_335 : vector<16xi32>
      %and3A_337 = arith.constant 63 : i32
      %and3A_338 = vector.broadcast %and3A_337 : i32 to vector<16xi32>
      %and3A_339 = arith.andi %add3A_336, %and3A_338 : vector<16xi32>
      %gather3A_340 = tpu.vector_load_idx %arg11[%and3A_339] : memref<64xf32, #tpu.memory_space<vmem>>[vector<16xi32>], vector<16xf32>,
      %gather3A_341 = tpu.vector_load_idx %arg10[%add3A_133, %and3A_339] : memref<512x64xf32, #tpu.memory_space<vmem>>[vector<16xi32>, vector<16xi32>], vector<16xf32>,
      %mul3A_342 = arith.mulf %gather3A_340, %gather3A_341 : vector<16xf32>
      %add3A_343 = arith.addf %add3A_330, %mul3A_342 : vector<16xf32>
      %gather3A_344 = tpu.vector_load_idx %arg10[%add3A_137, %and3A_339] : memref<512x64xf32, #tpu.memory_space<vmem>>[vector<16xi32>, vector<16xi32>], vector<16xf32>,
      %mul3A_345 = arith.mulf %gather3A_340, %gather3A_344 : vector<16xf32>
      %add3A_346 = arith.addf %add3A_333, %mul3A_345 : vector<16xf32>
      %add3A_347 = arith.constant 16 : i32
      %add3A_348 = vector.broadcast %add3A_347 : i32 to vector<16xi32>
      %add3A_349 = arith.addi %iota3A, %add3A_348 : vector<16xi32>
      %and3A_350 = arith.constant 63 : i32
      %and3A_351 = vector.broadcast %and3A_350 : i32 to vector<16xi32>
      %and3A_352 = arith.andi %add3A_349, %and3A_351 : vector<16xi32>
      %gather3A_353 = tpu.vector_load_idx %arg11[%and3A_352] : memref<64xf32, #tpu.memory_space<vmem>>[vector<16xi32>], vector<16xf32>,
      %gather3A_354 = tpu.vector_load_idx %arg10[%add3A_133, %and3A_352] : memref<512x64xf32, #tpu.memory_space<vmem>>[vector<16xi32>, vector<16xi32>], vector<16xf32>,
      %mul3A_355 = arith.mulf %gather3A_353, %gather3A_354 : vector<16xf32>
      %add3A_356 = arith.addf %add3A_343, %mul3A_355 : vector<16xf32>
      %gather3A_357 = tpu.vector_load_idx %arg10[%add3A_137, %and3A_352] : memref<512x64xf32, #tpu.memory_space<vmem>>[vector<16xi32>, vector<16xi32>], vector<16xf32>,
      %mul3A_358 = arith.mulf %gather3A_353, %gather3A_357 : vector<16xf32>
      %add3A_359 = arith.addf %add3A_346, %mul3A_358 : vector<16xf32>
      %add3A_360 = arith.constant 17 : i32
      %add3A_361 = vector.broadcast %add3A_360 : i32 to vector<16xi32>
      %add3A_362 = arith.addi %iota3A, %add3A_361 : vector<16xi32>
      %and3A_363 = arith.constant 63 : i32
      %and3A_364 = vector.broadcast %and3A_363 : i32 to vector<16xi32>
      %and3A_365 = arith.andi %add3A_362, %and3A_364 : vector<16xi32>
      %gather3A_366 = tpu.vector_load_idx %arg11[%and3A_365] : memref<64xf32, #tpu.memory_space<vmem>>[vector<16xi32>], vector<16xf32>,
      %gather3A_367 = tpu.vector_load_idx %arg10[%add3A_133, %and3A_365] : memref<512x64xf32, #tpu.memory_space<vmem>>[vector<16xi32>, vector<16xi32>], vector<16xf32>,
      %mul3A_368 = arith.mulf %gather3A_366, %gather3A_367 : vector<16xf32>
      %add3A_369 = arith.addf %add3A_356, %mul3A_368 : vector<16xf32>
      %gather3A_370 = tpu.vector_load_idx %arg10[%add3A_137, %and3A_365] : memref<512x64xf32, #tpu.memory_space<vmem>>[vector<16xi32>, vector<16xi32>], vector<16xf32>,
      %mul3A_371 = arith.mulf %gather3A_366, %gather3A_370 : vector<16xf32>
      %add3A_372 = arith.addf %add3A_359, %mul3A_371 : vector<16xf32>
      %add3A_373 = arith.constant 18 : i32
      %add3A_374 = vector.broadcast %add3A_373 : i32 to vector<16xi32>
      %add3A_375 = arith.addi %iota3A, %add3A_374 : vector<16xi32>
      %and3A_376 = arith.constant 63 : i32
      %and3A_377 = vector.broadcast %and3A_376 : i32 to vector<16xi32>
      %and3A_378 = arith.andi %add3A_375, %and3A_377 : vector<16xi32>
      %gather3A_379 = tpu.vector_load_idx %arg11[%and3A_378] : memref<64xf32, #tpu.memory_space<vmem>>[vector<16xi32>], vector<16xf32>,
      %gather3A_380 = tpu.vector_load_idx %arg10[%add3A_133, %and3A_378] : memref<512x64xf32, #tpu.memory_space<vmem>>[vector<16xi32>, vector<16xi32>], vector<16xf32>,
      %mul3A_381 = arith.mulf %gather3A_379, %gather3A_380 : vector<16xf32>
      %add3A_382 = arith.addf %add3A_369, %mul3A_381 : vector<16xf32>
      %gather3A_383 = tpu.vector_load_idx %arg10[%add3A_137, %and3A_378] : memref<512x64xf32, #tpu.memory_space<vmem>>[vector<16xi32>, vector<16xi32>], vector<16xf32>,
      %mul3A_384 = arith.mulf %gather3A_379, %gather3A_383 : vector<16xf32>
      %add3A_385 = arith.addf %add3A_372, %mul3A_384 : vector<16xf32>
      %add3A_386 = arith.constant 19 : i32
      %add3A_387 = vector.broadcast %add3A_386 : i32 to vector<16xi32>
      %add3A_388 = arith.addi %iota3A, %add3A_387 : vector<16xi32>
      %and3A_389 = arith.constant 63 : i32
      %and3A_390 = vector.broadcast %and3A_389 : i32 to vector<16xi32>
      %and3A_391 = arith.andi %add3A_388, %and3A_390 : vector<16xi32>
      %gather3A_392 = tpu.vector_load_idx %arg11[%and3A_391] : memref<64xf32, #tpu.memory_space<vmem>>[vector<16xi32>], vector<16xf32>,
      %gather3A_393 = tpu.vector_load_idx %arg10[%add3A_133, %and3A_391] : memref<512x64xf32, #tpu.memory_space<vmem>>[vector<16xi32>, vector<16xi32>], vector<16xf32>,
      %mul3A_394 = arith.mulf %gather3A_392, %gather3A_393 : vector<16xf32>
      %add3A_395 = arith.addf %add3A_382, %mul3A_394 : vector<16xf32>
      %gather3A_396 = tpu.vector_load_idx %arg10[%add3A_137, %and3A_391] : memref<512x64xf32, #tpu.memory_space<vmem>>[vector<16xi32>, vector<16xi32>], vector<16xf32>,
      %mul3A_397 = arith.mulf %gather3A_392, %gather3A_396 : vector<16xf32>
      %add3A_398 = arith.addf %add3A_385, %mul3A_397 : vector<16xf32>
      %add3A_399 = arith.constant 20 : i32
      %add3A_400 = vector.broadcast %add3A_399 : i32 to vector<16xi32>
      %add3A_401 = arith.addi %iota3A, %add3A_400 : vector<16xi32>
      %and3A_402 = arith.constant 63 : i32
      %and3A_403 = vector.broadcast %and3A_402 : i32 to vector<16xi32>
      %and3A_404 = arith.andi %add3A_401, %and3A_403 : vector<16xi32>
      %gather3A_405 = tpu.vector_load_idx %arg11[%and3A_404] : memref<64xf32, #tpu.memory_space<vmem>>[vector<16xi32>], vector<16xf32>,
      %gather3A_406 = tpu.vector_load_idx %arg10[%add3A_133, %and3A_404] : memref<512x64xf32, #tpu.memory_space<vmem>>[vector<16xi32>, vector<16xi32>], vector<16xf32>,
      %mul3A_407 = arith.mulf %gather3A_405, %gather3A_406 : vector<16xf32>
      %add3A_408 = arith.addf %add3A_395, %mul3A_407 : vector<16xf32>
      %gather3A_409 = tpu.vector_load_idx %arg10[%add3A_137, %and3A_404] : memref<512x64xf32, #tpu.memory_space<vmem>>[vector<16xi32>, vector<16xi32>], vector<16xf32>,
      %mul3A_410 = arith.mulf %gather3A_405, %gather3A_409 : vector<16xf32>
      %add3A_411 = arith.addf %add3A_398, %mul3A_410 : vector<16xf32>
      %add3A_412 = arith.constant 21 : i32
      %add3A_413 = vector.broadcast %add3A_412 : i32 to vector<16xi32>
      %add3A_414 = arith.addi %iota3A, %add3A_413 : vector<16xi32>
      %and3A_415 = arith.constant 63 : i32
      %and3A_416 = vector.broadcast %and3A_415 : i32 to vector<16xi32>
      %and3A_417 = arith.andi %add3A_414, %and3A_416 : vector<16xi32>
      %gather3A_418 = tpu.vector_load_idx %arg11[%and3A_417] : memref<64xf32, #tpu.memory_space<vmem>>[vector<16xi32>], vector<16xf32>,
      %gather3A_419 = tpu.vector_load_idx %arg10[%add3A_133, %and3A_417] : memref<512x64xf32, #tpu.memory_space<vmem>>[vector<16xi32>, vector<16xi32>], vector<16xf32>,
      %mul3A_420 = arith.mulf %gather3A_418, %gather3A_419 : vector<16xf32>
      %add3A_421 = arith.addf %add3A_408, %mul3A_420 : vector<16xf32>
      %gather3A_422 = tpu.vector_load_idx %arg10[%add3A_137, %and3A_417] : memref<512x64xf32, #tpu.memory_space<vmem>>[vector<16xi32>, vector<16xi32>], vector<16xf32>,
      %mul3A_423 = arith.mulf %gather3A_418, %gather3A_422 : vector<16xf32>
      %add3A_424 = arith.addf %add3A_411, %mul3A_423 : vector<16xf32>
      %add3A_425 = arith.constant 22 : i32
      %add3A_426 = vector.broadcast %add3A_425 : i32 to vector<16xi32>
      %add3A_427 = arith.addi %iota3A, %add3A_426 : vector<16xi32>
      %and3A_428 = arith.constant 63 : i32
      %and3A_429 = vector.broadcast %and3A_428 : i32 to vector<16xi32>
      %and3A_430 = arith.andi %add3A_427, %and3A_429 : vector<16xi32>
      %gather3A_431 = tpu.vector_load_idx %arg11[%and3A_430] : memref<64xf32, #tpu.memory_space<vmem>>[vector<16xi32>], vector<16xf32>,
      %gather3A_432 = tpu.vector_load_idx %arg10[%add3A_133, %and3A_430] : memref<512x64xf32, #tpu.memory_space<vmem>>[vector<16xi32>, vector<16xi32>], vector<16xf32>,
      %mul3A_433 = arith.mulf %gather3A_431, %gather3A_432 : vector<16xf32>
      %add3A_434 = arith.addf %add3A_421, %mul3A_433 : vector<16xf32>
      %gather3A_435 = tpu.vector_load_idx %arg10[%add3A_137, %and3A_430] : memref<512x64xf32, #tpu.memory_space<vmem>>[vector<16xi32>, vector<16xi32>], vector<16xf32>,
      %mul3A_436 = arith.mulf %gather3A_431, %gather3A_435 : vector<16xf32>
      %add3A_437 = arith.addf %add3A_424, %mul3A_436 : vector<16xf32>
      %add3A_438 = arith.constant 23 : i32
      %add3A_439 = vector.broadcast %add3A_438 : i32 to vector<16xi32>
      %add3A_440 = arith.addi %iota3A, %add3A_439 : vector<16xi32>
      %and3A_441 = arith.constant 63 : i32
      %and3A_442 = vector.broadcast %and3A_441 : i32 to vector<16xi32>
      %and3A_443 = arith.andi %add3A_440, %and3A_442 : vector<16xi32>
      %gather3A_444 = tpu.vector_load_idx %arg11[%and3A_443] : memref<64xf32, #tpu.memory_space<vmem>>[vector<16xi32>], vector<16xf32>,
      %gather3A_445 = tpu.vector_load_idx %arg10[%add3A_133, %and3A_443] : memref<512x64xf32, #tpu.memory_space<vmem>>[vector<16xi32>, vector<16xi32>], vector<16xf32>,
      %mul3A_446 = arith.mulf %gather3A_444, %gather3A_445 : vector<16xf32>
      %add3A_447 = arith.addf %add3A_434, %mul3A_446 : vector<16xf32>
      %gather3A_448 = tpu.vector_load_idx %arg10[%add3A_137, %and3A_443] : memref<512x64xf32, #tpu.memory_space<vmem>>[vector<16xi32>, vector<16xi32>], vector<16xf32>,
      %mul3A_449 = arith.mulf %gather3A_444, %gather3A_448 : vector<16xf32>
      %add3A_450 = arith.addf %add3A_437, %mul3A_449 : vector<16xf32>
      %add3A_451 = arith.constant 24 : i32
      %add3A_452 = vector.broadcast %add3A_451 : i32 to vector<16xi32>
      %add3A_453 = arith.addi %iota3A, %add3A_452 : vector<16xi32>
      %and3A_454 = arith.constant 63 : i32
      %and3A_455 = vector.broadcast %and3A_454 : i32 to vector<16xi32>
      %and3A_456 = arith.andi %add3A_453, %and3A_455 : vector<16xi32>
      %gather3A_457 = tpu.vector_load_idx %arg11[%and3A_456] : memref<64xf32, #tpu.memory_space<vmem>>[vector<16xi32>], vector<16xf32>,
      %gather3A_458 = tpu.vector_load_idx %arg10[%add3A_133, %and3A_456] : memref<512x64xf32, #tpu.memory_space<vmem>>[vector<16xi32>, vector<16xi32>], vector<16xf32>,
      %mul3A_459 = arith.mulf %gather3A_457, %gather3A_458 : vector<16xf32>
      %add3A_460 = arith.addf %add3A_447, %mul3A_459 : vector<16xf32>
      %gather3A_461 = tpu.vector_load_idx %arg10[%add3A_137, %and3A_456] : memref<512x64xf32, #tpu.memory_space<vmem>>[vector<16xi32>, vector<16xi32>], vector<16xf32>,
      %mul3A_462 = arith.mulf %gather3A_457, %gather3A_461 : vector<16xf32>
      %add3A_463 = arith.addf %add3A_450, %mul3A_462 : vector<16xf32>
      %add3A_464 = arith.constant 25 : i32
      %add3A_465 = vector.broadcast %add3A_464 : i32 to vector<16xi32>
      %add3A_466 = arith.addi %iota3A, %add3A_465 : vector<16xi32>
      %and3A_467 = arith.constant 63 : i32
      %and3A_468 = vector.broadcast %and3A_467 : i32 to vector<16xi32>
      %and3A_469 = arith.andi %add3A_466, %and3A_468 : vector<16xi32>
      %gather3A_470 = tpu.vector_load_idx %arg11[%and3A_469] : memref<64xf32, #tpu.memory_space<vmem>>[vector<16xi32>], vector<16xf32>,
      %gather3A_471 = tpu.vector_load_idx %arg10[%add3A_133, %and3A_469] : memref<512x64xf32, #tpu.memory_space<vmem>>[vector<16xi32>, vector<16xi32>], vector<16xf32>,
      %mul3A_472 = arith.mulf %gather3A_470, %gather3A_471 : vector<16xf32>
      %add3A_473 = arith.addf %add3A_460, %mul3A_472 : vector<16xf32>
      %gather3A_474 = tpu.vector_load_idx %arg10[%add3A_137, %and3A_469] : memref<512x64xf32, #tpu.memory_space<vmem>>[vector<16xi32>, vector<16xi32>], vector<16xf32>,
      %mul3A_475 = arith.mulf %gather3A_470, %gather3A_474 : vector<16xf32>
      %add3A_476 = arith.addf %add3A_463, %mul3A_475 : vector<16xf32>
      %add3A_477 = arith.constant 26 : i32
      %add3A_478 = vector.broadcast %add3A_477 : i32 to vector<16xi32>
      %add3A_479 = arith.addi %iota3A, %add3A_478 : vector<16xi32>
      %and3A_480 = arith.constant 63 : i32
      %and3A_481 = vector.broadcast %and3A_480 : i32 to vector<16xi32>
      %and3A_482 = arith.andi %add3A_479, %and3A_481 : vector<16xi32>
      %gather3A_483 = tpu.vector_load_idx %arg11[%and3A_482] : memref<64xf32, #tpu.memory_space<vmem>>[vector<16xi32>], vector<16xf32>,
      %gather3A_484 = tpu.vector_load_idx %arg10[%add3A_133, %and3A_482] : memref<512x64xf32, #tpu.memory_space<vmem>>[vector<16xi32>, vector<16xi32>], vector<16xf32>,
      %mul3A_485 = arith.mulf %gather3A_483, %gather3A_484 : vector<16xf32>
      %add3A_486 = arith.addf %add3A_473, %mul3A_485 : vector<16xf32>
      %gather3A_487 = tpu.vector_load_idx %arg10[%add3A_137, %and3A_482] : memref<512x64xf32, #tpu.memory_space<vmem>>[vector<16xi32>, vector<16xi32>], vector<16xf32>,
      %mul3A_488 = arith.mulf %gather3A_483, %gather3A_487 : vector<16xf32>
      %add3A_489 = arith.addf %add3A_476, %mul3A_488 : vector<16xf32>
      %add3A_490 = arith.constant 27 : i32
      %add3A_491 = vector.broadcast %add3A_490 : i32 to vector<16xi32>
      %add3A_492 = arith.addi %iota3A, %add3A_491 : vector<16xi32>
      %and3A_493 = arith.constant 63 : i32
      %and3A_494 = vector.broadcast %and3A_493 : i32 to vector<16xi32>
      %and3A_495 = arith.andi %add3A_492, %and3A_494 : vector<16xi32>
      %gather3A_496 = tpu.vector_load_idx %arg11[%and3A_495] : memref<64xf32, #tpu.memory_space<vmem>>[vector<16xi32>], vector<16xf32>,
      %gather3A_497 = tpu.vector_load_idx %arg10[%add3A_133, %and3A_495] : memref<512x64xf32, #tpu.memory_space<vmem>>[vector<16xi32>, vector<16xi32>], vector<16xf32>,
      %mul3A_498 = arith.mulf %gather3A_496, %gather3A_497 : vector<16xf32>
      %add3A_499 = arith.addf %add3A_486, %mul3A_498 : vector<16xf32>
      %gather3A_500 = tpu.vector_load_idx %arg10[%add3A_137, %and3A_495] : memref<512x64xf32, #tpu.memory_space<vmem>>[vector<16xi32>, vector<16xi32>], vector<16xf32>,
      %mul3A_501 = arith.mulf %gather3A_496, %gather3A_500 : vector<16xf32>
      %add3A_502 = arith.addf %add3A_489, %mul3A_501 : vector<16xf32>
      %add3A_503 = arith.constant 28 : i32
      %add3A_504 = vector.broadcast %add3A_503 : i32 to vector<16xi32>
      %add3A_505 = arith.addi %iota3A, %add3A_504 : vector<16xi32>
      %and3A_506 = arith.constant 63 : i32
      %and3A_507 = vector.broadcast %and3A_506 : i32 to vector<16xi32>
      %and3A_508 = arith.andi %add3A_505, %and3A_507 : vector<16xi32>
      %gather3A_509 = tpu.vector_load_idx %arg11[%and3A_508] : memref<64xf32, #tpu.memory_space<vmem>>[vector<16xi32>], vector<16xf32>,
      %gather3A_510 = tpu.vector_load_idx %arg10[%add3A_133, %and3A_508] : memref<512x64xf32, #tpu.memory_space<vmem>>[vector<16xi32>, vector<16xi32>], vector<16xf32>,
      %mul3A_511 = arith.mulf %gather3A_509, %gather3A_510 : vector<16xf32>
      %add3A_512 = arith.addf %add3A_499, %mul3A_511 : vector<16xf32>
      %gather3A_513 = tpu.vector_load_idx %arg10[%add3A_137, %and3A_508] : memref<512x64xf32, #tpu.memory_space<vmem>>[vector<16xi32>, vector<16xi32>], vector<16xf32>,
      %mul3A_514 = arith.mulf %gather3A_509, %gather3A_513 : vector<16xf32>
      %add3A_515 = arith.addf %add3A_502, %mul3A_514 : vector<16xf32>
      %add3A_516 = arith.constant 29 : i32
      %add3A_517 = vector.broadcast %add3A_516 : i32 to vector<16xi32>
      %add3A_518 = arith.addi %iota3A, %add3A_517 : vector<16xi32>
      %and3A_519 = arith.constant 63 : i32
      %and3A_520 = vector.broadcast %and3A_519 : i32 to vector<16xi32>
      %and3A_521 = arith.andi %add3A_518, %and3A_520 : vector<16xi32>
      %gather3A_522 = tpu.vector_load_idx %arg11[%and3A_521] : memref<64xf32, #tpu.memory_space<vmem>>[vector<16xi32>], vector<16xf32>,
      %gather3A_523 = tpu.vector_load_idx %arg10[%add3A_133, %and3A_521] : memref<512x64xf32, #tpu.memory_space<vmem>>[vector<16xi32>, vector<16xi32>], vector<16xf32>,
      %mul3A_524 = arith.mulf %gather3A_522, %gather3A_523 : vector<16xf32>
      %add3A_525 = arith.addf %add3A_512, %mul3A_524 : vector<16xf32>
      %gather3A_526 = tpu.vector_load_idx %arg10[%add3A_137, %and3A_521] : memref<512x64xf32, #tpu.memory_space<vmem>>[vector<16xi32>, vector<16xi32>], vector<16xf32>,
      %mul3A_527 = arith.mulf %gather3A_522, %gather3A_526 : vector<16xf32>
      %add3A_528 = arith.addf %add3A_515, %mul3A_527 : vector<16xf32>
      %add3A_529 = arith.constant 30 : i32
      %add3A_530 = vector.broadcast %add3A_529 : i32 to vector<16xi32>
      %add3A_531 = arith.addi %iota3A, %add3A_530 : vector<16xi32>
      %and3A_532 = arith.constant 63 : i32
      %and3A_533 = vector.broadcast %and3A_532 : i32 to vector<16xi32>
      %and3A_534 = arith.andi %add3A_531, %and3A_533 : vector<16xi32>
      %gather3A_535 = tpu.vector_load_idx %arg11[%and3A_534] : memref<64xf32, #tpu.memory_space<vmem>>[vector<16xi32>], vector<16xf32>,
      %gather3A_536 = tpu.vector_load_idx %arg10[%add3A_133, %and3A_534] : memref<512x64xf32, #tpu.memory_space<vmem>>[vector<16xi32>, vector<16xi32>], vector<16xf32>,
      %mul3A_537 = arith.mulf %gather3A_535, %gather3A_536 : vector<16xf32>
      %add3A_538 = arith.addf %add3A_525, %mul3A_537 : vector<16xf32>
      %gather3A_539 = tpu.vector_load_idx %arg10[%add3A_137, %and3A_534] : memref<512x64xf32, #tpu.memory_space<vmem>>[vector<16xi32>, vector<16xi32>], vector<16xf32>,
      %mul3A_540 = arith.mulf %gather3A_535, %gather3A_539 : vector<16xf32>
      %add3A_541 = arith.addf %add3A_528, %mul3A_540 : vector<16xf32>
      %add3A_542 = arith.constant 31 : i32
      %add3A_543 = vector.broadcast %add3A_542 : i32 to vector<16xi32>
      %add3A_544 = arith.addi %iota3A, %add3A_543 : vector<16xi32>
      %and3A_545 = arith.constant 63 : i32
      %and3A_546 = vector.broadcast %and3A_545 : i32 to vector<16xi32>
      %and3A_547 = arith.andi %add3A_544, %and3A_546 : vector<16xi32>
      %gather3A_548 = tpu.vector_load_idx %arg11[%and3A_547] : memref<64xf32, #tpu.memory_space<vmem>>[vector<16xi32>], vector<16xf32>,
      %gather3A_549 = tpu.vector_load_idx %arg10[%add3A_133, %and3A_547] : memref<512x64xf32, #tpu.memory_space<vmem>>[vector<16xi32>, vector<16xi32>], vector<16xf32>,
      %mul3A_550 = arith.mulf %gather3A_548, %gather3A_549 : vector<16xf32>
      %add3A_551 = arith.addf %add3A_538, %mul3A_550 : vector<16xf32>
      %gather3A_552 = tpu.vector_load_idx %arg10[%add3A_137, %and3A_547] : memref<512x64xf32, #tpu.memory_space<vmem>>[vector<16xi32>, vector<16xi32>], vector<16xf32>,
      %mul3A_553 = arith.mulf %gather3A_548, %gather3A_552 : vector<16xf32>
      %add3A_554 = arith.addf %add3A_541, %mul3A_553 : vector<16xf32>
      %add3A_555 = arith.constant 32 : i32
      %add3A_556 = vector.broadcast %add3A_555 : i32 to vector<16xi32>
      %add3A_557 = arith.addi %iota3A, %add3A_556 : vector<16xi32>
      %and3A_558 = arith.constant 63 : i32
      %and3A_559 = vector.broadcast %and3A_558 : i32 to vector<16xi32>
      %and3A_560 = arith.andi %add3A_557, %and3A_559 : vector<16xi32>
      %gather3A_561 = tpu.vector_load_idx %arg11[%and3A_560] : memref<64xf32, #tpu.memory_space<vmem>>[vector<16xi32>], vector<16xf32>,
      %gather3A_562 = tpu.vector_load_idx %arg10[%add3A_133, %and3A_560] : memref<512x64xf32, #tpu.memory_space<vmem>>[vector<16xi32>, vector<16xi32>], vector<16xf32>,
      %mul3A_563 = arith.mulf %gather3A_561, %gather3A_562 : vector<16xf32>
      %add3A_564 = arith.addf %add3A_551, %mul3A_563 : vector<16xf32>
      %gather3A_565 = tpu.vector_load_idx %arg10[%add3A_137, %and3A_560] : memref<512x64xf32, #tpu.memory_space<vmem>>[vector<16xi32>, vector<16xi32>], vector<16xf32>,
      %mul3A_566 = arith.mulf %gather3A_561, %gather3A_565 : vector<16xf32>
      %add3A_567 = arith.addf %add3A_554, %mul3A_566 : vector<16xf32>
      %add3A_568 = arith.constant 33 : i32
      %add3A_569 = vector.broadcast %add3A_568 : i32 to vector<16xi32>
      %add3A_570 = arith.addi %iota3A, %add3A_569 : vector<16xi32>
      %and3A_571 = arith.constant 63 : i32
      %and3A_572 = vector.broadcast %and3A_571 : i32 to vector<16xi32>
      %and3A_573 = arith.andi %add3A_570, %and3A_572 : vector<16xi32>
      %gather3A_574 = tpu.vector_load_idx %arg11[%and3A_573] : memref<64xf32, #tpu.memory_space<vmem>>[vector<16xi32>], vector<16xf32>,
      %gather3A_575 = tpu.vector_load_idx %arg10[%add3A_133, %and3A_573] : memref<512x64xf32, #tpu.memory_space<vmem>>[vector<16xi32>, vector<16xi32>], vector<16xf32>,
      %mul3A_576 = arith.mulf %gather3A_574, %gather3A_575 : vector<16xf32>
      %add3A_577 = arith.addf %add3A_564, %mul3A_576 : vector<16xf32>
      %gather3A_578 = tpu.vector_load_idx %arg10[%add3A_137, %and3A_573] : memref<512x64xf32, #tpu.memory_space<vmem>>[vector<16xi32>, vector<16xi32>], vector<16xf32>,
      %mul3A_579 = arith.mulf %gather3A_574, %gather3A_578 : vector<16xf32>
      %add3A_580 = arith.addf %add3A_567, %mul3A_579 : vector<16xf32>
      %add3A_581 = arith.constant 34 : i32
      %add3A_582 = vector.broadcast %add3A_581 : i32 to vector<16xi32>
      %add3A_583 = arith.addi %iota3A, %add3A_582 : vector<16xi32>
      %and3A_584 = arith.constant 63 : i32
      %and3A_585 = vector.broadcast %and3A_584 : i32 to vector<16xi32>
      %and3A_586 = arith.andi %add3A_583, %and3A_585 : vector<16xi32>
      %gather3A_587 = tpu.vector_load_idx %arg11[%and3A_586] : memref<64xf32, #tpu.memory_space<vmem>>[vector<16xi32>], vector<16xf32>,
      %gather3A_588 = tpu.vector_load_idx %arg10[%add3A_133, %and3A_586] : memref<512x64xf32, #tpu.memory_space<vmem>>[vector<16xi32>, vector<16xi32>], vector<16xf32>,
      %mul3A_589 = arith.mulf %gather3A_587, %gather3A_588 : vector<16xf32>
      %add3A_590 = arith.addf %add3A_577, %mul3A_589 : vector<16xf32>
      %gather3A_591 = tpu.vector_load_idx %arg10[%add3A_137, %and3A_586] : memref<512x64xf32, #tpu.memory_space<vmem>>[vector<16xi32>, vector<16xi32>], vector<16xf32>,
      %mul3A_592 = arith.mulf %gather3A_587, %gather3A_591 : vector<16xf32>
      %add3A_593 = arith.addf %add3A_580, %mul3A_592 : vector<16xf32>
      %add3A_594 = arith.constant 35 : i32
      %add3A_595 = vector.broadcast %add3A_594 : i32 to vector<16xi32>
      %add3A_596 = arith.addi %iota3A, %add3A_595 : vector<16xi32>
      %and3A_597 = arith.constant 63 : i32
      %and3A_598 = vector.broadcast %and3A_597 : i32 to vector<16xi32>
      %and3A_599 = arith.andi %add3A_596, %and3A_598 : vector<16xi32>
      %gather3A_600 = tpu.vector_load_idx %arg11[%and3A_599] : memref<64xf32, #tpu.memory_space<vmem>>[vector<16xi32>], vector<16xf32>,
      %gather3A_601 = tpu.vector_load_idx %arg10[%add3A_133, %and3A_599] : memref<512x64xf32, #tpu.memory_space<vmem>>[vector<16xi32>, vector<16xi32>], vector<16xf32>,
      %mul3A_602 = arith.mulf %gather3A_600, %gather3A_601 : vector<16xf32>
      %add3A_603 = arith.addf %add3A_590, %mul3A_602 : vector<16xf32>
      %gather3A_604 = tpu.vector_load_idx %arg10[%add3A_137, %and3A_599] : memref<512x64xf32, #tpu.memory_space<vmem>>[vector<16xi32>, vector<16xi32>], vector<16xf32>,
      %mul3A_605 = arith.mulf %gather3A_600, %gather3A_604 : vector<16xf32>
      %add3A_606 = arith.addf %add3A_593, %mul3A_605 : vector<16xf32>
      %add3A_607 = arith.constant 36 : i32
      %add3A_608 = vector.broadcast %add3A_607 : i32 to vector<16xi32>
      %add3A_609 = arith.addi %iota3A, %add3A_608 : vector<16xi32>
      %and3A_610 = arith.constant 63 : i32
      %and3A_611 = vector.broadcast %and3A_610 : i32 to vector<16xi32>
      %and3A_612 = arith.andi %add3A_609, %and3A_611 : vector<16xi32>
      %gather3A_613 = tpu.vector_load_idx %arg11[%and3A_612] : memref<64xf32, #tpu.memory_space<vmem>>[vector<16xi32>], vector<16xf32>,
      %gather3A_614 = tpu.vector_load_idx %arg10[%add3A_133, %and3A_612] : memref<512x64xf32, #tpu.memory_space<vmem>>[vector<16xi32>, vector<16xi32>], vector<16xf32>,
      %mul3A_615 = arith.mulf %gather3A_613, %gather3A_614 : vector<16xf32>
      %add3A_616 = arith.addf %add3A_603, %mul3A_615 : vector<16xf32>
      %gather3A_617 = tpu.vector_load_idx %arg10[%add3A_137, %and3A_612] : memref<512x64xf32, #tpu.memory_space<vmem>>[vector<16xi32>, vector<16xi32>], vector<16xf32>,
      %mul3A_618 = arith.mulf %gather3A_613, %gather3A_617 : vector<16xf32>
      %add3A_619 = arith.addf %add3A_606, %mul3A_618 : vector<16xf32>
      %add3A_620 = arith.constant 37 : i32
      %add3A_621 = vector.broadcast %add3A_620 : i32 to vector<16xi32>
      %add3A_622 = arith.addi %iota3A, %add3A_621 : vector<16xi32>
      %and3A_623 = arith.constant 63 : i32
      %and3A_624 = vector.broadcast %and3A_623 : i32 to vector<16xi32>
      %and3A_625 = arith.andi %add3A_622, %and3A_624 : vector<16xi32>
      %gather3A_626 = tpu.vector_load_idx %arg11[%and3A_625] : memref<64xf32, #tpu.memory_space<vmem>>[vector<16xi32>], vector<16xf32>,
      %gather3A_627 = tpu.vector_load_idx %arg10[%add3A_133, %and3A_625] : memref<512x64xf32, #tpu.memory_space<vmem>>[vector<16xi32>, vector<16xi32>], vector<16xf32>,
      %mul3A_628 = arith.mulf %gather3A_626, %gather3A_627 : vector<16xf32>
      %add3A_629 = arith.addf %add3A_616, %mul3A_628 : vector<16xf32>
      %gather3A_630 = tpu.vector_load_idx %arg10[%add3A_137, %and3A_625] : memref<512x64xf32, #tpu.memory_space<vmem>>[vector<16xi32>, vector<16xi32>], vector<16xf32>,
      %mul3A_631 = arith.mulf %gather3A_626, %gather3A_630 : vector<16xf32>
      %add3A_632 = arith.addf %add3A_619, %mul3A_631 : vector<16xf32>
      %add3A_633 = arith.constant 38 : i32
      %add3A_634 = vector.broadcast %add3A_633 : i32 to vector<16xi32>
      %add3A_635 = arith.addi %iota3A, %add3A_634 : vector<16xi32>
      %and3A_636 = arith.constant 63 : i32
      %and3A_637 = vector.broadcast %and3A_636 : i32 to vector<16xi32>
      %and3A_638 = arith.andi %add3A_635, %and3A_637 : vector<16xi32>
      %gather3A_639 = tpu.vector_load_idx %arg11[%and3A_638] : memref<64xf32, #tpu.memory_space<vmem>>[vector<16xi32>], vector<16xf32>,
      %gather3A_640 = tpu.vector_load_idx %arg10[%add3A_133, %and3A_638] : memref<512x64xf32, #tpu.memory_space<vmem>>[vector<16xi32>, vector<16xi32>], vector<16xf32>,
      %mul3A_641 = arith.mulf %gather3A_639, %gather3A_640 : vector<16xf32>
      %add3A_642 = arith.addf %add3A_629, %mul3A_641 : vector<16xf32>
      %gather3A_643 = tpu.vector_load_idx %arg10[%add3A_137, %and3A_638] : memref<512x64xf32, #tpu.memory_space<vmem>>[vector<16xi32>, vector<16xi32>], vector<16xf32>,
      %mul3A_644 = arith.mulf %gather3A_639, %gather3A_643 : vector<16xf32>
      %add3A_645 = arith.addf %add3A_632, %mul3A_644 : vector<16xf32>
      %add3A_646 = arith.constant 39 : i32
      %add3A_647 = vector.broadcast %add3A_646 : i32 to vector<16xi32>
      %add3A_648 = arith.addi %iota3A, %add3A_647 : vector<16xi32>
      %and3A_649 = arith.constant 63 : i32
      %and3A_650 = vector.broadcast %and3A_649 : i32 to vector<16xi32>
      %and3A_651 = arith.andi %add3A_648, %and3A_650 : vector<16xi32>
      %gather3A_652 = tpu.vector_load_idx %arg11[%and3A_651] : memref<64xf32, #tpu.memory_space<vmem>>[vector<16xi32>], vector<16xf32>,
      %gather3A_653 = tpu.vector_load_idx %arg10[%add3A_133, %and3A_651] : memref<512x64xf32, #tpu.memory_space<vmem>>[vector<16xi32>, vector<16xi32>], vector<16xf32>,
      %mul3A_654 = arith.mulf %gather3A_652, %gather3A_653 : vector<16xf32>
      %add3A_655 = arith.addf %add3A_642, %mul3A_654 : vector<16xf32>
      %gather3A_656 = tpu.vector_load_idx %arg10[%add3A_137, %and3A_651] : memref<512x64xf32, #tpu.memory_space<vmem>>[vector<16xi32>, vector<16xi32>], vector<16xf32>,
      %mul3A_657 = arith.mulf %gather3A_652, %gather3A_656 : vector<16xf32>
      %add3A_658 = arith.addf %add3A_645, %mul3A_657 : vector<16xf32>
      %add3A_659 = arith.constant 40 : i32
      %add3A_660 = vector.broadcast %add3A_659 : i32 to vector<16xi32>
      %add3A_661 = arith.addi %iota3A, %add3A_660 : vector<16xi32>
      %and3A_662 = arith.constant 63 : i32
      %and3A_663 = vector.broadcast %and3A_662 : i32 to vector<16xi32>
      %and3A_664 = arith.andi %add3A_661, %and3A_663 : vector<16xi32>
      %gather3A_665 = tpu.vector_load_idx %arg11[%and3A_664] : memref<64xf32, #tpu.memory_space<vmem>>[vector<16xi32>], vector<16xf32>,
      %gather3A_666 = tpu.vector_load_idx %arg10[%add3A_133, %and3A_664] : memref<512x64xf32, #tpu.memory_space<vmem>>[vector<16xi32>, vector<16xi32>], vector<16xf32>,
      %mul3A_667 = arith.mulf %gather3A_665, %gather3A_666 : vector<16xf32>
      %add3A_668 = arith.addf %add3A_655, %mul3A_667 : vector<16xf32>
      %gather3A_669 = tpu.vector_load_idx %arg10[%add3A_137, %and3A_664] : memref<512x64xf32, #tpu.memory_space<vmem>>[vector<16xi32>, vector<16xi32>], vector<16xf32>,
      %mul3A_670 = arith.mulf %gather3A_665, %gather3A_669 : vector<16xf32>
      %add3A_671 = arith.addf %add3A_658, %mul3A_670 : vector<16xf32>
      %add3A_672 = arith.constant 41 : i32
      %add3A_673 = vector.broadcast %add3A_672 : i32 to vector<16xi32>
      %add3A_674 = arith.addi %iota3A, %add3A_673 : vector<16xi32>
      %and3A_675 = arith.constant 63 : i32
      %and3A_676 = vector.broadcast %and3A_675 : i32 to vector<16xi32>
      %and3A_677 = arith.andi %add3A_674, %and3A_676 : vector<16xi32>
      %gather3A_678 = tpu.vector_load_idx %arg11[%and3A_677] : memref<64xf32, #tpu.memory_space<vmem>>[vector<16xi32>], vector<16xf32>,
      %gather3A_679 = tpu.vector_load_idx %arg10[%add3A_133, %and3A_677] : memref<512x64xf32, #tpu.memory_space<vmem>>[vector<16xi32>, vector<16xi32>], vector<16xf32>,
      %mul3A_680 = arith.mulf %gather3A_678, %gather3A_679 : vector<16xf32>
      %add3A_681 = arith.addf %add3A_668, %mul3A_680 : vector<16xf32>
      %gather3A_682 = tpu.vector_load_idx %arg10[%add3A_137, %and3A_677] : memref<512x64xf32, #tpu.memory_space<vmem>>[vector<16xi32>, vector<16xi32>], vector<16xf32>,
      %mul3A_683 = arith.mulf %gather3A_678, %gather3A_682 : vector<16xf32>
      %add3A_684 = arith.addf %add3A_671, %mul3A_683 : vector<16xf32>
      %add3A_685 = arith.constant 42 : i32
      %add3A_686 = vector.broadcast %add3A_685 : i32 to vector<16xi32>
      %add3A_687 = arith.addi %iota3A, %add3A_686 : vector<16xi32>
      %and3A_688 = arith.constant 63 : i32
      %and3A_689 = vector.broadcast %and3A_688 : i32 to vector<16xi32>
      %and3A_690 = arith.andi %add3A_687, %and3A_689 : vector<16xi32>
      %gather3A_691 = tpu.vector_load_idx %arg11[%and3A_690] : memref<64xf32, #tpu.memory_space<vmem>>[vector<16xi32>], vector<16xf32>,
      %gather3A_692 = tpu.vector_load_idx %arg10[%add3A_133, %and3A_690] : memref<512x64xf32, #tpu.memory_space<vmem>>[vector<16xi32>, vector<16xi32>], vector<16xf32>,
      %mul3A_693 = arith.mulf %gather3A_691, %gather3A_692 : vector<16xf32>
      %add3A_694 = arith.addf %add3A_681, %mul3A_693 : vector<16xf32>
      %gather3A_695 = tpu.vector_load_idx %arg10[%add3A_137, %and3A_690] : memref<512x64xf32, #tpu.memory_space<vmem>>[vector<16xi32>, vector<16xi32>], vector<16xf32>,
      %mul3A_696 = arith.mulf %gather3A_691, %gather3A_695 : vector<16xf32>
      %add3A_697 = arith.addf %add3A_684, %mul3A_696 : vector<16xf32>
      %add3A_698 = arith.constant 43 : i32
      %add3A_699 = vector.broadcast %add3A_698 : i32 to vector<16xi32>
      %add3A_700 = arith.addi %iota3A, %add3A_699 : vector<16xi32>
      %and3A_701 = arith.constant 63 : i32
      %and3A_702 = vector.broadcast %and3A_701 : i32 to vector<16xi32>
      %and3A_703 = arith.andi %add3A_700, %and3A_702 : vector<16xi32>
      %gather3A_704 = tpu.vector_load_idx %arg11[%and3A_703] : memref<64xf32, #tpu.memory_space<vmem>>[vector<16xi32>], vector<16xf32>,
      %gather3A_705 = tpu.vector_load_idx %arg10[%add3A_133, %and3A_703] : memref<512x64xf32, #tpu.memory_space<vmem>>[vector<16xi32>, vector<16xi32>], vector<16xf32>,
      %mul3A_706 = arith.mulf %gather3A_704, %gather3A_705 : vector<16xf32>
      %add3A_707 = arith.addf %add3A_694, %mul3A_706 : vector<16xf32>
      %gather3A_708 = tpu.vector_load_idx %arg10[%add3A_137, %and3A_703] : memref<512x64xf32, #tpu.memory_space<vmem>>[vector<16xi32>, vector<16xi32>], vector<16xf32>,
      %mul3A_709 = arith.mulf %gather3A_704, %gather3A_708 : vector<16xf32>
      %add3A_710 = arith.addf %add3A_697, %mul3A_709 : vector<16xf32>
      %add3A_711 = arith.constant 44 : i32
      %add3A_712 = vector.broadcast %add3A_711 : i32 to vector<16xi32>
      %add3A_713 = arith.addi %iota3A, %add3A_712 : vector<16xi32>
      %and3A_714 = arith.constant 63 : i32
      %and3A_715 = vector.broadcast %and3A_714 : i32 to vector<16xi32>
      %and3A_716 = arith.andi %add3A_713, %and3A_715 : vector<16xi32>
      %gather3A_717 = tpu.vector_load_idx %arg11[%and3A_716] : memref<64xf32, #tpu.memory_space<vmem>>[vector<16xi32>], vector<16xf32>,
      %gather3A_718 = tpu.vector_load_idx %arg10[%add3A_133, %and3A_716] : memref<512x64xf32, #tpu.memory_space<vmem>>[vector<16xi32>, vector<16xi32>], vector<16xf32>,
      %mul3A_719 = arith.mulf %gather3A_717, %gather3A_718 : vector<16xf32>
      %add3A_720 = arith.addf %add3A_707, %mul3A_719 : vector<16xf32>
      %gather3A_721 = tpu.vector_load_idx %arg10[%add3A_137, %and3A_716] : memref<512x64xf32, #tpu.memory_space<vmem>>[vector<16xi32>, vector<16xi32>], vector<16xf32>,
      %mul3A_722 = arith.mulf %gather3A_717, %gather3A_721 : vector<16xf32>
      %add3A_723 = arith.addf %add3A_710, %mul3A_722 : vector<16xf32>
      %add3A_724 = arith.constant 45 : i32
      %add3A_725 = vector.broadcast %add3A_724 : i32 to vector<16xi32>
      %add3A_726 = arith.addi %iota3A, %add3A_725 : vector<16xi32>
      %and3A_727 = arith.constant 63 : i32
      %and3A_728 = vector.broadcast %and3A_727 : i32 to vector<16xi32>
      %and3A_729 = arith.andi %add3A_726, %and3A_728 : vector<16xi32>
      %gather3A_730 = tpu.vector_load_idx %arg11[%and3A_729] : memref<64xf32, #tpu.memory_space<vmem>>[vector<16xi32>], vector<16xf32>,
      %gather3A_731 = tpu.vector_load_idx %arg10[%add3A_133, %and3A_729] : memref<512x64xf32, #tpu.memory_space<vmem>>[vector<16xi32>, vector<16xi32>], vector<16xf32>,
      %mul3A_732 = arith.mulf %gather3A_730, %gather3A_731 : vector<16xf32>
      %add3A_733 = arith.addf %add3A_720, %mul3A_732 : vector<16xf32>
      %gather3A_734 = tpu.vector_load_idx %arg10[%add3A_137, %and3A_729] : memref<512x64xf32, #tpu.memory_space<vmem>>[vector<16xi32>, vector<16xi32>], vector<16xf32>,
      %mul3A_735 = arith.mulf %gather3A_730, %gather3A_734 : vector<16xf32>
      %add3A_736 = arith.addf %add3A_723, %mul3A_735 : vector<16xf32>
      %add3A_737 = arith.constant 46 : i32
      %add3A_738 = vector.broadcast %add3A_737 : i32 to vector<16xi32>
      %add3A_739 = arith.addi %iota3A, %add3A_738 : vector<16xi32>
      %and3A_740 = arith.constant 63 : i32
      %and3A_741 = vector.broadcast %and3A_740 : i32 to vector<16xi32>
      %and3A_742 = arith.andi %add3A_739, %and3A_741 : vector<16xi32>
      %gather3A_743 = tpu.vector_load_idx %arg11[%and3A_742] : memref<64xf32, #tpu.memory_space<vmem>>[vector<16xi32>], vector<16xf32>,
      %gather3A_744 = tpu.vector_load_idx %arg10[%add3A_133, %and3A_742] : memref<512x64xf32, #tpu.memory_space<vmem>>[vector<16xi32>, vector<16xi32>], vector<16xf32>,
      %mul3A_745 = arith.mulf %gather3A_743, %gather3A_744 : vector<16xf32>
      %add3A_746 = arith.addf %add3A_733, %mul3A_745 : vector<16xf32>
      %gather3A_747 = tpu.vector_load_idx %arg10[%add3A_137, %and3A_742] : memref<512x64xf32, #tpu.memory_space<vmem>>[vector<16xi32>, vector<16xi32>], vector<16xf32>,
      %mul3A_748 = arith.mulf %gather3A_743, %gather3A_747 : vector<16xf32>
      %add3A_749 = arith.addf %add3A_736, %mul3A_748 : vector<16xf32>
      %add3A_750 = arith.constant 47 : i32
      %add3A_751 = vector.broadcast %add3A_750 : i32 to vector<16xi32>
      %add3A_752 = arith.addi %iota3A, %add3A_751 : vector<16xi32>
      %and3A_753 = arith.constant 63 : i32
      %and3A_754 = vector.broadcast %and3A_753 : i32 to vector<16xi32>
      %and3A_755 = arith.andi %add3A_752, %and3A_754 : vector<16xi32>
      %gather3A_756 = tpu.vector_load_idx %arg11[%and3A_755] : memref<64xf32, #tpu.memory_space<vmem>>[vector<16xi32>], vector<16xf32>,
      %gather3A_757 = tpu.vector_load_idx %arg10[%add3A_133, %and3A_755] : memref<512x64xf32, #tpu.memory_space<vmem>>[vector<16xi32>, vector<16xi32>], vector<16xf32>,
      %mul3A_758 = arith.mulf %gather3A_756, %gather3A_757 : vector<16xf32>
      %add3A_759 = arith.addf %add3A_746, %mul3A_758 : vector<16xf32>
      %gather3A_760 = tpu.vector_load_idx %arg10[%add3A_137, %and3A_755] : memref<512x64xf32, #tpu.memory_space<vmem>>[vector<16xi32>, vector<16xi32>], vector<16xf32>,
      %mul3A_761 = arith.mulf %gather3A_756, %gather3A_760 : vector<16xf32>
      %add3A_762 = arith.addf %add3A_749, %mul3A_761 : vector<16xf32>
      %add3A_763 = arith.constant 48 : i32
      %add3A_764 = vector.broadcast %add3A_763 : i32 to vector<16xi32>
      %add3A_765 = arith.addi %iota3A, %add3A_764 : vector<16xi32>
      %and3A_766 = arith.constant 63 : i32
      %and3A_767 = vector.broadcast %and3A_766 : i32 to vector<16xi32>
      %and3A_768 = arith.andi %add3A_765, %and3A_767 : vector<16xi32>
      %gather3A_769 = tpu.vector_load_idx %arg11[%and3A_768] : memref<64xf32, #tpu.memory_space<vmem>>[vector<16xi32>], vector<16xf32>,
      %gather3A_770 = tpu.vector_load_idx %arg10[%add3A_133, %and3A_768] : memref<512x64xf32, #tpu.memory_space<vmem>>[vector<16xi32>, vector<16xi32>], vector<16xf32>,
      %mul3A_771 = arith.mulf %gather3A_769, %gather3A_770 : vector<16xf32>
      %add3A_772 = arith.addf %add3A_759, %mul3A_771 : vector<16xf32>
      %gather3A_773 = tpu.vector_load_idx %arg10[%add3A_137, %and3A_768] : memref<512x64xf32, #tpu.memory_space<vmem>>[vector<16xi32>, vector<16xi32>], vector<16xf32>,
      %mul3A_774 = arith.mulf %gather3A_769, %gather3A_773 : vector<16xf32>
      %add3A_775 = arith.addf %add3A_762, %mul3A_774 : vector<16xf32>
      %add3A_776 = arith.constant 49 : i32
      %add3A_777 = vector.broadcast %add3A_776 : i32 to vector<16xi32>
      %add3A_778 = arith.addi %iota3A, %add3A_777 : vector<16xi32>
      %and3A_779 = arith.constant 63 : i32
      %and3A_780 = vector.broadcast %and3A_779 : i32 to vector<16xi32>
      %and3A_781 = arith.andi %add3A_778, %and3A_780 : vector<16xi32>
      %gather3A_782 = tpu.vector_load_idx %arg11[%and3A_781] : memref<64xf32, #tpu.memory_space<vmem>>[vector<16xi32>], vector<16xf32>,
      %gather3A_783 = tpu.vector_load_idx %arg10[%add3A_133, %and3A_781] : memref<512x64xf32, #tpu.memory_space<vmem>>[vector<16xi32>, vector<16xi32>], vector<16xf32>,
      %mul3A_784 = arith.mulf %gather3A_782, %gather3A_783 : vector<16xf32>
      %add3A_785 = arith.addf %add3A_772, %mul3A_784 : vector<16xf32>
      %gather3A_786 = tpu.vector_load_idx %arg10[%add3A_137, %and3A_781] : memref<512x64xf32, #tpu.memory_space<vmem>>[vector<16xi32>, vector<16xi32>], vector<16xf32>,
      %mul3A_787 = arith.mulf %gather3A_782, %gather3A_786 : vector<16xf32>
      %add3A_788 = arith.addf %add3A_775, %mul3A_787 : vector<16xf32>
      %add3A_789 = arith.constant 50 : i32
      %add3A_790 = vector.broadcast %add3A_789 : i32 to vector<16xi32>
      %add3A_791 = arith.addi %iota3A, %add3A_790 : vector<16xi32>
      %and3A_792 = arith.constant 63 : i32
      %and3A_793 = vector.broadcast %and3A_792 : i32 to vector<16xi32>
      %and3A_794 = arith.andi %add3A_791, %and3A_793 : vector<16xi32>
      %gather3A_795 = tpu.vector_load_idx %arg11[%and3A_794] : memref<64xf32, #tpu.memory_space<vmem>>[vector<16xi32>], vector<16xf32>,
      %gather3A_796 = tpu.vector_load_idx %arg10[%add3A_133, %and3A_794] : memref<512x64xf32, #tpu.memory_space<vmem>>[vector<16xi32>, vector<16xi32>], vector<16xf32>,
      %mul3A_797 = arith.mulf %gather3A_795, %gather3A_796 : vector<16xf32>
      %add3A_798 = arith.addf %add3A_785, %mul3A_797 : vector<16xf32>
      %gather3A_799 = tpu.vector_load_idx %arg10[%add3A_137, %and3A_794] : memref<512x64xf32, #tpu.memory_space<vmem>>[vector<16xi32>, vector<16xi32>], vector<16xf32>,
      %mul3A_800 = arith.mulf %gather3A_795, %gather3A_799 : vector<16xf32>
      %add3A_801 = arith.addf %add3A_788, %mul3A_800 : vector<16xf32>
      %add3A_802 = arith.constant 51 : i32
      %add3A_803 = vector.broadcast %add3A_802 : i32 to vector<16xi32>
      %add3A_804 = arith.addi %iota3A, %add3A_803 : vector<16xi32>
      %and3A_805 = arith.constant 63 : i32
      %and3A_806 = vector.broadcast %and3A_805 : i32 to vector<16xi32>
      %and3A_807 = arith.andi %add3A_804, %and3A_806 : vector<16xi32>
      %gather3A_808 = tpu.vector_load_idx %arg11[%and3A_807] : memref<64xf32, #tpu.memory_space<vmem>>[vector<16xi32>], vector<16xf32>,
      %gather3A_809 = tpu.vector_load_idx %arg10[%add3A_133, %and3A_807] : memref<512x64xf32, #tpu.memory_space<vmem>>[vector<16xi32>, vector<16xi32>], vector<16xf32>,
      %mul3A_810 = arith.mulf %gather3A_808, %gather3A_809 : vector<16xf32>
      %add3A_811 = arith.addf %add3A_798, %mul3A_810 : vector<16xf32>
      %gather3A_812 = tpu.vector_load_idx %arg10[%add3A_137, %and3A_807] : memref<512x64xf32, #tpu.memory_space<vmem>>[vector<16xi32>, vector<16xi32>], vector<16xf32>,
      %mul3A_813 = arith.mulf %gather3A_808, %gather3A_812 : vector<16xf32>
      %add3A_814 = arith.addf %add3A_801, %mul3A_813 : vector<16xf32>
      %add3A_815 = arith.constant 52 : i32
      %add3A_816 = vector.broadcast %add3A_815 : i32 to vector<16xi32>
      %add3A_817 = arith.addi %iota3A, %add3A_816 : vector<16xi32>
      %and3A_818 = arith.constant 63 : i32
      %and3A_819 = vector.broadcast %and3A_818 : i32 to vector<16xi32>
      %and3A_820 = arith.andi %add3A_817, %and3A_819 : vector<16xi32>
      %gather3A_821 = tpu.vector_load_idx %arg11[%and3A_820] : memref<64xf32, #tpu.memory_space<vmem>>[vector<16xi32>], vector<16xf32>,
      %gather3A_822 = tpu.vector_load_idx %arg10[%add3A_133, %and3A_820] : memref<512x64xf32, #tpu.memory_space<vmem>>[vector<16xi32>, vector<16xi32>], vector<16xf32>,
      %mul3A_823 = arith.mulf %gather3A_821, %gather3A_822 : vector<16xf32>
      %add3A_824 = arith.addf %add3A_811, %mul3A_823 : vector<16xf32>
      %gather3A_825 = tpu.vector_load_idx %arg10[%add3A_137, %and3A_820] : memref<512x64xf32, #tpu.memory_space<vmem>>[vector<16xi32>, vector<16xi32>], vector<16xf32>,
      %mul3A_826 = arith.mulf %gather3A_821, %gather3A_825 : vector<16xf32>
      %add3A_827 = arith.addf %add3A_814, %mul3A_826 : vector<16xf32>
      %add3A_828 = arith.constant 53 : i32
      %add3A_829 = vector.broadcast %add3A_828 : i32 to vector<16xi32>
      %add3A_830 = arith.addi %iota3A, %add3A_829 : vector<16xi32>
      %and3A_831 = arith.constant 63 : i32
      %and3A_832 = vector.broadcast %and3A_831 : i32 to vector<16xi32>
      %and3A_833 = arith.andi %add3A_830, %and3A_832 : vector<16xi32>
      %gather3A_834 = tpu.vector_load_idx %arg11[%and3A_833] : memref<64xf32, #tpu.memory_space<vmem>>[vector<16xi32>], vector<16xf32>,
      %gather3A_835 = tpu.vector_load_idx %arg10[%add3A_133, %and3A_833] : memref<512x64xf32, #tpu.memory_space<vmem>>[vector<16xi32>, vector<16xi32>], vector<16xf32>,
      %mul3A_836 = arith.mulf %gather3A_834, %gather3A_835 : vector<16xf32>
      %add3A_837 = arith.addf %add3A_824, %mul3A_836 : vector<16xf32>
      %gather3A_838 = tpu.vector_load_idx %arg10[%add3A_137, %and3A_833] : memref<512x64xf32, #tpu.memory_space<vmem>>[vector<16xi32>, vector<16xi32>], vector<16xf32>,
      %mul3A_839 = arith.mulf %gather3A_834, %gather3A_838 : vector<16xf32>
      %add3A_840 = arith.addf %add3A_827, %mul3A_839 : vector<16xf32>
      %add3A_841 = arith.constant 54 : i32
      %add3A_842 = vector.broadcast %add3A_841 : i32 to vector<16xi32>
      %add3A_843 = arith.addi %iota3A, %add3A_842 : vector<16xi32>
      %and3A_844 = arith.constant 63 : i32
      %and3A_845 = vector.broadcast %and3A_844 : i32 to vector<16xi32>
      %and3A_846 = arith.andi %add3A_843, %and3A_845 : vector<16xi32>
      %gather3A_847 = tpu.vector_load_idx %arg11[%and3A_846] : memref<64xf32, #tpu.memory_space<vmem>>[vector<16xi32>], vector<16xf32>,
      %gather3A_848 = tpu.vector_load_idx %arg10[%add3A_133, %and3A_846] : memref<512x64xf32, #tpu.memory_space<vmem>>[vector<16xi32>, vector<16xi32>], vector<16xf32>,
      %mul3A_849 = arith.mulf %gather3A_847, %gather3A_848 : vector<16xf32>
      %add3A_850 = arith.addf %add3A_837, %mul3A_849 : vector<16xf32>
      %gather3A_851 = tpu.vector_load_idx %arg10[%add3A_137, %and3A_846] : memref<512x64xf32, #tpu.memory_space<vmem>>[vector<16xi32>, vector<16xi32>], vector<16xf32>,
      %mul3A_852 = arith.mulf %gather3A_847, %gather3A_851 : vector<16xf32>
      %add3A_853 = arith.addf %add3A_840, %mul3A_852 : vector<16xf32>
      %add3A_854 = arith.constant 55 : i32
      %add3A_855 = vector.broadcast %add3A_854 : i32 to vector<16xi32>
      %add3A_856 = arith.addi %iota3A, %add3A_855 : vector<16xi32>
      %and3A_857 = arith.constant 63 : i32
      %and3A_858 = vector.broadcast %and3A_857 : i32 to vector<16xi32>
      %and3A_859 = arith.andi %add3A_856, %and3A_858 : vector<16xi32>
      %gather3A_860 = tpu.vector_load_idx %arg11[%and3A_859] : memref<64xf32, #tpu.memory_space<vmem>>[vector<16xi32>], vector<16xf32>,
      %gather3A_861 = tpu.vector_load_idx %arg10[%add3A_133, %and3A_859] : memref<512x64xf32, #tpu.memory_space<vmem>>[vector<16xi32>, vector<16xi32>], vector<16xf32>,
      %mul3A_862 = arith.mulf %gather3A_860, %gather3A_861 : vector<16xf32>
      %add3A_863 = arith.addf %add3A_850, %mul3A_862 : vector<16xf32>
      %gather3A_864 = tpu.vector_load_idx %arg10[%add3A_137, %and3A_859] : memref<512x64xf32, #tpu.memory_space<vmem>>[vector<16xi32>, vector<16xi32>], vector<16xf32>,
      %mul3A_865 = arith.mulf %gather3A_860, %gather3A_864 : vector<16xf32>
      %add3A_866 = arith.addf %add3A_853, %mul3A_865 : vector<16xf32>
      %add3A_867 = arith.constant 56 : i32
      %add3A_868 = vector.broadcast %add3A_867 : i32 to vector<16xi32>
      %add3A_869 = arith.addi %iota3A, %add3A_868 : vector<16xi32>
      %and3A_870 = arith.constant 63 : i32
      %and3A_871 = vector.broadcast %and3A_870 : i32 to vector<16xi32>
      %and3A_872 = arith.andi %add3A_869, %and3A_871 : vector<16xi32>
      %gather3A_873 = tpu.vector_load_idx %arg11[%and3A_872] : memref<64xf32, #tpu.memory_space<vmem>>[vector<16xi32>], vector<16xf32>,
      %gather3A_874 = tpu.vector_load_idx %arg10[%add3A_133, %and3A_872] : memref<512x64xf32, #tpu.memory_space<vmem>>[vector<16xi32>, vector<16xi32>], vector<16xf32>,
      %mul3A_875 = arith.mulf %gather3A_873, %gather3A_874 : vector<16xf32>
      %add3A_876 = arith.addf %add3A_863, %mul3A_875 : vector<16xf32>
      %gather3A_877 = tpu.vector_load_idx %arg10[%add3A_137, %and3A_872] : memref<512x64xf32, #tpu.memory_space<vmem>>[vector<16xi32>, vector<16xi32>], vector<16xf32>,
      %mul3A_878 = arith.mulf %gather3A_873, %gather3A_877 : vector<16xf32>
      %add3A_879 = arith.addf %add3A_866, %mul3A_878 : vector<16xf32>
      %add3A_880 = arith.constant 57 : i32
      %add3A_881 = vector.broadcast %add3A_880 : i32 to vector<16xi32>
      %add3A_882 = arith.addi %iota3A, %add3A_881 : vector<16xi32>
      %and3A_883 = arith.constant 63 : i32
      %and3A_884 = vector.broadcast %and3A_883 : i32 to vector<16xi32>
      %and3A_885 = arith.andi %add3A_882, %and3A_884 : vector<16xi32>
      %gather3A_886 = tpu.vector_load_idx %arg11[%and3A_885] : memref<64xf32, #tpu.memory_space<vmem>>[vector<16xi32>], vector<16xf32>,
      %gather3A_887 = tpu.vector_load_idx %arg10[%add3A_133, %and3A_885] : memref<512x64xf32, #tpu.memory_space<vmem>>[vector<16xi32>, vector<16xi32>], vector<16xf32>,
      %mul3A_888 = arith.mulf %gather3A_886, %gather3A_887 : vector<16xf32>
      %add3A_889 = arith.addf %add3A_876, %mul3A_888 : vector<16xf32>
      %gather3A_890 = tpu.vector_load_idx %arg10[%add3A_137, %and3A_885] : memref<512x64xf32, #tpu.memory_space<vmem>>[vector<16xi32>, vector<16xi32>], vector<16xf32>,
      %mul3A_891 = arith.mulf %gather3A_886, %gather3A_890 : vector<16xf32>
      %add3A_892 = arith.addf %add3A_879, %mul3A_891 : vector<16xf32>
      %add3A_893 = arith.constant 58 : i32
      %add3A_894 = vector.broadcast %add3A_893 : i32 to vector<16xi32>
      %add3A_895 = arith.addi %iota3A, %add3A_894 : vector<16xi32>
      %and3A_896 = arith.constant 63 : i32
      %and3A_897 = vector.broadcast %and3A_896 : i32 to vector<16xi32>
      %and3A_898 = arith.andi %add3A_895, %and3A_897 : vector<16xi32>
      %gather3A_899 = tpu.vector_load_idx %arg11[%and3A_898] : memref<64xf32, #tpu.memory_space<vmem>>[vector<16xi32>], vector<16xf32>,
      %gather3A_900 = tpu.vector_load_idx %arg10[%add3A_133, %and3A_898] : memref<512x64xf32, #tpu.memory_space<vmem>>[vector<16xi32>, vector<16xi32>], vector<16xf32>,
      %mul3A_901 = arith.mulf %gather3A_899, %gather3A_900 : vector<16xf32>
      %add3A_902 = arith.addf %add3A_889, %mul3A_901 : vector<16xf32>
      %gather3A_903 = tpu.vector_load_idx %arg10[%add3A_137, %and3A_898] : memref<512x64xf32, #tpu.memory_space<vmem>>[vector<16xi32>, vector<16xi32>], vector<16xf32>,
      %mul3A_904 = arith.mulf %gather3A_899, %gather3A_903 : vector<16xf32>
      %add3A_905 = arith.addf %add3A_892, %mul3A_904 : vector<16xf32>
      %add3A_906 = arith.constant 59 : i32
      %add3A_907 = vector.broadcast %add3A_906 : i32 to vector<16xi32>
      %add3A_908 = arith.addi %iota3A, %add3A_907 : vector<16xi32>
      %and3A_909 = arith.constant 63 : i32
      %and3A_910 = vector.broadcast %and3A_909 : i32 to vector<16xi32>
      %and3A_911 = arith.andi %add3A_908, %and3A_910 : vector<16xi32>
      %gather3A_912 = tpu.vector_load_idx %arg11[%and3A_911] : memref<64xf32, #tpu.memory_space<vmem>>[vector<16xi32>], vector<16xf32>,
      %gather3A_913 = tpu.vector_load_idx %arg10[%add3A_133, %and3A_911] : memref<512x64xf32, #tpu.memory_space<vmem>>[vector<16xi32>, vector<16xi32>], vector<16xf32>,
      %mul3A_914 = arith.mulf %gather3A_912, %gather3A_913 : vector<16xf32>
      %add3A_915 = arith.addf %add3A_902, %mul3A_914 : vector<16xf32>
      %gather3A_916 = tpu.vector_load_idx %arg10[%add3A_137, %and3A_911] : memref<512x64xf32, #tpu.memory_space<vmem>>[vector<16xi32>, vector<16xi32>], vector<16xf32>,
      %mul3A_917 = arith.mulf %gather3A_912, %gather3A_916 : vector<16xf32>
      %add3A_918 = arith.addf %add3A_905, %mul3A_917 : vector<16xf32>
      %add3A_919 = arith.constant 60 : i32
      %add3A_920 = vector.broadcast %add3A_919 : i32 to vector<16xi32>
      %add3A_921 = arith.addi %iota3A, %add3A_920 : vector<16xi32>
      %and3A_922 = arith.constant 63 : i32
      %and3A_923 = vector.broadcast %and3A_922 : i32 to vector<16xi32>
      %and3A_924 = arith.andi %add3A_921, %and3A_923 : vector<16xi32>
      %gather3A_925 = tpu.vector_load_idx %arg11[%and3A_924] : memref<64xf32, #tpu.memory_space<vmem>>[vector<16xi32>], vector<16xf32>,
      %gather3A_926 = tpu.vector_load_idx %arg10[%add3A_133, %and3A_924] : memref<512x64xf32, #tpu.memory_space<vmem>>[vector<16xi32>, vector<16xi32>], vector<16xf32>,
      %mul3A_927 = arith.mulf %gather3A_925, %gather3A_926 : vector<16xf32>
      %add3A_928 = arith.addf %add3A_915, %mul3A_927 : vector<16xf32>
      %gather3A_929 = tpu.vector_load_idx %arg10[%add3A_137, %and3A_924] : memref<512x64xf32, #tpu.memory_space<vmem>>[vector<16xi32>, vector<16xi32>], vector<16xf32>,
      %mul3A_930 = arith.mulf %gather3A_925, %gather3A_929 : vector<16xf32>
      %add3A_931 = arith.addf %add3A_918, %mul3A_930 : vector<16xf32>
      %add3A_932 = arith.constant 61 : i32
      %add3A_933 = vector.broadcast %add3A_932 : i32 to vector<16xi32>
      %add3A_934 = arith.addi %iota3A, %add3A_933 : vector<16xi32>
      %and3A_935 = arith.constant 63 : i32
      %and3A_936 = vector.broadcast %and3A_935 : i32 to vector<16xi32>
      %and3A_937 = arith.andi %add3A_934, %and3A_936 : vector<16xi32>
      %gather3A_938 = tpu.vector_load_idx %arg11[%and3A_937] : memref<64xf32, #tpu.memory_space<vmem>>[vector<16xi32>], vector<16xf32>,
      %gather3A_939 = tpu.vector_load_idx %arg10[%add3A_133, %and3A_937] : memref<512x64xf32, #tpu.memory_space<vmem>>[vector<16xi32>, vector<16xi32>], vector<16xf32>,
      %mul3A_940 = arith.mulf %gather3A_938, %gather3A_939 : vector<16xf32>
      %add3A_941 = arith.addf %add3A_928, %mul3A_940 : vector<16xf32>
      %gather3A_942 = tpu.vector_load_idx %arg10[%add3A_137, %and3A_937] : memref<512x64xf32, #tpu.memory_space<vmem>>[vector<16xi32>, vector<16xi32>], vector<16xf32>,
      %mul3A_943 = arith.mulf %gather3A_938, %gather3A_942 : vector<16xf32>
      %add3A_944 = arith.addf %add3A_931, %mul3A_943 : vector<16xf32>
      %add3A_945 = arith.constant 62 : i32
      %add3A_946 = vector.broadcast %add3A_945 : i32 to vector<16xi32>
      %add3A_947 = arith.addi %iota3A, %add3A_946 : vector<16xi32>
      %and3A_948 = arith.constant 63 : i32
      %and3A_949 = vector.broadcast %and3A_948 : i32 to vector<16xi32>
      %and3A_950 = arith.andi %add3A_947, %and3A_949 : vector<16xi32>
      %gather3A_951 = tpu.vector_load_idx %arg11[%and3A_950] : memref<64xf32, #tpu.memory_space<vmem>>[vector<16xi32>], vector<16xf32>,
      %gather3A_952 = tpu.vector_load_idx %arg10[%add3A_133, %and3A_950] : memref<512x64xf32, #tpu.memory_space<vmem>>[vector<16xi32>, vector<16xi32>], vector<16xf32>,
      %mul3A_953 = arith.mulf %gather3A_951, %gather3A_952 : vector<16xf32>
      %add3A_954 = arith.addf %add3A_941, %mul3A_953 : vector<16xf32>
      %gather3A_955 = tpu.vector_load_idx %arg10[%add3A_137, %and3A_950] : memref<512x64xf32, #tpu.memory_space<vmem>>[vector<16xi32>, vector<16xi32>], vector<16xf32>,
      %mul3A_956 = arith.mulf %gather3A_951, %gather3A_955 : vector<16xf32>
      %add3A_957 = arith.addf %add3A_944, %mul3A_956 : vector<16xf32>
      %add3A_958 = arith.constant 63 : i32
      %add3A_959 = vector.broadcast %add3A_958 : i32 to vector<16xi32>
      %add3A_960 = arith.addi %iota3A, %add3A_959 : vector<16xi32>
      %and3A_961 = arith.constant 63 : i32
      %and3A_962 = vector.broadcast %and3A_961 : i32 to vector<16xi32>
      %and3A_963 = arith.andi %add3A_960, %and3A_962 : vector<16xi32>
      %gather3A_964 = tpu.vector_load_idx %arg11[%and3A_963] : memref<64xf32, #tpu.memory_space<vmem>>[vector<16xi32>], vector<16xf32>,
      %gather3A_965 = tpu.vector_load_idx %arg10[%add3A_133, %and3A_963] : memref<512x64xf32, #tpu.memory_space<vmem>>[vector<16xi32>, vector<16xi32>], vector<16xf32>,
      %mul3A_966 = arith.mulf %gather3A_964, %gather3A_965 : vector<16xf32>
      %add3A_967 = arith.addf %add3A_954, %mul3A_966 : vector<16xf32>
      %gather3A_968 = tpu.vector_load_idx %arg10[%add3A_137, %and3A_963] : memref<512x64xf32, #tpu.memory_space<vmem>>[vector<16xi32>, vector<16xi32>], vector<16xf32>,
      %mul3A_969 = arith.mulf %gather3A_964, %gather3A_968 : vector<16xf32>
      %add3A_970 = arith.addf %add3A_957, %mul3A_969 : vector<16xf32>
      %mul3A_971 = arith.mulf %add3A_967, %div3A_113 : vector<16xf32>
      tpu.vector_store_idx %arg10[%add3A_133, %get3A_110], %mul3A_971 {add = true} : memref<512x64xf32, #tpu.memory_space<vmem>>[vector<16xi32>, vector<16xi32>], vector<16xf32>,
      %mul3A_972 = arith.mulf %add3A_970, %div3A_113 : vector<16xf32>
      tpu.vector_store_idx %arg10[%add3A_137, %get3A_110], %mul3A_972 {add = true} : memref<512x64xf32, #tpu.memory_space<vmem>>[vector<16xi32>, vector<16xi32>], vector<16xf32>,
    }
    "tpu.region"() ({
      %run_scoped3A = tpu.sem_alloc : memref<!tpu.dma_semaphore, #tpu.memory_space<semaphore_mem>>
      %dma_start3A_127 = arith.constant 0 : i32
      %dma_start3A_128 = tpu.memref_slice %arg9[%mul3A_2, %dma_start3A_127] : memref<16384x64xf32, #tpu.memory_space<hbm>> -> memref<512x64xf32, #tpu.memory_space<hbm>>
      %dma_start3A_129 = arith.constant 0 : i32
      %dma_start3A_130 = tpu.memref_slice %arg9[%mul3A_2, %dma_start3A_129] : memref<16384x64xf32, #tpu.memory_space<hbm>> -> memref<512x64xf32, #tpu.memory_space<hbm>>
      tpu.enqueue_dma source(%arg10 : memref<512x64xf32, #tpu.memory_space<vmem>>) target(%dma_start3A_130 : memref<512x64xf32, #tpu.memory_space<hbm>>) target_semaphore(%run_scoped3A : memref<!tpu.dma_semaphore, #tpu.memory_space<semaphore_mem>>)
      %dma_wait3A_131 = arith.constant 0 : i32
      %dma_wait3A_132 = tpu.memref_slice %arg9[%mul3A_2, %dma_wait3A_131] : memref<16384x64xf32, #tpu.memory_space<hbm>> -> memref<512x64xf32, #tpu.memory_space<hbm>>
      %dma_wait3A_133 = arith.constant 0 : i32
      %dma_wait3A_134 = tpu.memref_slice %arg9[%mul3A_2, %dma_wait3A_133] : memref<16384x64xf32, #tpu.memory_space<hbm>> -> memref<512x64xf32, #tpu.memory_space<hbm>>
      tpu.wait_dma2 semaphore(%run_scoped3A : memref<!tpu.dma_semaphore, #tpu.memory_space<semaphore_mem>>) src(%arg10 : memref<512x64xf32, #tpu.memory_space<vmem>>) dst(%dma_wait3A_134 : memref<512x64xf32, #tpu.memory_space<hbm>>)
      tpu.yield
    }) : () -> ()
    return
  }
}

</mosaic_0001>

<sc_bundles>
// kernel: _sc_call.3.cloned.1.call-start
scs
__scs_entry_jumppad:
0x0: {  	(pc) =	sbr.rel $0x88, $3  }
0x1: {  	(tag) =	ssettag $0x0;
	lr =	simm.s32 $0x1  }
0x2: {  	[smem:$0x3F9A] =	sst lr;
	_ =	strace $0xD0000000  }
0x3: {  	_ = 	snop  }
0x4: {  	_ = 	snop  }
0x5: {  	_ = 	snop  }
0x6: {  	_ = 	snop  }
0x7: {  	_ = 	snop  }
__scs_overlays_trampoline_lowered:
0x8: {  	[smem:$0x3FA9] =	sst s0  }
0x9: {  	[smem:$0x3FAA] =	sst s1  }
0xa: {  	[smem:$0x3FAB] =	sst s2  }
0xb: {  	[smem:$0x3FAC] =	sst s3  }
0xc: {  	[smem:$0x3FAD] =	sst s4  }
0xd: {  	[smem:$0x3FAE] =	sst s5  }
0xe: {  	[smem:$0x3FAF] =	sst s6  }
0xf: {  	[smem:$0x3FB0] =	sst s7  }
0x10: {  	[smem:$0x3FB1] =	sst s8  }
0x11: {  	[smem:$0x3FB2] =	sst s9;
	s0 =	simm.s32 @!p0 $0x0  }
0x12: {  	s1 =	sld [smem:$0x3F98];
	s0 =	simm.s32 @p0 $0x1  }
0x13: {  	[smem:$0x3FB3] =	sst s0;
	s0 =	simm.s32 @!p1 $0x0  }
0x14: {  	s2 =	sld [smem:$0x3F97];
	s0 =	simm.s32 @p1 $0x1  }
0x15: {  	[smem:$0x3FB4] =	sst s0;
	s0 =	simm.s32 @!p2 $0x0  }
0x16: {  	s3 =	sld [smem:$0x3FDB];
	s0 =	simm.s32 @p2 $0x1  }
0x17: {  	s4 =	simm.s32 $0x1BF5;
	[smem:$0x3FB6] =	sst s0  }
0x18: {  	s0 =	sld [smem:$0x3F99];
	_ =	swait.ge [sflag:s4], $0x0  }
0x19: {  	s7 =	sld [smem:$0x3F9A]  }
0x1a: {  	s8 =	sadd.s32 $0xFFFFE003, lr  }
0x1b: {  	s9 =	sadd.s32 $0xFFFFFEF7, lr;
	s5 =	simm.s32 $0xFFFFFFFF;
	p2 =	slt.u32 s8, $0xFFFFF086  }
0x1c: {  	p1 =	slt.u32 s9, $0xF7A;
	s5 =	simm.s32 @!p2 $0x0  }
0x1d: {  	s5 =	simm.s32 @p1 $0x1;
	p0 =	seq.s32 s7, s2  }
0x1e: {  	s7 =	smul.u32 @!p0 $0xF7A, s2;
	p2 =	seq.s32 @!p0 s5, $0x0  }
0x1f: {  	s9 =	smul.u32 $0xF7A, s1;
	s8 =	simm.s32 @!p0 $0x1BF5;
	p2 =	por !p2, p0  }
0x20: {  	[sflag:s8] =	ssyncset.s32 @!p0 $0xFFFFF086;
	s6 =	sadd.s32 @!p0 s3, s7;
	s7 =	simm.s32 @!p0 $0x108  }
0x21: {  	s3 =	sadd.s32 s3, s9;
	s6 =	sadd.s32 @!p0 $0x88, s6;
	s7 =	simm.s32 @p2 $0x1082  }
0x22: {  	[simem:s7], [sflag:s8] =	dma.local @!p0 [hbm:s6], $0xF7A  }
0x23: {  	s9 =	sor.u32 $0xD0000000, s2;
	s6 =	simm.s32 $0x108;
	_ =	swait.ge @!p0 [sflag:s8], $0x0  }
0x24: {  	s3 =	sadd.s32 $0x88, s3;
	s6 =	simm.s32 @!p1 $0x1082;
	[sflag:s4] =	ssyncset.s32 $0xFFFFF086  }
0x25: {  	[simem:s6], [sflag:s4] =	dma.local [hbm:s3], $0xF7A  }
0x26: {  	[smem:$0x3F9A] =	sst s1;
	(tag) =	ssettag s2;
	_ =	strace s9  }
0x27: {  	s1 =	sld [smem:$0x3FAA]  }
0x28: {  	s2 =	sld [smem:$0x3FAB]  }
0x29: {  	s4 =	sld [smem:$0x3FAD]  }
0x2a: {  	p0 =	seq.s32 s5, $0x0;
	s5 =	sld [smem:$0x3FAE]  }
0x2b: {  	s6 =	sld [smem:$0x3FAF]  }
0x2c: {  	s7 =	sld [smem:$0x3FB0]  }
0x2d: {  	s3 =	simm.s32 $0x108;
	s8 =	sld [smem:$0x3FB1]  }
0x2e: {  	s3 =	simm.s32 @!p0 $0x1082;
	s9 =	sld [smem:$0x3FB2]  }
0x2f: {  	lr =	sadd.s32 s0, s3;
	s0 =	sld [smem:$0x3FA9]  }
0x30: {  	s3 =	sld [smem:$0x3FAC]  }
0x31: {  	[smem:$0x3FB5] =	sst s10  }
0x32: {  	s10 =	sld [smem:$0x3FB3];
	_ =	sdelay $0x3  }
0x33: {  	p0 =	seq.s32 s10, $0x1;
	s10 =	sld [smem:$0x3FB5];
	_ =	sdelay $0x3  }
0x34: {  	[smem:$0x3FB5] =	sst s10  }
0x35: {  	s10 =	sld [smem:$0x3FB4];
	_ =	sdelay $0x3  }
0x36: {  	p1 =	seq.s32 s10, $0x1;
	s10 =	sld [smem:$0x3FB5];
	_ =	sdelay $0x3  }
0x37: {  	[smem:$0x3FB5] =	sst s10  }
0x38: {  	s10 =	sld [smem:$0x3FB6]  }
0x39: {  	_ = 	snop;
	(pc) =	sbr.ind lr, $3  }
0x3a: {  	_ = 	snop  }
0x3b: {  	_ = 	snop  }
0x3c: {  	p2 =	seq.s32 s10, $0x1;
	s10 =	sld [smem:$0x3FB5]  }
0x3d: {  	_ =	shalt  }
0x3e: {  	_ =	shalt  }
0x3f: {  	_ =	shalt  }
0x40: {  	_ =	shalt  }
0x41: {  	_ =	shalt  }
0x42: {  	_ =	shalt  }
0x43: {  	_ =	shalt  }
0x44: {  	_ =	shalt  }
0x45: {  	_ =	shalt  }
0x46: {  	_ =	shalt  }
0x47: {  	_ =	shalt  }
0x48: {  	_ =	shalt  }
0x49: {  	_ =	shalt  }
0x4a: {  	_ =	shalt  }
0x4b: {  	_ =	shalt  }
0x4c: {  	_ =	shalt  }
0x4d: {  	_ =	shalt  }
0x4e: {  	_ =	shalt  }
0x4f: {  	_ =	shalt  }
0x50: {  	_ =	shalt  }
0x51: {  	_ =	shalt  }
0x52: {  	_ =	shalt  }
0x53: {  	_ =	shalt  }
0x54: {  	_ =	shalt  }
0x55: {  	_ =	shalt  }
0x56: {  	_ =	shalt  }
0x57: {  	_ =	shalt  }
0x58: {  	_ =	shalt  }
0x59: {  	_ =	shalt  }
0x5a: {  	_ =	shalt  }
0x5b: {  	_ =	shalt  }
0x5c: {  	_ =	shalt  }
0x5d: {  	_ =	shalt  }
0x5e: {  	_ =	shalt  }
0x5f: {  	_ =	shalt  }
0x60: {  	_ =	shalt  }
0x61: {  	_ =	shalt  }
0x62: {  	_ =	shalt  }
0x63: {  	_ =	shalt  }
0x64: {  	_ =	shalt  }
0x65: {  	_ =	shalt  }
0x66: {  	_ =	shalt  }
0x67: {  	_ =	shalt  }
0x68: {  	_ =	shalt  }
0x69: {  	_ =	shalt  }
0x6a: {  	_ =	shalt  }
0x6b: {  	_ =	shalt  }
0x6c: {  	_ =	shalt  }
0x6d: {  	_ =	shalt  }
0x6e: {  	_ =	shalt  }
0x6f: {  	_ =	shalt  }
0x70: {  	_ =	shalt  }
0x71: {  	_ =	shalt  }
0x72: {  	_ =	shalt  }
0x73: {  	_ =	shalt  }
0x74: {  	_ =	shalt  }
0x75: {  	_ =	shalt  }
0x76: {  	_ =	shalt  }
0x77: {  	_ =	shalt  }
0x78: {  	_ =	shalt  }
0x79: {  	_ =	shalt  }
0x7a: {  	_ =	shalt  }
0x7b: {  	_ =	shalt  }
0x7c: {  	_ =	shalt  }
0x7d: {  	_ =	shalt  }
0x7e: {  	_ =	shalt  }
0x7f: {  	_ =	shalt  }
0x80: {  	_ =	shalt  }
0x81: {  	_ =	shalt  }
0x82: {  	_ =	shalt  }
0x83: {  	_ =	shalt  }
0x84: {  	_ =	shalt  }
0x85: {  	_ =	shalt  }
0x86: {  	_ =	shalt  }
0x87: {  	_ =	shalt  }
.Lfunc_end0:
.L_simem_size_0:
called_computation_lowered:
.L_overlay_start_0:
0x88: {  	s2 =	sld [smem:$0x3FD9]  }
0x89: {  	s3 =	sld [smem:$0x3FFE];
	_ =	sdelay $0x1  }
0x8a: {  	s1 =	srdreg.scid  }
0x8b: {  	s0 =	sand.u32 $0x1, s1  }
0x8c: {  	s17 =	sshll.u32 s0, $0xA;
	s2 =	sadd.s32 s3, s2  }
0x8d: {  	s2 =	sadd.s32 s2, s17  }
0x8e: {  	[smem:$0x3FC1] =	sst s2  }
0x8f: {  	_ = 	snop  }
0x90: {  	s2 =	sld [smem:$0x3FC8]  }
0x91: {  	s18 =	sld [smem:$0x3FC7]  }
0x92: {  	s4 =	sld [smem:$0x3FC6]  }
0x93: {  	s5 =	sld [smem:$0x3FC5]  }
0x94: {  	s6 =	sld [smem:$0x3FC4]  }
0x95: {  	s7 =	sld [smem:$0x3FC3];
	(tm) =	ssettm $0x1  }
0x96: {  	s8 =	sld [smem:$0x3FFB];
	_ =	sdelay $0x3  }
0x97: {  	_ =	strace s8  }
0x98: {  	s8 =	sld [smem:$0x3FFC];
	_ =	sdelay $0x3  }
0x99: {  	_ =	strace s8  }
0x9a: {  	s8 =	sld [smem:$0x3FFD];
	_ =	sdelay $0x3  }
0x9b: {  	_ =	strace s8  }
0x9c: {  	_ =	strace $0x8FFFFFFF  }
0x9d: {  	s19 =	sld [smem:$0x3FDB];
	_ =	sdelay $0x1  }
0x9e: {  	s9 =	simm.s32 $_scs_section_size  }
0x9f: {  	s10 =	simm.s32 $_size__tile_overlayer_lowered;
	s11 =	simm.s32 $_tile_overlayer_lowered  }
0xa0: {  	s22 =	simm.s32 $0x1BFF;
	s21 =	sshll.u32 s11, $0x1;
	s8 =	sadd.s32 s9, s19  }
0xa1: {  	s12 =	simm.s32 $0x0;
	s20 =	sshll.u32 s10, $0x1;
	s10 =	sadd.s32 s21, s8  }
0xa2: {  	[timem:s12], [sflag:s22] =	dma.local [hbm:s10], s20  }
0xa3: {  	_ =	swait.ge [sflag:s22], s20  }
0xa4: {  	s9 =	ssub.s32 $0x0, s20;
	[sflag:s22] =	ssyncset.done $0x0  }
0xa5: {  	[sflag:s22] =	ssyncadd.s32 s9;
	_ =	sdelay $0x1  }
0xa6: {  	s23 =	simm.s32 $0x1B8B  }
0xa7: {  	_ =	swait.ge [sflag:s23], $0x1  }
0xa8: {  	[sflag:s23] =	ssyncset.done $0x0  }
0xa9: {  	s25 =	simm.s32 $0x1B8E;
	s24 =	sld [smem:$0x3FFE];
	[sflag:s23] =	ssyncadd.s32 $0xFFFFFFFF  }
0xaa: {  	s26 =	simm.s32 $execute0_lowered;
	[smem:$0x3FD2] =	sst s25  }
0xab: {  	s10 =	sshll.u32 s26, $0x1;
	_ =	strace $0x80000046;
	[dreg:$0x1] =	wrdreg $0xFFFFFFFF  }
0xac: {  	s28 =	simm.s32 $_size_execute0_lowered;
	s8 =	sadd.s32 s8, s10;
	[dreg:$0x0] =	wrdreg $0x0  }
0xad: {  	s10 =	sshll.u32 s28, $0x1;
	[dreg:$0x2] =	wrdreg s8  }
0xae: {  	[dreg:$0x3] =	wrdreg s10  }
0xaf: {  	[dreg:$0x4] =	wrdreg $0xC0  }
0xb0: {  	_ =	task [dreg:s12], $0x5FFFF  }
0xb1: {  	[dreg:$0x1] =	wrdreg $0xFFFFFFFF  }
0xb2: {  	[dreg:$0x0] =	wrdreg $0x60  }
0xb3: {  	[dreg:$0x2] =	wrdreg s24  }
0xb4: {  	[dreg:$0x3] =	wrdreg s2  }
0xb5: {  	[dreg:$0x4] =	wrdreg s18  }
0xb6: {  	[dreg:$0x5] =	wrdreg s4  }
0xb7: {  	[dreg:$0x6] =	wrdreg s5  }
0xb8: {  	[dreg:$0x7] =	wrdreg s6  }
0xb9: {  	[dreg:$0x8] =	wrdreg s7  }
0xba: {  	[dreg:$0x9] =	wrdreg $0x9  }
0xbb: {  	_ =	task.clear_ibuf [dreg:s12], $0xAFFFF;
	_ =	strace $0x90000046  }
0xbc: {  	s29 =	simm.s32 $0x9;
	_ =	strace $0x80000048  }
0xbd: {  	_ =	swait.ge [sflag:s29], $0x1  }
0xbe: {  	[sflag:s29] =	ssyncadd.s32 $0xFFFFFFFF  }
0xbf: {  	_ =	strace $0x90000048  }
0xc0: {  	_ =	sfence  }
0xc1: {  	s30 =	sld [smem:$0x0];
	_ =	sdelay $0x2  }
0xc2: {  	s31 =	sshll.u32 s1, $0xD;
	s1 =	sshrl.u32 s1, $0x2  }
0xc3: {  	s3 =	sand.u32 $0x4000, s31;
	s1 =	sadd.s32 s1, s30  }
0xc4: {  	s0 =	sor.u32 s3, s0;
	s1 =	sshll.u32 s1, $0x11  }
0xc5: {  	s0 =	sor.u32 s1, s0  }
0xc6: {  	s0 =	sadd.s32 $0x8F2B, s0  }
0xc7: {  	[sflag:s0] =	ssyncadd.remote.s32 $0x1  }
0xc8: {  	_ =	sfence.sel $0xFFFF  }
0xc9: {  	[dreg:$0x0] =	wrdreg $0xFFFFFFFF;
	(pc) =	sbr.abs _section_cstart, $3  }
0xca: {  	[dreg:$0x1] =	wrdreg $0xFFFFFFFF  }
0xcb: {  	_ =	task.clear_ibuf [dreg:s12], $0x2FFFF;
	_ =	strace $0x9FFFFFFF  }
0xcc: {  	(tm) =	ssettm $0x7FFFFFFF  }
0xcd: {  	_ =	shalt  }
tec
execute0_lowered:
.L_overlay_start_1:
0x0: {  	(tag) =	ssettag $0x1  }
0x1: {  	v10 =	vlaneseq.u32  }
0x2: {  	v37 =	vadd.s32 $0x2, v10  }
0x3: {  	v38 =	vadd.s32 $0x3, v10;
	[tilespmem:$0x1FB60] =	vst v37  }
0x4: {  	v39 =	vadd.s32 $0x4, v10;
	[tilespmem:$0x1FB70] =	vst v38  }
0x5: {  	v40 =	vadd.s32 $0x5, v10;
	[tilespmem:$0x1FB80] =	vst v39  }
0x6: {  	v41 =	vadd.s32 $0x6, v10;
	[tilespmem:$0x1FB90] =	vst v40  }
0x7: {  	v42 =	vadd.s32 $0x7, v10;
	[tilespmem:$0x1FBA0] =	vst v41  }
0x8: {  	v43 =	vadd.s32 $0x8, v10;
	[tilespmem:$0x1FBB0] =	vst v42  }
0x9: {  	v44 =	vadd.s32 $0x9, v10;
	[tilespmem:$0x1FBC0] =	vst v43  }
0xa: {  	v45 =	vadd.s32 $0xA, v10;
	[tilespmem:$0x1FBD0] =	vst v44  }
0xb: {  	v46 =	vadd.s32 $0xB, v10;
	[tilespmem:$0x1FBE0] =	vst v45  }
0xc: {  	v47 =	vadd.s32 $0xC, v10;
	[tilespmem:$0x1FBF0] =	vst v46  }
0xd: {  	v48 =	vadd.s32 $0xD, v10;
	[tilespmem:$0x1FC00] =	vst v47  }
0xe: {  	v49 =	vadd.s32 $0xE, v10;
	[tilespmem:$0x1FC10] =	vst v48  }
0xf: {  	v50 =	vadd.s32 $0xF, v10;
	[tilespmem:$0x1FC20] =	vst v49  }
0x10: {  	v51 =	vor.u32 $0x10, v10;
	[tilespmem:$0x1FC30] =	vst v50  }
0x11: {  	v52 =	vadd.s32 $0x11, v10;
	[tilespmem:$0x1FC40] =	vst v51  }
0x12: {  	v53 =	vadd.s32 $0x12, v10;
	[tilespmem:$0x1FC50] =	vst v52  }
0x13: {  	v54 =	vadd.s32 $0x13, v10;
	[tilespmem:$0x1FC60] =	vst v53  }
0x14: {  	v55 =	vadd.s32 $0x14, v10;
	[tilespmem:$0x1FC70] =	vst v54  }
0x15: {  	v56 =	vadd.s32 $0x15, v10;
	[tilespmem:$0x1FC80] =	vst v55  }
0x16: {  	v0 =	vimm.s32 $0x13121110;
	v57 =	vadd.s32 $0x16, v10;
	[tilespmem:$0x1FC90] =	vst v56  }
0x17: {  	vm0 =	vcmask $0xF00;
	v9 =	vimm.s32 $0x34333231;
	v58 =	vadd.s32 $0x17, v10;
	[tilespmem:$0x1FCA0] =	vst v57  }
0x18: {  	v11 =	vimm.s32 $0x38373635;
	v12 =	vimm.s32 $0x35343332;
	v59 =	vadd.s32 $0x18, v10;
	[tilespmem:$0x1FCB0] =	vst v58  }
0x19: {  	v2 =	vimm.s32 $0x39383736;
	vm1 =	vcmask $0x1F10;
	v60 =	vadd.s32 $0x19, v10;
	[tilespmem:$0x1FCC0] =	vst v59  }
0x1a: {  	v14 =	vimm.s32 $0x3C3B3A39;
	v15 =	vimm.s32 $0x3F3E3D;
	v61 =	vadd.s32 $0x1A, v10;
	[tilespmem:$0x1FCD0] =	vst v60  }
0x1b: {  	v17 =	vimm.s32 $0x3D3C3B3A;
	v18 =	vimm.s32 $0x36353433;
	v62 =	vadd.s32 $0x1B, v10;
	[tilespmem:$0x1FCE0] =	vst v61  }
0x1c: {  	v19 =	vimm.s32 $0x3A393837;
	v20 =	vimm.s32 $0x1003F3E;
	v63 =	vadd.s32 $0x1C, v10;
	[tilespmem:$0x1FCF0] =	vst v62  }
0x1d: {  	v21 =	vimm.s32 $0x3E3D3C3B;
	v22 =	vimm.s32 $0x3020100;
	v4 =	vadd.s32 $0x1D, v10;
	[tilespmem:$0x1FD00] =	vst v63  }
0x1e: {  	v23 =	vimm.s32 $0x201003F;
	v24 =	vimm.s32 $0x3F3E3D3C;
	v5 =	vadd.s32 $0x1E, v10;
	[tilespmem:$0x1FD10] =	vst v4  }
0x1f: {  	v25 =	vimm.s32 $0x37363534;
	v26 =	vimm.s32 $0x3B3A3938;
	v6 =	vadd.s32 $0x1F, v10;
	[tilespmem:$0x1FD20] =	vst v5  }
0x20: {  	v28 =	vimm.s32 $0x4030201;
	v30 =	vimm.s32 $0x32107654;
	v7 =	vor.u32 $0x20, v10;
	[tilespmem:$0x1FD30] =	vst v6  }
0x21: {  	v32 =	vimm.s32 $0x5040302;
	v33 =	vimm.s32 $0x6050403;
	v8 =	vadd.s32 $0x21, v10;
	[tilespmem:$0x1FD40] =	vst v7  }
0x22: {  	v34 =	vimm.s32 $0x87654321;
	v36 =	vmul.u32 $0x80, v10;
	v1 =	vadd.s32 $0x22, v10;
	[tilespmem:$0x1FD50] =	vst v8  }
0x23: {  	v35 =	vimm.s32 $0x98765432;
	vm2 =	vcmask $0x2F10;
	v3 =	vunpack.c.0.s8.s32 v11;
	[tilespmem:$0x1FD60] =	vst v1  }
0x24: {  	vm3 =	vcmask $0x3F30;
	v0 =	vunpack.c.0.s8.s32 v0;
	v27 =	vunpack.c.0.s8.s32 v26;
	[tilespmem:$0x1FB50] =	vst v36  }
0x25: {  	v11 =	vunpack.c.0.s8.s32 v15;
	v29 =	vunpack.c.0.s8.s32 v28;
	v1 =	vunpack.c.0.s8.s32 v12;
	[tilespmem:$0x1FD70] =	vst v3  }
0x26: {  	v4 =	vunpack.c.0.s8.s32 v2;
	v2 =	vunpack.c.0.s8.s32 v19;
	v0 =	vnsel vm0, $0x13, v0;
	[tilespmem:$0x1FE00] =	vst v27  }
0x27: {  	v12 =	vunpack.c.0.s8.s32 v20;
	v5 =	vimm.s32 $0x43218765;
	[tilespmem:$0x1FB40] =	vst v0;
	v0 =	vunpack.c.0.s8.s32 v9  }
0x28: {  	v7 =	vunpack.c.0.s8.s32 v24;
	v6 =	vimm.s32 $0xB0A0908;
	v8 =	vimm.s32 $0xC0B0A09;
	[tilespmem:$0x1FE50] =	vst v11  }
0x29: {  	v39 =	vimm.s32 $0xD0C0B0A;
	v41 =	vimm.s32 $0xE0D0C0B;
	[tilespmem:$0x1FDA0] =	vst v4;
	v0 =	vsel vm1, v3, v0  }
0x2a: {  	v42 =	vimm.s32 $0xA9876543;
	v44 =	vimm.s32 $0x76543210;
	[tilespmem:$0x1FD80] =	vst v0;
	v0 =	vunpack.c.0.s8.s32 v14  }
0x2b: {  	v31 =	vsel vm1, v29, v11;
	v5 =	vunpack.c.l.s4.s8 v5;
	v6 =	vunpack.c.0.s8.s32 v6;
	[tilespmem:$0x1FDD0] =	vst v2  }
0x2c: {  	v36 =	vimm.s32 $0x54329876;
	v8 =	vunpack.c.0.s8.s32 v8;
	[tilespmem:$0x1FD90] =	vst v0;
	v0 =	vunpack.c.0.s8.s32 v17  }
0x2d: {  	v16 =	vsel vm1, v4, v1;
	v1 =	vunpack.c.0.s8.s32 v18;
	[tilespmem:$0x1FE20] =	vst v31;
	v3 =	vunpack.c.l.s4.s8 v30  }
0x2e: {  	v4 =	vunpack.c.l.s4.s8 v35;
	v9 =	vimm.s32 $0x6543A987;
	[tilespmem:$0x1FDC0] =	vst v0;
	v0 =	vunpack.c.0.s8.s32 v21  }
0x2f: {  	[tilespmem:$0x1FE30] =	vst v7;
	v5 =	vunpack.c.0.s8.s32 v5;
	v9 =	vunpack.c.l.s4.s8 v9;
	v3 =	vunpack.c.0.s8.s32 v3  }
0x30: {  	v1 =	vsel vm1, v2, v1;
	v2 =	vunpack.c.0.s8.s32 v25;
	[tilespmem:$0x1FDF0] =	vst v0;
	v0 =	vunpack.c.0.s8.s32 v22  }
0x31: {  	[tilespmem:$0x1FE90] =	vst v12;
	v4 =	vunpack.c.0.s8.s32 v4;
	v14 =	vunpack.c.0.s8.s32 v23;
	v3 =	vand.u32 $0xF, v3  }
0x32: {  	[tilespmem:$0x1FDB0] =	vst v16;
	v3 =	vsel vm2, v3, v7;
	v0 =	vsel vm1, v0, v7;
	v7 =	vunpack.c.l.s4.s8 v36  }
0x33: {  	[tilespmem:$0x1FDE0] =	vst v1;
	v1 =	vunpack.c.0.s8.s32 v33;
	v5 =	vand.u32 $0xF, v5;
	v40 =	vunpack.c.0.s8.s32 v9  }
0x34: {  	v37 =	vsel vm2, v5, v11;
	[tilespmem:$0x1FEB0] =	vst v14;
	v3 =	vsel vm3, v6, v3;
	v38 =	vunpack.c.0.s8.s32 v7  }
0x35: {  	v2 =	vsel vm1, v27, v2;
	v49 =	vand.u32 $0xF, v4;
	[tilespmem:$0x1FE40] =	vst v3;
	v3 =	vsel vm3, v8, v37  }
0x36: {  	[tilespmem:$0x1FE60] =	vst v3;
	v3 =	vunpack.c.0.s8.s32 v39;
	v0 =	vcombine.low v2, v0;
	v5 =	vand.u32 $0xF, v38  }
0x37: {  	s9 =	rddreg [dreg:$0x0];
	[tilespmem:$0x1FEF0] =	vst v49;
	v6 =	vand.u32 $0xF, v40;
	v7 =	vunpack.c.0.s8.s32 v41;
	v5 =	vsel vm2, v5, v12  }
0x38: {  	s0 =	rddreg [dreg:$0x1];
	v43 =	vsel vm2, v6, v14;
	v2 =	vunpack.c.l.s4.s8 v34;
	[tilespmem:$0x1FE10] =	vst v0;
	v3 =	vsel vm3, v3, v5  }
0x39: {  	s1 =	rddreg [dreg:$0x2];
	v45 =	vsel vm1, v1, v14;
	v0 =	vunpack.c.0.s8.s32 v32;
	v5 =	vsel vm3, v7, v43;
	[tilespmem:$0x1FE70] =	vst v3  }
0x3a: {  	s2 =	rddreg [dreg:$0x3];
	v2 =	vunpack.c.0.s8.s32 v2;
	[tilespmem:$0x1FE80] =	vst v5;
	v3 =	vunpack.c.l.s4.s8 v42;
	v5 =	vunpack.c.l.s4.s8 v44  }
0x3b: {  	s3 =	rddreg [dreg:$0x4];
	[tilespmem:$0x1FEC0] =	vst v45;
	v0 =	vsel vm1, v0, v12  }
0x3c: {  	s4 =	rddreg [dreg:$0x5];
	v48 =	vand.u32 $0xF, v2;
	[tilespmem:$0x1FEA0] =	vst v0;
	v46 =	vunpack.c.0.s8.s32 v3;
	v47 =	vunpack.c.0.s8.s32 v5  }
0x3d: {  	s7 =	rddreg [dreg:$0x6];
	s8 =	simm.s32 $0x0;
	[tilespmem:$0x1FEE0] =	vst v48  }
0x3e: {  	s6 =	srdreg.scid;
	[smem:$0x7FF] =	sst s8;
	[tilespmem:$0x1FED0] =	vst v47;
	v0 =	vand.u32 $0xF, v46  }
0x3f: {  	s10 =	sand.u32 $0x1, s6;
	s6 =	rddreg [dreg:$0x7];
	v50 =	vadd.s32 $0x23, v10;
	_ =	strace $0x80000047;
	[tilespmem:$0x1FF00] =	vst v0  }
0x40: {  	v51 =	vadd.s32 $0x24, v10;
	[tilespmem:$0x1FF10] =	vst v50  }
0x41: {  	v52 =	vadd.s32 $0x25, v10;
	[tilespmem:$0x1FF20] =	vst v51  }
0x42: {  	v53 =	vadd.s32 $0x26, v10;
	[tilespmem:$0x1FF30] =	vst v52  }
0x43: {  	v54 =	vadd.s32 $0x27, v10;
	[tilespmem:$0x1FF40] =	vst v53  }
0x44: {  	v55 =	vadd.s32 $0x28, v10;
	[tilespmem:$0x1FF50] =	vst v54  }
0x45: {  	v56 =	vadd.s32 $0x29, v10;
	[tilespmem:$0x1FF60] =	vst v55  }
0x46: {  	v57 =	vadd.s32 $0x2A, v10;
	[tilespmem:$0x1FF70] =	vst v56  }
0x47: {  	v58 =	vadd.s32 $0x2B, v10;
	[tilespmem:$0x1FF80] =	vst v57  }
0x48: {  	s5 =	stileid.u32;
	s13 =	simm.s32 $0x2;
	s14 =	simm.s32 $0x10100;
	v59 =	vadd.s32 $0x2C, v10;
	[tilespmem:$0x1FF90] =	vst v58  }
0x49: {  	s15 =	simm.s32 $0x10180;
	s16 =	simm.s32 $0x10200;
	s17 =	simm.s32 $0x10280;
	v60 =	vadd.s32 $0x2D, v10;
	[tilespmem:$0x1FFA0] =	vst v59  }
0x4a: {  	s18 =	simm.s32 $0x10300;
	s19 =	simm.s32 $0x10000;
	s20 =	simm.s32 $0x1;
	v61 =	vadd.s32 $0x2E, v10;
	[tilespmem:$0x1FFB0] =	vst v60  }
0x4b: {  	s11 =	sshll.u32 s5, $0xE;
	s12 =	sshll.u32 s10, $0xD;
	s10 =	ssub.s32 $0x2, s10;
	v62 =	vadd.s32 $0x2F, v10;
	[tilespmem:$0x1FFC0] =	vst v61  }
0x4c: {  	s21 =	simm.s32 $0x0;
	v63 =	vor.u32 $0x30, v10;
	s11 =	sor.u32 s12, s11;
	s30 =	sshrl.u32 s10, $0x1;
	[tilespmem:$0x1FFD0] =	vst v62  }
0x4d: {  	v13 =	vadd.s32 $0x1, v10;
	s12 =	simm.s32 $0x10080;
	s11 =	sadd.s32 s11, s9;
	s31 =	ssub.s32 s10, s30;
	[tilespmem:$0x1FFE0] =	vst v63  }
0x4e: {  	vm0 =	vmmov $0xf;
	s9 =	sadd.s32 $0x400, s11;
	s10 =	sadd.s32 $0x40400, s11;
	s11 =	smax.u32 s31, $0x1;
	[tilespmem:$0x1FFF0] =	vst v13  }
.LBB2_1:
0x4f: {  	[tilespmem:s8], [sflag:$0x1] =	stream.linear.gather [hbm4b:s9+s8], $0x10000, $0x38;
	[tilespmem:$0x10380] =	vst v63  }
0x50: {  	_ = 	snop  }
0x51: {  	[tilespmem:s12], [sflag:$0x2] =	stream.linear.gather [hbm4b:s0+s8], $0x80, $0x38;
	[tilespmem:$0x10380] =	vst v63  }
0x52: {  	_ =	swait.ge [sflag:s13], $0x80  }
0x53: {  	[sflag:s13] =	ssyncset.done $0x0  }
0x54: {  	[sflag:s13] =	ssyncadd.s32 $0xFFFFFF80  }
0x55: {  	[tilespmem:s14], [sflag:$0x2] =	stream.linear.gather [hbm4b:s1+s8], $0x80, $0x38;
	[tilespmem:$0x10380] =	vst v63  }
0x56: {  	_ =	swait.ge [sflag:s13], $0x80  }
0x57: {  	[sflag:s13] =	ssyncset.done $0x0  }
0x58: {  	[sflag:s13] =	ssyncadd.s32 $0xFFFFFF80  }
0x59: {  	[tilespmem:s15], [sflag:$0x2] =	stream.linear.gather [hbm4b:s2+s8], $0x80, $0x38;
	[tilespmem:$0x10380] =	vst v63  }
0x5a: {  	_ =	swait.ge [sflag:s13], $0x80  }
0x5b: {  	[sflag:s13] =	ssyncset.done $0x0  }
0x5c: {  	[sflag:s13] =	ssyncadd.s32 $0xFFFFFF80  }
0x5d: {  	[tilespmem:s16], [sflag:$0x2] =	stream.linear.gather [hbm4b:s3+s8], $0x80, $0x38;
	[tilespmem:$0x10380] =	vst v63  }
0x5e: {  	_ =	swait.ge [sflag:s13], $0x80  }
0x5f: {  	[sflag:s13] =	ssyncset.done $0x0  }
0x60: {  	[sflag:s13] =	ssyncadd.s32 $0xFFFFFF80  }
0x61: {  	[tilespmem:s17], [sflag:$0x2] =	stream.linear.gather [hbm4b:s4+s8], $0x80, $0x38;
	[tilespmem:$0x10380] =	vst v63  }
0x62: {  	_ =	swait.ge [sflag:s13], $0x80  }
0x63: {  	[sflag:s13] =	ssyncset.done $0x0  }
0x64: {  	[sflag:s13] =	ssyncadd.s32 $0xFFFFFF80  }
0x65: {  	[tilespmem:s18], [sflag:$0x2] =	stream.linear.gather [hbm4b:s7+s8], $0x80, $0x38;
	[tilespmem:$0x10380] =	vst v63  }
0x66: {  	_ =	swait.ge [sflag:s13], $0x80  }
0x67: {  	[sflag:s13] =	ssyncset.done $0x0  }
0x68: {  	[sflag:s13] =	ssyncadd.s32 $0xFFFFFF80  }
0x69: {  	v0 =	vld [tilespmem:$0x10180];
	_ =	sdelay $0x2  }
0x6a: {  	v1 =	vimm.f32 $0.0e+00  }
0x6b: {  	[tilespmem:$0x10000] =	vst v1  }
0x6c: {  	[tilespmem:$0x10010] =	vst v1  }
0x6d: {  	v6 =	vld [tilespmem:$0x1FB40];
	[tilespmem:$0x10020] =	vst v1  }
0x6e: {  	[tilespmem:$0x10030] =	vst v1  }
0x6f: {  	v1 =	vld.idx.msk [tilespmem:v0+s12+$0x0], $0xffff;
	_ =	sdelay $0x4  }
0x70: {  	[tilespmem:v0+s19+$0x0] =	vst.idx.add.f32.msk $0xffff, v1  }
0x71: {  	v1 =	vld.idx.msk [tilespmem:v6+s15+$0x0], $0xffff;
	_ =	sdelay $0x7  }
0x72: {  	v2 =	vld.idx.msk [tilespmem:v1+s12+$0x0], $0xffff;
	_ =	sdelay $0x3  }
0x73: {  	v0 =	vld.idx.msk [tilespmem:v0+s14+$0x0], $0xffff  }
0x74: {  	v3 =	vld.idx.msk [tilespmem:v1+s14+$0x0], $0xffff;
	v2 =	vnsel vm0, $0x0, v2  }
0x75: {  	[tilespmem:v1+s19+$0x0] =	vst.idx.add.f32.msk $0xf, v2  }
0x76: {  	v1 =	vld [tilespmem:$0x10200];
	_ =	sdelay $0x7  }
0x77: {  	v2 =	vld.idx.msk [tilespmem:v1+s12+$0x0], $0xffff;
	_ =	sdelay $0x4  }
0x78: {  	v2 =	vxor.u32 $0x80000000, v2  }
0x79: {  	[tilespmem:v1+s19+$0x0] =	vst.idx.add.f32.msk $0xffff, v2  }
0x7a: {  	v2 =	vld.idx.msk [tilespmem:v6+s16+$0x0], $0xffff;
	_ =	sdelay $0x7  }
0x7b: {  	v4 =	vld.idx.msk [tilespmem:v2+s12+$0x0], $0xffff;
	_ =	sdelay $0x4  }
0x7c: {  	v1 =	vld.idx.msk [tilespmem:v1+s14+$0x0], $0xffff;
	v4 =	vxor.u32 $0x80000000, v4  }
0x7d: {  	v5 =	vld.idx.msk [tilespmem:v2+s14+$0x0], $0xffff;
	v4 =	vnsel vm0, $0x0, v4  }
0x7e: {  	[tilespmem:v2+s19+$0x0] =	vst.idx.add.f32.msk $0xf, v4  }
0x7f: {  	v2 =	vld [tilespmem:$0x10280];
	_ =	sdelay $0x7  }
0x80: {  	v4 =	vld.idx.msk [tilespmem:v2+s12+$0x0], $0xffff;
	_ =	sdelay $0x4  }
0x81: {  	v4 =	vxor.u32 $0x80000000, v4  }
0x82: {  	[tilespmem:v2+s19+$0x0] =	vst.idx.add.f32.msk $0xffff, v4  }
0x83: {  	v4 =	vld.idx.msk [tilespmem:v6+s17+$0x0], $0xffff;
	_ =	sdelay $0x7  }
0x84: {  	v6 =	vld.idx.msk [tilespmem:v4+s12+$0x0], $0xffff;
	_ =	sdelay $0x4  }
0x85: {  	v2 =	vld.idx.msk [tilespmem:v2+s14+$0x0], $0xffff;
	v6 =	vxor.u32 $0x80000000, v6  }
0x86: {  	v7 =	vld.idx.msk [tilespmem:v4+s14+$0x0], $0xffff;
	v6 =	vnsel vm0, $0x0, v6  }
0x87: {  	[tilespmem:v4+s19+$0x0] =	vst.idx.add.f32.msk $0xf, v6  }
0x88: {  	v0 =	vadd.f32 $0.0e+00, v0;
	v4 =	vld [tilespmem:$0x10300]  }
0x89: {  	v3 =	vnsel vm0, $0x0, v3  }
0x8a: {  	v0 =	vadd.f32 v3, v0;
	_ =	sdelay $0x1  }
0x8b: {  	v0 =	vsub.f32 v0, v1;
	v1 =	vxor.u32 $0x80000000, v5  }
0x8c: {  	v1 =	vnsel vm0, $0x0, v1  }
0x8d: {  	v0 =	vadd.f32 v1, v0;
	_ =	sdelay $0x1  }
0x8e: {  	v0 =	vsub.f32 v0, v2;
	v2 =	vld.idx.msk [tilespmem:v4+s12+$0x0], $0xffff  }
0x8f: {  	v1 =	vxor.u32 $0x80000000, v7  }
0x90: {  	v1 =	vnsel vm0, $0x0, v1  }
0x91: {  	v0 =	vadd.f32 v1, v0  }
0x92: {  	v1 =	vld [tilespmem:$0x1FB50]  }
0x93: {  	(xrf2) =	vadd.scan.msk.f32 $0xffff, v0;
	(erf) = vrcp.f32 v2;
	_ =	sdelay $0x1  }
0x94: {  	v0 =	vmov s8  }
0x95: {  	v0 =	vshll.u32 v0, $0x7  }
0x96: {  	v49 =	vor.u32 v1, v0;
	v0 =	vld [tilespmem:$0x1FE80];
	_ =	sdelay $0x4  }
0x97: {  	v14 =	vld [tilespmem:$0x1FDF0];
	[tilespmem:$0x1F970] =	vst v4;
	v0 =	vor.u32 v0, v49;
	v1 =	vpop (erf)  }
0x98: {  	v3, _, _ =	vpop (xrf2);
	v2 =	vld [tilespmem:$0x1FE70];
	[tilespmem:$0x1F980] =	vst v1  }
0x99: {  	v1 =	vld [tilespmem:$0x1FEB0];
	_ =	swait.ge [sflag:s20], $0x10000  }
0x9a: {  	[sflag:s20] =	ssyncset.done $0x0  }
0x9b: {  	[sflag:s20] =	ssyncadd.s32 $0xFFFF0000  }
0x9c: {  	v0 =	vld.idx.msk [tilespmem:v0+s8+$0x0], $0xffff;
	_ =	sdelay $0x2  }
0x9d: {  	v11 =	vld [tilespmem:$0x1FDC0]  }
0x9e: {  	v4 =	vld [tilespmem:$0x1FE90]  }
0x9f: {  	[tilespmem:$0x1F9B0] =	vst v0;
	v0 =	vld [tilespmem:$0x1FDA0];
	_ =	sdelay $0x1  }
0xa0: {  	v5 =	vld [tilespmem:$0x1FF00];
	_ =	sdelay $0x1  }
0xa1: {  	v58 =	vld [tilespmem:$0x1FDD0]  }
0xa2: {  	v2 =	vor.u32 v2, v49;
	v4 =	vsel vm1, v4, v11;
	v11 =	vsel vm1, v11, v0;
	v0 =	vld [tilespmem:$0x1FEC0]  }
0xa3: {  	v1 =	vsel vm1, v1, v14  }
0xa4: {  	v10 =	vcombine.low v1, v5;
	_ =	sdelay $0x1  }
0xa5: {  	[tilespmem:$0x1F990] =	vst v10;
	v57 =	vor.u32 v10, v49;
	v10 =	vsel vm1, v14, v58  }
0xa6: {  	v60 =	vcombine.low v10, v0;
	v0 =	vld.idx.msk [tilespmem:v2+s8+$0x0], $0xffff;
	_ =	sdelay $0x1  }
0xa7: {  	v12 =	vld [tilespmem:$0x1FD90]  }
0xa8: {  	v6 =	vld [tilespmem:$0x1FE50]  }
0xa9: {  	v5 =	vld [tilespmem:$0x1FE60]  }
0xaa: {  	[tilespmem:$0x1F9D0] =	vst v0;
	v0 =	vld [tilespmem:$0x1FD70];
	_ =	sdelay $0x3  }
0xab: {  	v7 =	vld [tilespmem:$0x1FEF0]  }
0xac: {  	v6 =	vsel vm1, v6, v12;
	v5 =	vor.u32 v5, v49;
	v12 =	vsel vm1, v12, v0;
	v0 =	vld [tilespmem:$0x1FEA0];
	_ =	sdelay $0x3  }
0xad: {  	v13 =	vcombine.low v4, v7;
	v7 =	vld [tilespmem:$0x1FE40]  }
0xae: {  	v2 =	vcombine.low v11, v0;
	v0 =	vld.idx.msk [tilespmem:v5+s8+$0x0], $0xffff;
	_ =	sdelay $0x4  }
0xaf: {  	v7 =	vor.u32 v7, v49;
	[tilespmem:$0x1F9F0] =	vst v0;
	v0 =	vld [tilespmem:$0x1FE20];
	_ =	sdelay $0x4  }
0xb0: {  	v5 =	vcombine.low v12, v0;
	v0 =	vld.idx.msk [tilespmem:v7+s8+$0x0], $0xffff;
	_ =	sdelay $0x1  }
0xb1: {  	v8 =	vld [tilespmem:$0x1FE30]  }
0xb2: {  	v9 =	vld [tilespmem:$0x1FE00]  }
0xb3: {  	v59 =	vld [tilespmem:$0x1FED0]  }
0xb4: {  	[tilespmem:$0x1FA10] =	vst v0;
	v0 =	vld.idx.msk [tilespmem:v57+s8+$0x0], $0xffff;
	_ =	sdelay $0x3  }
0xb5: {  	v8 =	vsel vm1, v8, v9  }
0xb6: {  	v14 =	vcombine.low v8, v59;
	v8 =	vor.u32 v13, v49;
	[tilespmem:$0x1FA30] =	vst v0;
	v0 =	vld [tilespmem:$0x1FDE0];
	_ =	sdelay $0x4  }
0xb7: {  	[tilespmem:$0x1FA20] =	vst v2;
	v7 =	vor.u32 v2, v49;
	v2 =	vcombine.low v0, v1;
	v0 =	vld.idx.msk [tilespmem:v8+s8+$0x0], $0xffff;
	_ =	sdelay $0x2  }
0xb8: {  	v56 =	vld [tilespmem:$0x1FEE0];
	_ =	sdelay $0x1  }
0xb9: {  	[tilespmem:$0x1FA50] =	vst v0;
	v0 =	vld [tilespmem:$0x1FDB0];
	_ =	sdelay $0x2  }
0xba: {  	v15 =	vcombine.low v6, v56;
	_ =	sdelay $0x1  }
0xbb: {  	v61 =	vor.u32 v15, v49;
	[tilespmem:$0x1FA40] =	vst v5;
	v1 =	vor.u32 v5, v49;
	v5 =	vcombine.low v0, v4;
	v0 =	vld [tilespmem:$0x1FE10];
	_ =	sdelay $0x4  }
0xbc: {  	v4 =	vor.u32 v0, v49;
	v0 =	vld.idx.msk [tilespmem:v61+s8+$0x0], $0xffff;
	_ =	sdelay $0x4  }
0xbd: {  	[tilespmem:$0x1FA60] =	vst v0;
	v0 =	vld [tilespmem:$0x1FD80];
	_ =	sdelay $0x4  }
0xbe: {  	v0 =	vcombine.low v0, v6;
	_ =	sdelay $0x1  }
0xbf: {  	[tilespmem:$0x1FAB0] =	vst v0;
	v18 =	vor.u32 v0, v49;
	v0 =	vld.idx.msk [tilespmem:v7+s8+$0x0], $0xffff;
	_ =	sdelay $0x4  }
0xc0: {  	[tilespmem:$0x1FAC0] =	vst v0;
	v0 =	vld [tilespmem:$0x1FFE0];
	_ =	sdelay $0x4  }
0xc1: {  	v7 =	vor.u32 v0, v49;
	v0 =	vld.idx.msk [tilespmem:v1+s8+$0x0], $0xffff;
	_ =	sdelay $0x4  }
0xc2: {  	[tilespmem:$0x1FAD0] =	vst v0;
	v0 =	vld [tilespmem:$0x1FFD0];
	_ =	sdelay $0x3  }
0xc3: {  	v62 =	vor.u32 v14, v49  }
0xc4: {  	v1 =	vor.u32 v0, v49;
	v0 =	vld.idx.msk [tilespmem:v4+s8+$0x0], $0xffff;
	_ =	sdelay $0x3  }
0xc5: {  	v63 =	vor.u32 v60, v49;
	[tilespmem:$0x1FA70] =	vst v2;
	v6 =	vor.u32 v2, v49;
	v2 =	vld.idx.msk [tilespmem:v62+s8+$0x0], $0xffff  }
0xc6: {  	[tilespmem:$0x1FAE0] =	vst v0;
	v0 =	vld [tilespmem:$0x1FFC0];
	_ =	sdelay $0x3  }
0xc7: {  	[tilespmem:$0x1FA80] =	vst v2;
	v2 =	vld.idx.msk [tilespmem:v63+s8+$0x0], $0xffff  }
0xc8: {  	v4 =	vor.u32 v0, v49;
	v0 =	vld [tilespmem:$0x1FFB0];
	_ =	sdelay $0x3  }
0xc9: {  	[tilespmem:$0x1FAA0] =	vst v2;
	v2 =	vld.idx.msk [tilespmem:v6+s8+$0x0], $0xffff  }
0xca: {  	v6 =	vor.u32 v0, v49;
	v0 =	vld [tilespmem:$0x1FFA0];
	_ =	sdelay $0x4  }
0xcb: {  	v23 =	vor.u32 v0, v49;
	v0 =	vld [tilespmem:$0x1FF90];
	_ =	sdelay $0x4  }
0xcc: {  	v24 =	vor.u32 v0, v49;
	v0 =	vld.idx.msk [tilespmem:v7+s8+$0x0], $0xffff;
	_ =	sdelay $0x4  }
0xcd: {  	[tilespmem:$0x1FAF0] =	vst v0;
	v0 =	vld [tilespmem:$0x1FF80];
	_ =	sdelay $0x4  }
0xce: {  	v7 =	vor.u32 v0, v49;
	v0 =	vld.idx.msk [tilespmem:v1+s8+$0x0], $0xffff;
	_ =	sdelay $0x4  }
0xcf: {  	[tilespmem:$0x1FB00] =	vst v0;
	v0 =	vld [tilespmem:$0x1FF70];
	_ =	sdelay $0x4  }
0xd0: {  	v1 =	vor.u32 v0, v49;
	v0 =	vld.idx.msk [tilespmem:v4+s8+$0x0], $0xffff;
	_ =	sdelay $0x4  }
0xd1: {  	[tilespmem:$0x1FB10] =	vst v0;
	v0 =	vld [tilespmem:$0x1FF60];
	_ =	sdelay $0x4  }
0xd2: {  	v4 =	vor.u32 v0, v49;
	v0 =	vld.idx.msk [tilespmem:v6+s8+$0x0], $0xffff;
	_ =	sdelay $0x4  }
0xd3: {  	[tilespmem:$0x1FB20] =	vst v0;
	v0 =	vld [tilespmem:$0x1FF50];
	_ =	sdelay $0x4  }
0xd4: {  	v6 =	vor.u32 v0, v49;
	v0 =	vld [tilespmem:$0x1FF40];
	_ =	sdelay $0x4  }
0xd5: {  	v29 =	vor.u32 v0, v49;
	v0 =	vld [tilespmem:$0x1FF30];
	_ =	sdelay $0x4  }
0xd6: {  	v31 =	vor.u32 v0, v49;
	v0 =	vld [tilespmem:$0x1FF20];
	_ =	sdelay $0x3  }
0xd7: {  	v25 =	vld.idx.msk [tilespmem:v7+s8+$0x0], $0xffff  }
0xd8: {  	v7 =	vor.u32 v0, v49;
	v0 =	vld [tilespmem:$0x1FF10];
	_ =	sdelay $0x3  }
0xd9: {  	v26 =	vld.idx.msk [tilespmem:v1+s8+$0x0], $0xffff  }
0xda: {  	v1 =	vor.u32 v0, v49;
	v0 =	vld [tilespmem:$0x1FD60];
	_ =	sdelay $0x3  }
0xdb: {  	v27 =	vld.idx.msk [tilespmem:v4+s8+$0x0], $0xffff  }
0xdc: {  	v4 =	vor.u32 v0, v49;
	v0 =	vld [tilespmem:$0x1FD50];
	_ =	sdelay $0x3  }
0xdd: {  	v28 =	vld.idx.msk [tilespmem:v6+s8+$0x0], $0xffff  }
0xde: {  	v6 =	vor.u32 v0, v49;
	v0 =	vld [tilespmem:$0x1FD40];
	_ =	sdelay $0x3  }
0xdf: {  	v30 =	vld.idx.msk [tilespmem:v29+s8+$0x0], $0xffff  }
0xe0: {  	v29 =	vor.u32 v0, v49;
	v0 =	vld [tilespmem:$0x1FD30];
	_ =	sdelay $0x4  }
0xe1: {  	v37 =	vor.u32 v0, v49;
	v0 =	vld [tilespmem:$0x1FD20];
	_ =	sdelay $0x3  }
0xe2: {  	v32 =	vld.idx.msk [tilespmem:v7+s8+$0x0], $0xffff  }
0xe3: {  	v7 =	vor.u32 v0, v49;
	v0 =	vld [tilespmem:$0x1FD10];
	_ =	sdelay $0x3  }
0xe4: {  	v33 =	vld.idx.msk [tilespmem:v1+s8+$0x0], $0xffff  }
0xe5: {  	v1 =	vor.u32 v0, v49;
	v0 =	vld [tilespmem:$0x1FD00];
	_ =	sdelay $0x3  }
0xe6: {  	v34 =	vld.idx.msk [tilespmem:v4+s8+$0x0], $0xffff  }
0xe7: {  	v4 =	vor.u32 v0, v49;
	v0 =	vld [tilespmem:$0x1FCF0];
	_ =	sdelay $0x3  }
0xe8: {  	v35 =	vld.idx.msk [tilespmem:v6+s8+$0x0], $0xffff  }
0xe9: {  	v6 =	vor.u32 v0, v49;
	v0 =	vld [tilespmem:$0x1FCE0];
	_ =	sdelay $0x3  }
0xea: {  	v36 =	vld.idx.msk [tilespmem:v29+s8+$0x0], $0xffff  }
0xeb: {  	v29 =	vor.u32 v0, v49;
	v0 =	vld [tilespmem:$0x1FCD0];
	_ =	sdelay $0x4  }
0xec: {  	v38 =	vor.u32 v0, v49;
	v0 =	vld [tilespmem:$0x1FCC0];
	_ =	sdelay $0x3  }
0xed: {  	v52 =	vld.idx.msk [tilespmem:v7+s8+$0x0], $0xffff  }
0xee: {  	v7 =	vor.u32 v0, v49;
	v0 =	vld [tilespmem:$0x1FCB0];
	_ =	sdelay $0x3  }
0xef: {  	v54 =	vld.idx.msk [tilespmem:v1+s8+$0x0], $0xffff  }
0xf0: {  	v1 =	vor.u32 v0, v49;
	v0 =	vld [tilespmem:$0x1FCA0];
	_ =	sdelay $0x3  }
0xf1: {  	v55 =	vld.idx.msk [tilespmem:v4+s8+$0x0], $0xffff  }
0xf2: {  	v4 =	vor.u32 v0, v49;
	v0 =	vld [tilespmem:$0x1FC90];
	_ =	sdelay $0x3  }
0xf3: {  	v56 =	vld.idx.msk [tilespmem:v6+s8+$0x0], $0xffff  }
0xf4: {  	v6 =	vor.u32 v0, v49;
	v0 =	vld [tilespmem:$0x1FC80];
	_ =	sdelay $0x3  }
0xf5: {  	v40 =	vld.idx.msk [tilespmem:v29+s8+$0x0], $0xffff  }
0xf6: {  	v29 =	vor.u32 v0, v49;
	v0 =	vld [tilespmem:$0x1FC70];
	_ =	sdelay $0x4  }
0xf7: {  	v41 =	vor.u32 v0, v49;
	v0 =	vld [tilespmem:$0x1FC60];
	_ =	sdelay $0x3  }
0xf8: {  	v47 =	vld.idx.msk [tilespmem:v7+s8+$0x0], $0xffff  }
0xf9: {  	v7 =	vor.u32 v0, v49;
	v0 =	vld [tilespmem:$0x1FC50];
	_ =	sdelay $0x3  }
0xfa: {  	v53 =	vld.idx.msk [tilespmem:v1+s8+$0x0], $0xffff  }
0xfb: {  	v1 =	vor.u32 v0, v49;
	v0 =	vld [tilespmem:$0x1FC40];
	_ =	sdelay $0x2  }
0xfc: {  	v43 =	vld.idx.msk [tilespmem:v38+s8+$0x0], $0xffff  }
0xfd: {  	v38 =	vld.idx.msk [tilespmem:v4+s8+$0x0], $0xffff  }
0xfe: {  	v4 =	vor.u32 v0, v49;
	v0 =	vld [tilespmem:$0x1FC30];
	_ =	sdelay $0x3  }
0xff: {  	v39 =	vld.idx.msk [tilespmem:v6+s8+$0x0], $0xffff  }
0x100: {  	v6 =	vor.u32 v0, v49;
	v0 =	vld [tilespmem:$0x1FC20];
	_ =	sdelay $0x3  }
0x101: {  	v44 =	vld.idx.msk [tilespmem:v29+s8+$0x0], $0xffff  }
0x102: {  	v29 =	vor.u32 v0, v49;
	v0 =	vld [tilespmem:$0x1FC10];
	_ =	sdelay $0x3  }
0x103: {  	v58 =	vld.idx.msk [tilespmem:v7+s8+$0x0], $0xffff  }
0x104: {  	v7 =	vor.u32 v0, v49;
	v0 =	vld [tilespmem:$0x1FC00];
	_ =	sdelay $0x3  }
0x105: {  	v59 =	vld.idx.msk [tilespmem:v1+s8+$0x0], $0xffff  }
0x106: {  	v1 =	vor.u32 v0, v49;
	v0 =	vld [tilespmem:$0x1FBF0];
	_ =	sdelay $0x3  }
0x107: {  	v42 =	vld.idx.msk [tilespmem:v4+s8+$0x0], $0xffff  }
0x108: {  	v4 =	vor.u32 v0, v49;
	v0 =	vld [tilespmem:$0x1FBE0];
	_ =	sdelay $0x3  }
0x109: {  	[tilespmem:$0x1FA00] =	vst v60;
	v60 =	vld.idx.msk [tilespmem:v6+s8+$0x0], $0xffff  }
0x10a: {  	v6 =	vor.u32 v0, v49;
	v0 =	vld [tilespmem:$0x1FBD0];
	_ =	sdelay $0x3  }
0x10b: {  	v61 =	vld.idx.msk [tilespmem:v29+s8+$0x0], $0xffff  }
0x10c: {  	v29 =	vor.u32 v0, v49;
	v0 =	vld [tilespmem:$0x1FBC0];
	_ =	sdelay $0x3  }
0x10d: {  	v62 =	vld.idx.msk [tilespmem:v7+s8+$0x0], $0xffff  }
0x10e: {  	v7 =	vor.u32 v0, v49;
	v0 =	vld [tilespmem:$0x1FBB0];
	_ =	sdelay $0x4  }
0x10f: {  	v46 =	vor.u32 v0, v49;
	v0 =	vbroadcast v3, $0xF;
	_ =	sdelay $0x1  }
0x110: {  	[tilespmem:$0x1FB30] =	vst v0;
	v0 =	vld [tilespmem:$0x1FBA0];
	_ =	sdelay $0x3  }
0x111: {  	v3 =	vld.idx.msk [tilespmem:v7+s8+$0x0], $0xffff  }
0x112: {  	v7 =	vor.u32 v0, v49;
	v0 =	vld [tilespmem:$0x1FB90];
	_ =	sdelay $0x1  }
0x113: {  	v17 =	vor.u32 v5, v49;
	_ =	sdelay $0x2  }
0x114: {  	v57 =	vor.u32 v0, v49;
	v0 =	vld [tilespmem:$0x1FB80];
	_ =	sdelay $0x1  }
0x115: {  	[tilespmem:$0x1FA90] =	vst v5;
	v5 =	vld.idx.msk [tilespmem:v17+s8+$0x0], $0xffff  }
0x116: {  	v50 =	vld.idx.msk [tilespmem:v41+s8+$0x0], $0xffff  }
0x117: {  	v41 =	vld.idx.msk [tilespmem:v4+s8+$0x0], $0xffff  }
0x118: {  	v4 =	vor.u32 v0, v49;
	v0 =	vld [tilespmem:$0x1FB70]  }
0x119: {  	v19 =	vld.idx.msk [tilespmem:v18+s8+$0x0], $0xffff  }
0x11a: {  	v23 =	vld.idx.msk [tilespmem:v23+s8+$0x0], $0xffff  }
0x11b: {  	v51 =	vld.idx.msk [tilespmem:v1+s8+$0x0], $0xffff  }
0x11c: {  	v1 =	vld.idx.msk [tilespmem:v29+s8+$0x0], $0xffff  }
0x11d: {  	v29 =	vor.u32 v0, v49;
	v0 =	vld [tilespmem:$0x1FB60]  }
0x11e: {  	v24 =	vld.idx.msk [tilespmem:v24+s8+$0x0], $0xffff  }
0x11f: {  	v31 =	vld.idx.msk [tilespmem:v31+s8+$0x0], $0xffff  }
0x120: {  	[tilespmem:$0x1F9A0] =	vst v13;
	v37 =	vld.idx.msk [tilespmem:v37+s8+$0x0], $0xffff  }
0x121: {  	[tilespmem:$0x1F9C0] =	vst v15;
	v48 =	vld.idx.msk [tilespmem:v6+s8+$0x0], $0xffff  }
0x122: {  	s23 =	simm.s32 $0x10;
	s22 =	simm.s32 $0x20;
	[tilespmem:$0x1F9E0] =	vst v14;
	v18 =	vmov v5;
	v17 =	vmov v2;
	v46 =	vld.idx.msk [tilespmem:v46+s8+$0x0], $0xffff;
	v6 =	vor.u32 v0, v49  }
.LBB2_2:
0x123: {  	v10 =	vld [tilespmem:$0x1FFF0]  }
0x124: {  	v2 =	vld.idx.msk [tilespmem:v57+s8+$0x0], $0xffff  }
0x125: {  	v8 =	vld [tilespmem:$0x1FB50]  }
0x126: {  	v4 =	vld.idx.msk [tilespmem:v4+s8+$0x0], $0xffff  }
0x127: {  	v29 =	vld.idx.msk [tilespmem:v29+s8+$0x0], $0xffff  }
0x128: {  	v6 =	vld.idx.msk [tilespmem:v6+s8+$0x0], $0xffff  }
0x129: {  	v9 =	vmov s23;
	v5 =	vlaneseq.u32;
	v13 =	vld [tilespmem:$0x1FB60]  }
0x12a: {  	v15 =	vld [tilespmem:$0x1FB70];
	v9 =	vshll.u32 v9, $0x7;
	v45 =	vor.u32 v5, v49  }
0x12b: {  	v16 =	vld [tilespmem:$0x1FB80];
	v57 =	vor.u32 v8, v9  }
0x12c: {  	v21 =	vld [tilespmem:$0x1FB90];
	v9 =	vor.u32 v5, v57;
	v5 =	vlaneseq.u32  }
0x12d: {  	v20 =	vld [tilespmem:$0x1FB30]  }
0x12e: {  	v22 =	vld [tilespmem:$0x1FBA0];
	v0 =	vor.u32 v10, v49  }
0x12f: {  	v45 =	vld.idx.msk [tilespmem:v45+s8+$0x0], $0xffff  }
0x130: {  	v63 =	vor.u32 v10, v57;
	v10 =	vld.idx.msk [tilespmem:v10+s19+$0x0], $0xffff  }
0x131: {  	v5 =	vld.idx.msk [tilespmem:v5+s19+$0x0], $0xffff  }
0x132: {  	v8 =	vor.u32 v13, v57;
	v9 =	vld.idx.msk [tilespmem:v9+s8+$0x0], $0xffff  }
0x133: {  	v11 =	vor.u32 v15, v57;
	v0 =	vld.idx.msk [tilespmem:v0+s8+$0x0], $0xffff  }
0x134: {  	v12 =	vld.idx.msk [tilespmem:v13+s19+$0x0], $0xffff  }
0x135: {  	v14 =	vld.idx.msk [tilespmem:v15+s19+$0x0], $0xffff  }
0x136: {  	v63 =	vld.idx.msk [tilespmem:v63+s8+$0x0], $0xffff;
	v45 =	vmul.f32 v45, v5  }
0x137: {  	v8 =	vld.idx.msk [tilespmem:v8+s8+$0x0], $0xffff;
	v5 =	vmul.f32 v9, v5  }
0x138: {  	v0 =	vmul.f32 v0, v10;
	v9 =	vld.idx.msk [tilespmem:v11+s8+$0x0], $0xffff;
	v11 =	vadd.f32 v45, v20  }
0x139: {  	v13 =	vor.u32 v16, v57;
	v5 =	vadd.f32 v5, v20;
	v20 =	vld [tilespmem:$0x1FBB0]  }
0x13a: {  	v0 =	vadd.f32 v0, v11;
	v11 =	vld.idx.msk [tilespmem:v21+s19+$0x0], $0xffff  }
0x13b: {  	v15 =	vor.u32 v21, v57;
	v21 =	vld [tilespmem:$0x1FBC0]  }
0x13c: {  	v45 =	vld.idx.msk [tilespmem:v16+s19+$0x0], $0xffff  }
0x13d: {  	v7 =	vld.idx.msk [tilespmem:v7+s8+$0x0], $0xffff;
	v6 =	vmul.f32 v6, v12  }
0x13e: {  	v13 =	vld.idx.msk [tilespmem:v13+s8+$0x0], $0xffff;
	v10 =	vmul.f32 v63, v10  }
0x13f: {  	v8 =	vmul.f32 v8, v12;
	v12 =	vld.idx.msk [tilespmem:v22+s19+$0x0], $0xffff;
	v0 =	vadd.f32 v6, v0;
	v6 =	vmul.f32 v29, v14  }
0x140: {  	v16 =	vor.u32 v22, v57;
	v5 =	vadd.f32 v10, v5;
	v10 =	vld.idx.msk [tilespmem:v15+s8+$0x0], $0xffff  }
0x141: {  	v4 =	vmul.f32 v4, v45;
	v0 =	vadd.f32 v6, v0;
	v15 =	vor.u32 v21, v57;
	v6 =	vld.idx.msk [tilespmem:v20+s19+$0x0], $0xffff  }
0x142: {  	v5 =	vadd.f32 v8, v5;
	v8 =	vmul.f32 v9, v14;
	v63 =	vor.u32 v20, v57;
	v20 =	vld [tilespmem:$0x1FBD0]  }
0x143: {  	v0 =	vadd.f32 v4, v0;
	v4 =	vld.idx.msk [tilespmem:v21+s19+$0x0], $0xffff  }
0x144: {  	v5 =	vadd.f32 v8, v5;
	v8 =	vmul.f32 v13, v45;
	v21 =	vld [tilespmem:$0x1FBE0]  }
0x145: {  	v9 =	vld.idx.msk [tilespmem:v16+s8+$0x0], $0xffff  }
0x146: {  	v5 =	vadd.f32 v8, v5;
	v8 =	vmul.f32 v10, v11;
	v10 =	vld.idx.msk [tilespmem:v15+s8+$0x0], $0xffff  }
0x147: {  	v15 =	vld [tilespmem:$0x1FBF0];
	v14 =	vor.u32 v20, v57  }
0x148: {  	v2 =	vmul.f32 v2, v11  }
0x149: {  	v63 =	vld.idx.msk [tilespmem:v63+s8+$0x0], $0xffff;
	v16 =	vor.u32 v21, v57  }
0x14a: {  	v0 =	vadd.f32 v2, v0;
	v2 =	vmul.f32 v7, v12;
	v7 =	vld.idx.msk [tilespmem:v20+s19+$0x0], $0xffff  }
0x14b: {  	v20 =	vld [tilespmem:$0x1FC00]  }
0x14c: {  	v5 =	vadd.f32 v8, v5;
	v8 =	vmul.f32 v9, v12;
	v45 =	vld.idx.msk [tilespmem:v14+s8+$0x0], $0xffff  }
0x14d: {  	v0 =	vadd.f32 v2, v0;
	v2 =	vmul.f32 v46, v6;
	v12 =	vld.idx.msk [tilespmem:v21+s19+$0x0], $0xffff  }
0x14e: {  	v5 =	vadd.f32 v8, v5;
	v11 =	vor.u32 v15, v57;
	v8 =	vld.idx.msk [tilespmem:v16+s8+$0x0], $0xffff  }
0x14f: {  	v0 =	vadd.f32 v2, v0;
	v2 =	vmul.f32 v3, v4;
	v3 =	vld.idx.msk [tilespmem:v15+s19+$0x0], $0xffff  }
0x150: {  	v6 =	vmul.f32 v63, v6;
	v15 =	vld [tilespmem:$0x1FC10]  }
0x151: {  	v16 =	vld [tilespmem:$0x1FC20]  }
0x152: {  	v5 =	vadd.f32 v6, v5;
	v4 =	vmul.f32 v10, v4;
	v46 =	vor.u32 v20, v57  }
0x153: {  	v0 =	vadd.f32 v2, v0;
	v1 =	vmul.f32 v1, v7;
	v6 =	vld.idx.msk [tilespmem:v11+s8+$0x0], $0xffff  }
0x154: {  	v4 =	vadd.f32 v4, v5;
	v5 =	vmul.f32 v45, v7;
	v45 =	vld [tilespmem:$0x1FC30]  }
0x155: {  	v0 =	vadd.f32 v1, v0;
	v1 =	vmul.f32 v48, v12;
	v48 =	vld [tilespmem:$0x1FC50];
	v63 =	vor.u32 v15, v57  }
0x156: {  	v2 =	vld.idx.msk [tilespmem:v20+s19+$0x0], $0xffff  }
0x157: {  	v7 =	vld.idx.msk [tilespmem:v46+s8+$0x0], $0xffff  }
0x158: {  	v10 =	vor.u32 v16, v57;
	v9 =	vld.idx.msk [tilespmem:v15+s19+$0x0], $0xffff  }
0x159: {  	v4 =	vadd.f32 v5, v4;
	v5 =	vmul.f32 v8, v12;
	v12 =	vld.idx.msk [tilespmem:v16+s19+$0x0], $0xffff  }
0x15a: {  	v0 =	vadd.f32 v1, v0;
	v1 =	vmul.f32 v41, v3;
	v8 =	vld.idx.msk [tilespmem:v63+s8+$0x0], $0xffff  }
0x15b: {  	v4 =	vadd.f32 v5, v4;
	v46 =	vor.u32 v45, v57;
	v63 =	vld [tilespmem:$0x1FC40]  }
0x15c: {  	v3 =	vmul.f32 v6, v3;
	v0 =	vadd.f32 v1, v0;
	v1 =	vmul.f32 v51, v2;
	v51 =	vld [tilespmem:$0x1FC60]  }
0x15d: {  	v5 =	vld.idx.msk [tilespmem:v10+s8+$0x0], $0xffff  }
0x15e: {  	v3 =	vadd.f32 v3, v4;
	v6 =	vld.idx.msk [tilespmem:v45+s19+$0x0], $0xffff;
	v45 =	vor.u32 v48, v57;
	v2 =	vmul.f32 v7, v2  }
0x15f: {  	v0 =	vadd.f32 v1, v0;
	v1 =	vmul.f32 v62, v9  }
0x160: {  	v4 =	vld.idx.msk [tilespmem:v46+s8+$0x0], $0xffff;
	v2 =	vadd.f32 v2, v3;
	v41 =	vor.u32 v63, v57  }
0x161: {  	v3 =	vmul.f32 v8, v9;
	v0 =	vadd.f32 v1, v0;
	v1 =	vmul.f32 v61, v12;
	v61 =	vld [tilespmem:$0x1FC70]  }
0x162: {  	v46 =	vor.u32 v51, v57;
	v9 =	vld.idx.msk [tilespmem:v48+s19+$0x0], $0xffff  }
0x163: {  	v2 =	vadd.f32 v3, v2;
	v3 =	vmul.f32 v5, v12;
	v5 =	vld.idx.msk [tilespmem:v45+s8+$0x0], $0xffff  }
0x164: {  	v0 =	vadd.f32 v1, v0;
	v1 =	vmul.f32 v60, v6;
	v60 =	vld [tilespmem:$0x1FC80]  }
0x165: {  	v7 =	vld.idx.msk [tilespmem:v63+s19+$0x0], $0xffff  }
0x166: {  	v8 =	vld.idx.msk [tilespmem:v41+s8+$0x0], $0xffff;
	v13 =	vor.u32 v61, v57  }
0x167: {  	v2 =	vadd.f32 v3, v2;
	v3 =	vmul.f32 v4, v6;
	v4 =	vld.idx.msk [tilespmem:v46+s8+$0x0], $0xffff  }
0x168: {  	v46 =	vld [tilespmem:$0x1FC90]  }
0x169: {  	v10 =	vld.idx.msk [tilespmem:v51+s19+$0x0], $0xffff;
	v41 =	vor.u32 v60, v57  }
0x16a: {  	v0 =	vadd.f32 v1, v0;
	v1 =	vmul.f32 v42, v7;
	v6 =	vld.idx.msk [tilespmem:v61+s19+$0x0], $0xffff  }
0x16b: {  	v2 =	vadd.f32 v3, v2;
	v3 =	vmul.f32 v8, v7;
	v7 =	vld.idx.msk [tilespmem:v13+s8+$0x0], $0xffff  }
0x16c: {  	v0 =	vadd.f32 v1, v0;
	v1 =	vmul.f32 v59, v9;
	v59 =	vld [tilespmem:$0x1FCA0]  }
0x16d: {  	v42 =	vor.u32 v46, v57;
	v8 =	vld.idx.msk [tilespmem:v60+s19+$0x0], $0xffff  }
0x16e: {  	v2 =	vadd.f32 v3, v2;
	v3 =	vmul.f32 v5, v9;
	v5 =	vld.idx.msk [tilespmem:v41+s8+$0x0], $0xffff  }
0x16f: {  	v0 =	vadd.f32 v1, v0;
	v1 =	vmul.f32 v58, v10;
	v58 =	vld [tilespmem:$0x1FCB0]  }
0x170: {  	v9 =	vld.idx.msk [tilespmem:v46+s19+$0x0], $0xffff  }
0x171: {  	v0 =	vadd.f32 v1, v0;
	v1 =	vmul.f32 v50, v6;
	v50 =	vld [tilespmem:$0x1FCC0];
	v45 =	vor.u32 v59, v57  }
0x172: {  	v2 =	vadd.f32 v3, v2;
	v3 =	vmul.f32 v4, v10;
	v4 =	vld.idx.msk [tilespmem:v42+s8+$0x0], $0xffff  }
0x173: {  	v42 =	vld [tilespmem:$0x1FCF0]  }
0x174: {  	v0 =	vadd.f32 v1, v0;
	v1 =	vmul.f32 v44, v8;
	v44 =	vld [tilespmem:$0x1FCE0];
	v62 =	vor.u32 v58, v57  }
0x175: {  	v10 =	vld.idx.msk [tilespmem:v59+s19+$0x0], $0xffff  }
0x176: {  	v2 =	vadd.f32 v3, v2;
	v3 =	vmul.f32 v7, v6;
	v41 =	vor.u32 v50, v57;
	v6 =	vld.idx.msk [tilespmem:v45+s8+$0x0], $0xffff  }
0x177: {  	v45 =	vld [tilespmem:$0x1FCD0]  }
0x178: {  	v2 =	vadd.f32 v3, v2;
	v3 =	vmul.f32 v5, v8;
	v7 =	vld.idx.msk [tilespmem:v58+s19+$0x0], $0xffff  }
0x179: {  	v0 =	vadd.f32 v1, v0;
	v1 =	vmul.f32 v39, v9;
	v5 =	vld.idx.msk [tilespmem:v62+s8+$0x0], $0xffff  }
0x17a: {  	v2 =	vadd.f32 v3, v2;
	v8 =	vld.idx.msk [tilespmem:v50+s19+$0x0], $0xffff  }
0x17b: {  	v3 =	vmul.f32 v4, v9;
	v0 =	vadd.f32 v1, v0;
	v1 =	vmul.f32 v38, v10;
	v4 =	vld.idx.msk [tilespmem:v41+s8+$0x0], $0xffff  }
0x17c: {  	v41 =	vld [tilespmem:$0x1FD30];
	v13 =	vor.u32 v45, v57  }
0x17d: {  	v62 =	vor.u32 v44, v57;
	v0 =	vadd.f32 v1, v0;
	v1 =	vmul.f32 v53, v7;
	v53 =	vld [tilespmem:$0x1FD00]  }
0x17e: {  	v2 =	vadd.f32 v3, v2;
	v3 =	vmul.f32 v6, v10;
	v10 =	vld.idx.msk [tilespmem:v44+s19+$0x0], $0xffff  }
0x17f: {  	v38 =	vor.u32 v42, v57;
	v0 =	vadd.f32 v1, v0;
	v1 =	vmul.f32 v47, v8;
	v47 =	vld [tilespmem:$0x1FD10]  }
0x180: {  	v9 =	vld.idx.msk [tilespmem:v45+s19+$0x0], $0xffff  }
0x181: {  	v6 =	vld.idx.msk [tilespmem:v13+s8+$0x0], $0xffff  }
0x182: {  	v2 =	vadd.f32 v3, v2;
	v3 =	vmul.f32 v5, v7;
	v5 =	vld.idx.msk [tilespmem:v62+s8+$0x0], $0xffff;
	v39 =	vor.u32 v53, v57  }
0x183: {  	v7 =	vld.idx.msk [tilespmem:v42+s19+$0x0], $0xffff  }
0x184: {  	v2 =	vadd.f32 v3, v2;
	v3 =	vmul.f32 v4, v8;
	v4 =	vld.idx.msk [tilespmem:v38+s8+$0x0], $0xffff  }
0x185: {  	v0 =	vadd.f32 v1, v0;
	v12 =	vor.u32 v47, v57;
	v1 =	vmul.f32 v43, v9;
	v43 =	vld [tilespmem:$0x1FD20]  }
0x186: {  	v2 =	vadd.f32 v3, v2;
	v8 =	vld.idx.msk [tilespmem:v53+s19+$0x0], $0xffff;
	v3 =	vmul.f32 v6, v9  }
0x187: {  	v6 =	vld.idx.msk [tilespmem:v39+s8+$0x0], $0xffff;
	v0 =	vadd.f32 v1, v0;
	v1 =	vmul.f32 v40, v10  }
0x188: {  	v38 =	vor.u32 v41, v57;
	v9 =	vld.idx.msk [tilespmem:v47+s19+$0x0], $0xffff;
	v2 =	vadd.f32 v3, v2  }
0x189: {  	v3 =	vmul.f32 v5, v10;
	v0 =	vadd.f32 v1, v0;
	v1 =	vmul.f32 v56, v7;
	v56 =	vld [tilespmem:$0x1FD40]  }
0x18a: {  	v5 =	vld.idx.msk [tilespmem:v12+s8+$0x0], $0xffff  }
0x18b: {  	v62 =	vor.u32 v43, v57;
	v2 =	vadd.f32 v3, v2;
	v3 =	vmul.f32 v4, v7;
	v7 =	vld.idx.msk [tilespmem:v41+s19+$0x0], $0xffff  }
0x18c: {  	v0 =	vadd.f32 v1, v0;
	v1 =	vmul.f32 v55, v8;
	v55 =	vld [tilespmem:$0x1FD50]  }
0x18d: {  	v39 =	vld.idx.msk [tilespmem:v43+s19+$0x0], $0xffff  }
0x18e: {  	v2 =	vadd.f32 v3, v2;
	v3 =	vmul.f32 v6, v8;
	v6 =	vld.idx.msk [tilespmem:v38+s8+$0x0], $0xffff;
	v40 =	vor.u32 v56, v57  }
0x18f: {  	v0 =	vadd.f32 v1, v0;
	v1 =	vmul.f32 v54, v9;
	v54 =	vld [tilespmem:$0x1FD60]  }
0x190: {  	v4 =	vld.idx.msk [tilespmem:v62+s8+$0x0], $0xffff  }
0x191: {  	v8 =	vld.idx.msk [tilespmem:v56+s19+$0x0], $0xffff  }
0x192: {  	v0 =	vadd.f32 v1, v0;
	v1 =	vmul.f32 v52, v39;
	v52 =	vld [tilespmem:$0x1FF10]  }
0x193: {  	v2 =	vadd.f32 v3, v2;
	v3 =	vmul.f32 v5, v9;
	v5 =	vld.idx.msk [tilespmem:v40+s8+$0x0], $0xffff  }
0x194: {  	v38 =	vor.u32 v54, v57;
	v9 =	vld.idx.msk [tilespmem:v55+s19+$0x0], $0xffff  }
0x195: {  	v40 =	vld [tilespmem:$0x1FF20]  }
0x196: {  	v62 =	vor.u32 v55, v57;
	v2 =	vadd.f32 v3, v2;
	v3 =	vmul.f32 v4, v39;
	v39 =	vld [tilespmem:$0x1FF30]  }
0x197: {  	v0 =	vadd.f32 v1, v0;
	v1 =	vmul.f32 v37, v7;
	v37 =	vld [tilespmem:$0x1FF50]  }
0x198: {  	v10 =	vld.idx.msk [tilespmem:v54+s19+$0x0], $0xffff  }
0x199: {  	v2 =	vadd.f32 v3, v2;
	v3 =	vmul.f32 v6, v7;
	v6 =	vld.idx.msk [tilespmem:v38+s8+$0x0], $0xffff  }
0x19a: {  	v0 =	vadd.f32 v1, v0;
	v1 =	vmul.f32 v36, v8;
	v12 =	vor.u32 v52, v57;
	v38 =	vld [tilespmem:$0x1FF40]  }
0x19b: {  	v4 =	vld.idx.msk [tilespmem:v62+s8+$0x0], $0xffff  }
0x19c: {  	v36 =	vld [tilespmem:$0x1FF60];
	v11 =	vor.u32 v40, v57;
	v0 =	vadd.f32 v1, v0;
	v1 =	vmul.f32 v35, v9  }
0x19d: {  	v2 =	vadd.f32 v3, v2;
	v3 =	vmul.f32 v5, v8;
	v7 =	vld.idx.msk [tilespmem:v52+s19+$0x0], $0xffff  }
0x19e: {  	v62 =	vor.u32 v39, v57;
	v0 =	vadd.f32 v1, v0;
	v1 =	vmul.f32 v34, v10;
	v34 =	vld [tilespmem:$0x1FF80]  }
0x19f: {  	v5 =	vld.idx.msk [tilespmem:v12+s8+$0x0], $0xffff;
	v35 =	vor.u32 v38, v57  }
0x1a0: {  	v2 =	vadd.f32 v3, v2;
	v3 =	vmul.f32 v4, v9;
	v8 =	vld.idx.msk [tilespmem:v40+s19+$0x0], $0xffff  }
0x1a1: {  	v4 =	vld.idx.msk [tilespmem:v11+s8+$0x0], $0xffff  }
0x1a2: {  	v9 =	vld.idx.msk [tilespmem:v39+s19+$0x0], $0xffff;
	v2 =	vadd.f32 v3, v2;
	v3 =	vmul.f32 v6, v10  }
0x1a3: {  	v6 =	vld.idx.msk [tilespmem:v62+s8+$0x0], $0xffff;
	v62 =	vor.u32 v36, v57  }
0x1a4: {  	v2 =	vadd.f32 v3, v2;
	v3 =	vmul.f32 v5, v7;
	v5 =	vld.idx.msk [tilespmem:v35+s8+$0x0], $0xffff  }
0x1a5: {  	v0 =	vadd.f32 v1, v0;
	v1 =	vmul.f32 v33, v7;
	v35 =	vld [tilespmem:$0x1FF70]  }
0x1a6: {  	v10 =	vld.idx.msk [tilespmem:v38+s19+$0x0], $0xffff;
	v2 =	vadd.f32 v3, v2;
	v3 =	vmul.f32 v4, v8  }
0x1a7: {  	v11 =	vor.u32 v37, v57;
	v0 =	vadd.f32 v1, v0;
	v7 =	vld.idx.msk [tilespmem:v37+s19+$0x0], $0xffff  }
0x1a8: {  	v1 =	vmul.f32 v32, v8;
	v2 =	vadd.f32 v3, v2;
	v3 =	vmul.f32 v6, v9;
	v6 =	vld.idx.msk [tilespmem:v62+s8+$0x0], $0xffff  }
0x1a9: {  	v62 =	vld [tilespmem:$0x1FF90]  }
0x1aa: {  	v33 =	vld [tilespmem:$0x1FFA0];
	v0 =	vadd.f32 v1, v0;
	v1 =	vmul.f32 v31, v9  }
0x1ab: {  	v8 =	vld.idx.msk [tilespmem:v36+s19+$0x0], $0xffff  }
0x1ac: {  	v4 =	vld.idx.msk [tilespmem:v11+s8+$0x0], $0xffff;
	v0 =	vadd.f32 v1, v0;
	v1 =	vmul.f32 v30, v10  }
0x1ad: {  	v9 =	vld.idx.msk [tilespmem:v35+s19+$0x0], $0xffff  }
0x1ae: {  	v0 =	vadd.f32 v1, v0;
	v1 =	vmul.f32 v28, v7  }
0x1af: {  	v12 =	vor.u32 v35, v57;
	v2 =	vadd.f32 v3, v2;
	v3 =	vmul.f32 v5, v10;
	v10 =	vld.idx.msk [tilespmem:v34+s19+$0x0], $0xffff  }
0x1b0: {  	v32 =	vld [tilespmem:$0x1FFB0];
	v0 =	vadd.f32 v1, v0;
	v1 =	vmul.f32 v27, v8  }
0x1b1: {  	v2 =	vadd.f32 v3, v2;
	v3 =	vmul.f32 v4, v7;
	v7 =	vld.idx.msk [tilespmem:v62+s19+$0x0], $0xffff  }
0x1b2: {  	v0 =	vadd.f32 v1, v0;
	v1 =	vmul.f32 v26, v9  }
0x1b3: {  	v2 =	vadd.f32 v3, v2;
	v3 =	vmul.f32 v6, v8;
	v8 =	vld.idx.msk [tilespmem:v33+s19+$0x0], $0xffff  }
0x1b4: {  	v5 =	vld.idx.msk [tilespmem:v12+s8+$0x0], $0xffff;
	v0 =	vadd.f32 v1, v0;
	v1 =	vmul.f32 v25, v10;
	_ =	sdelay $0x1  }
0x1b5: {  	v11 =	vor.u32 v34, v57;
	v0 =	vadd.f32 v1, v0;
	v1 =	vmul.f32 v24, v7;
	_ =	sdelay $0x1  }
0x1b6: {  	v31 =	vld [tilespmem:$0x1FFC0];
	v0 =	vadd.f32 v1, v0;
	v1 =	vmul.f32 v23, v8  }
0x1b7: {  	v2 =	vadd.f32 v3, v2;
	v3 =	vmul.f32 v5, v9;
	v9 =	vld.idx.msk [tilespmem:v32+s19+$0x0], $0xffff  }
0x1b8: {  	v0 =	vadd.f32 v1, v0;
	v1 =	vld [tilespmem:$0x1FB20]  }
0x1b9: {  	v4 =	vld.idx.msk [tilespmem:v11+s8+$0x0], $0xffff;
	_ =	sdelay $0x1  }
0x1ba: {  	v13 =	vor.u32 v62, v57;
	_ =	sdelay $0x1  }
0x1bb: {  	v29 =	vld [tilespmem:$0x1FFD0];
	v1 =	vmul.f32 v1, v9  }
0x1bc: {  	v12 =	vor.u32 v33, v57;
	v2 =	vadd.f32 v3, v2;
	v3 =	vmul.f32 v4, v10;
	v10 =	vld.idx.msk [tilespmem:v31+s19+$0x0], $0xffff  }
0x1bd: {  	v0 =	vadd.f32 v1, v0;
	v1 =	vld [tilespmem:$0x1FB10]  }
0x1be: {  	v6 =	vld.idx.msk [tilespmem:v13+s8+$0x0], $0xffff;
	_ =	sdelay $0x2  }
0x1bf: {  	v5 =	vld.idx.msk [tilespmem:v12+s8+$0x0], $0xffff  }
0x1c0: {  	v24 =	vld [tilespmem:$0x1FFE0];
	v1 =	vmul.f32 v1, v10  }
0x1c1: {  	v11 =	vor.u32 v32, v57;
	v2 =	vadd.f32 v3, v2;
	v3 =	vmul.f32 v6, v7;
	v7 =	vld.idx.msk [tilespmem:v29+s19+$0x0], $0xffff  }
0x1c2: {  	v13 =	vor.u32 v31, v57;
	v0 =	vadd.f32 v1, v0;
	v1 =	vld [tilespmem:$0x1FB00]  }
0x1c3: {  	v23 =	vld [tilespmem:$0x1FAB0]  }
0x1c4: {  	v22 =	vld [tilespmem:$0x1FA90]  }
0x1c5: {  	v21 =	vld [tilespmem:$0x1FA70];
	v12 =	vor.u32 v29, v57  }
0x1c6: {  	v4 =	vld.idx.msk [tilespmem:v11+s8+$0x0], $0xffff  }
0x1c7: {  	v6 =	vld.idx.msk [tilespmem:v13+s8+$0x0], $0xffff;
	v1 =	vmul.f32 v1, v7  }
0x1c8: {  	v2 =	vadd.f32 v3, v2;
	v3 =	vmul.f32 v5, v8;
	v8 =	vld.idx.msk [tilespmem:v24+s19+$0x0], $0xffff  }
0x1c9: {  	v0 =	vadd.f32 v1, v0;
	v1 =	vld [tilespmem:$0x1FAF0]  }
0x1ca: {  	v5 =	vld.idx.msk [tilespmem:v12+s8+$0x0], $0xffff  }
0x1cb: {  	v11 =	vor.u32 v24, v57;
	v2 =	vadd.f32 v3, v2;
	v3 =	vmul.f32 v4, v9;
	v9 =	vld.idx.msk [tilespmem:v23+s19+$0x0], $0xffff  }
0x1cc: {  	v25 =	vld [tilespmem:$0x1FE10]  }
0x1cd: {  	v2 =	vadd.f32 v3, v2;
	v3 =	vmul.f32 v6, v10;
	v10 =	vld.idx.msk [tilespmem:v22+s19+$0x0], $0xffff  }
0x1ce: {  	v1 =	vmul.f32 v1, v8  }
0x1cf: {  	v2 =	vadd.f32 v3, v2;
	v3 =	vmul.f32 v5, v7;
	v7 =	vld.idx.msk [tilespmem:v21+s19+$0x0], $0xffff  }
0x1d0: {  	v4 =	vld.idx.msk [tilespmem:v11+s8+$0x0], $0xffff;
	v0 =	vadd.f32 v1, v0;
	v1 =	vmul.f32 v19, v9;
	_ =	sdelay $0x1  }
0x1d1: {  	v13 =	vor.u32 v23, v57;
	v0 =	vadd.f32 v1, v0;
	v1 =	vmul.f32 v18, v10;
	_ =	sdelay $0x1  }
0x1d2: {  	v20 =	vld [tilespmem:$0x1FA40];
	v0 =	vadd.f32 v1, v0;
	v1 =	vmul.f32 v17, v7  }
0x1d3: {  	v2 =	vadd.f32 v3, v2;
	v3 =	vmul.f32 v4, v8;
	v8 =	vld.idx.msk [tilespmem:v25+s19+$0x0], $0xffff  }
0x1d4: {  	v0 =	vadd.f32 v1, v0;
	v1 =	vld [tilespmem:$0x1FAE0]  }
0x1d5: {  	v6 =	vld.idx.msk [tilespmem:v13+s8+$0x0], $0xffff;
	_ =	sdelay $0x1  }
0x1d6: {  	v12 =	vor.u32 v22, v57;
	_ =	sdelay $0x1  }
0x1d7: {  	v19 =	vld [tilespmem:$0x1FA20];
	v1 =	vmul.f32 v1, v8  }
0x1d8: {  	v2 =	vadd.f32 v3, v2;
	v3 =	vmul.f32 v6, v9;
	v9 =	vld.idx.msk [tilespmem:v20+s19+$0x0], $0xffff  }
0x1d9: {  	v0 =	vadd.f32 v1, v0;
	v1 =	vld [tilespmem:$0x1FAD0]  }
0x1da: {  	v5 =	vld.idx.msk [tilespmem:v12+s8+$0x0], $0xffff;
	_ =	sdelay $0x1  }
0x1db: {  	v11 =	vor.u32 v21, v57;
	_ =	sdelay $0x1  }
0x1dc: {  	v18 =	vld [tilespmem:$0x1FA00];
	v1 =	vmul.f32 v1, v9  }
0x1dd: {  	v2 =	vadd.f32 v3, v2;
	v3 =	vmul.f32 v5, v10;
	v10 =	vld.idx.msk [tilespmem:v19+s19+$0x0], $0xffff  }
0x1de: {  	v0 =	vadd.f32 v1, v0;
	v1 =	vld [tilespmem:$0x1FAC0]  }
0x1df: {  	v4 =	vld.idx.msk [tilespmem:v11+s8+$0x0], $0xffff;
	_ =	sdelay $0x1  }
0x1e0: {  	v13 =	vor.u32 v25, v57;
	_ =	sdelay $0x1  }
0x1e1: {  	v17 =	vld [tilespmem:$0x1F9E0];
	v1 =	vmul.f32 v1, v10  }
0x1e2: {  	v2 =	vadd.f32 v3, v2;
	v3 =	vmul.f32 v4, v7;
	v7 =	vld.idx.msk [tilespmem:v18+s19+$0x0], $0xffff  }
0x1e3: {  	v0 =	vadd.f32 v1, v0;
	v1 =	vld [tilespmem:$0x1FAA0]  }
0x1e4: {  	v6 =	vld.idx.msk [tilespmem:v13+s8+$0x0], $0xffff;
	_ =	sdelay $0x1  }
0x1e5: {  	v12 =	vor.u32 v20, v57;
	_ =	sdelay $0x1  }
0x1e6: {  	v16 =	vld [tilespmem:$0x1F9C0];
	v1 =	vmul.f32 v1, v7  }
0x1e7: {  	v2 =	vadd.f32 v3, v2;
	v3 =	vmul.f32 v6, v8;
	v8 =	vld.idx.msk [tilespmem:v17+s19+$0x0], $0xffff  }
0x1e8: {  	v0 =	vadd.f32 v1, v0;
	v1 =	vld [tilespmem:$0x1FA80]  }
0x1e9: {  	v5 =	vld.idx.msk [tilespmem:v12+s8+$0x0], $0xffff;
	_ =	sdelay $0x1  }
0x1ea: {  	v11 =	vor.u32 v19, v57;
	_ =	sdelay $0x1  }
0x1eb: {  	v15 =	vld [tilespmem:$0x1F9A0];
	v1 =	vmul.f32 v1, v8  }
0x1ec: {  	v2 =	vadd.f32 v3, v2;
	v3 =	vmul.f32 v5, v9;
	v9 =	vld.idx.msk [tilespmem:v16+s19+$0x0], $0xffff  }
0x1ed: {  	v0 =	vadd.f32 v1, v0;
	v1 =	vld [tilespmem:$0x1FA60]  }
0x1ee: {  	v4 =	vld.idx.msk [tilespmem:v11+s8+$0x0], $0xffff;
	_ =	sdelay $0x1  }
0x1ef: {  	v13 =	vor.u32 v18, v57;
	_ =	sdelay $0x1  }
0x1f0: {  	v14 =	vld [tilespmem:$0x1F990];
	v1 =	vmul.f32 v1, v9  }
0x1f1: {  	v2 =	vadd.f32 v3, v2;
	v3 =	vmul.f32 v4, v10;
	v10 =	vld.idx.msk [tilespmem:v15+s19+$0x0], $0xffff  }
0x1f2: {  	v0 =	vadd.f32 v1, v0;
	v1 =	vld [tilespmem:$0x1FA50]  }
0x1f3: {  	v6 =	vld.idx.msk [tilespmem:v13+s8+$0x0], $0xffff;
	_ =	sdelay $0x1  }
0x1f4: {  	v12 =	vor.u32 v17, v57;
	_ =	sdelay $0x1  }
0x1f5: {  	v26 =	vld [tilespmem:$0x1FE40];
	v1 =	vmul.f32 v1, v10  }
0x1f6: {  	v2 =	vadd.f32 v3, v2;
	v3 =	vmul.f32 v6, v7;
	v7 =	vld.idx.msk [tilespmem:v14+s19+$0x0], $0xffff  }
0x1f7: {  	v0 =	vadd.f32 v1, v0;
	v1 =	vld [tilespmem:$0x1FA30]  }
0x1f8: {  	v5 =	vld.idx.msk [tilespmem:v12+s8+$0x0], $0xffff;
	_ =	sdelay $0x1  }
0x1f9: {  	v11 =	vor.u32 v16, v57;
	_ =	sdelay $0x1  }
0x1fa: {  	v27 =	vld [tilespmem:$0x1FE60];
	v1 =	vmul.f32 v1, v7  }
0x1fb: {  	v2 =	vadd.f32 v3, v2;
	v3 =	vmul.f32 v5, v8;
	v8 =	vld.idx.msk [tilespmem:v26+s19+$0x0], $0xffff  }
0x1fc: {  	v13 =	vor.u32 v15, v57;
	v0 =	vadd.f32 v1, v0;
	v1 =	vld [tilespmem:$0x1FA10]  }
0x1fd: {  	v4 =	vld.idx.msk [tilespmem:v11+s8+$0x0], $0xffff;
	_ =	sdelay $0x2  }
0x1fe: {  	v28 =	vld [tilespmem:$0x1FE70]  }
0x1ff: {  	v12 =	vor.u32 v14, v57;
	v6 =	vld.idx.msk [tilespmem:v13+s8+$0x0], $0xffff;
	v1 =	vmul.f32 v1, v8  }
0x200: {  	v11 =	vor.u32 v26, v57;
	v2 =	vadd.f32 v3, v2;
	v3 =	vmul.f32 v4, v9;
	v9 =	vld.idx.msk [tilespmem:v27+s19+$0x0], $0xffff  }
0x201: {  	v13 =	vor.u32 v27, v57;
	v0 =	vadd.f32 v1, v0;
	v1 =	vld [tilespmem:$0x1F9F0];
	_ =	sdelay $0x1  }
0x202: {  	v30 =	vld [tilespmem:$0x1FE80]  }
0x203: {  	v5 =	vld.idx.msk [tilespmem:v12+s8+$0x0], $0xffff  }
0x204: {  	v4 =	vld.idx.msk [tilespmem:v11+s8+$0x0], $0xffff  }
0x205: {  	v2 =	vadd.f32 v3, v2;
	v3 =	vmul.f32 v6, v10;
	v6 =	vld.idx.msk [tilespmem:v13+s8+$0x0], $0xffff;
	v1 =	vmul.f32 v1, v9  }
0x206: {  	v12 =	vor.u32 v28, v57;
	v13 =	vld.idx.msk [tilespmem:v28+s19+$0x0], $0xffff  }
0x207: {  	v11 =	vor.u32 v30, v57;
	v0 =	vadd.f32 v1, v0;
	v1 =	vld [tilespmem:$0x1F9D0];
	_ =	sdelay $0x2  }
0x208: {  	v2 =	vadd.f32 v3, v2;
	v3 =	vmul.f32 v5, v7  }
0x209: {  	v5 =	vld.idx.msk [tilespmem:v12+s8+$0x0], $0xffff  }
0x20a: {  	v2 =	vadd.f32 v3, v2;
	v3 =	vmul.f32 v4, v8;
	v4 =	vld.idx.msk [tilespmem:v11+s8+$0x0], $0xffff;
	v1 =	vmul.f32 v1, v13  }
0x20b: {  	v7 =	vld.idx.msk [tilespmem:v30+s19+$0x0], $0xffff  }
0x20c: {  	v0 =	vadd.f32 v1, v0;
	v1 =	vld [tilespmem:$0x1F9B0]  }
0x20d: {  	v2 =	vadd.f32 v3, v2;
	v3 =	vmul.f32 v6, v9;
	_ =	sdelay $0x1  }
0x20e: {  	v6 =	vmov s22;
	v2 =	vadd.f32 v3, v2;
	v3 =	vmul.f32 v5, v13  }
0x20f: {  	v5 =	vshll.u32 v6, $0x7;
	v6 =	vld [tilespmem:$0x1F970]  }
0x210: {  	v2 =	vadd.f32 v3, v2;
	v3 =	vmul.f32 v4, v7;
	v1 =	vmul.f32 v1, v7;
	v7 =	vld [tilespmem:$0x1FB50];
	_ =	sdelay $0x4  }
0x211: {  	v4 =	vadd.s32 v6, v49;
	v49 =	vor.u32 v7, v5;
	v7 =	vld [tilespmem:$0x1F980];
	_ =	sdelay $0x2  }
0x212: {  	v0 =	vadd.f32 v1, v0;
	v1 =	vadd.s32 v6, v57  }
0x213: {  	v2 =	vadd.f32 v3, v2;
	v5 =	vor.u32 v30, v49  }
0x214: {  	v3 =	vor.u32 v28, v49;
	v0 =	vmul.f32 v0, v7  }
0x215: {  	v6 =	vor.u32 v27, v49;
	v2 =	vmul.f32 v2, v7  }
0x216: {  	[tilespmem:v4+s8+$0x0] =	vst.idx.add.f32.msk $0xffff, v0;
	v0 =	vor.u32 v14, v49  }
0x217: {  	v7 =	vor.u32 v26, v49;
	[tilespmem:v1+s8+$0x0] =	vst.idx.add.f32.msk $0xffff, v2  }
0x218: {  	v1 =	vor.u32 v15, v49;
	v2 =	vld.idx.msk [tilespmem:v5+s8+$0x0], $0xffff  }
0x219: {  	v3 =	vld.idx.msk [tilespmem:v3+s8+$0x0], $0xffff  }
0x21a: {  	v4 =	vld.idx.msk [tilespmem:v6+s8+$0x0], $0xffff  }
0x21b: {  	v0 =	vld.idx.msk [tilespmem:v0+s8+$0x0], $0xffff  }
0x21c: {  	v5 =	vld.idx.msk [tilespmem:v7+s8+$0x0], $0xffff  }
0x21d: {  	v1 =	vld.idx.msk [tilespmem:v1+s8+$0x0], $0xffff;
	[tilespmem:$0x1F9B0] =	vst v2;
	v2 =	vor.u32 v16, v49  }
0x21e: {  	[tilespmem:$0x1F9D0] =	vst v3;
	v3 =	vor.u32 v17, v49  }
0x21f: {  	[tilespmem:$0x1F9F0] =	vst v4;
	v4 =	vor.u32 v18, v49  }
0x220: {  	[tilespmem:$0x1FA30] =	vst v0;
	v0 =	vor.u32 v20, v49  }
0x221: {  	[tilespmem:$0x1FA10] =	vst v5;
	v5 =	vor.u32 v19, v49  }
0x222: {  	[tilespmem:$0x1FA50] =	vst v1;
	v1 =	vor.u32 v25, v49;
	v2 =	vld.idx.msk [tilespmem:v2+s8+$0x0], $0xffff  }
0x223: {  	v3 =	vld.idx.msk [tilespmem:v3+s8+$0x0], $0xffff  }
0x224: {  	v4 =	vld.idx.msk [tilespmem:v4+s8+$0x0], $0xffff  }
0x225: {  	v0 =	vld.idx.msk [tilespmem:v0+s8+$0x0], $0xffff  }
0x226: {  	v5 =	vld.idx.msk [tilespmem:v5+s8+$0x0], $0xffff  }
0x227: {  	v1 =	vld.idx.msk [tilespmem:v1+s8+$0x0], $0xffff;
	[tilespmem:$0x1FA60] =	vst v2;
	v2 =	vor.u32 v21, v49  }
0x228: {  	[tilespmem:$0x1FA80] =	vst v3;
	v3 =	vor.u32 v22, v49  }
0x229: {  	[tilespmem:$0x1FAA0] =	vst v4;
	v4 =	vor.u32 v23, v49  }
0x22a: {  	[tilespmem:$0x1FAD0] =	vst v0;
	v0 =	vor.u32 v29, v49  }
0x22b: {  	[tilespmem:$0x1FAC0] =	vst v5;
	v5 =	vor.u32 v24, v49  }
0x22c: {  	[tilespmem:$0x1FAE0] =	vst v1;
	v1 =	vor.u32 v31, v49;
	v17 =	vld.idx.msk [tilespmem:v2+s8+$0x0], $0xffff  }
0x22d: {  	v2 =	vor.u32 v32, v49;
	v18 =	vld.idx.msk [tilespmem:v3+s8+$0x0], $0xffff  }
0x22e: {  	v3 =	vor.u32 v33, v49;
	v19 =	vld.idx.msk [tilespmem:v4+s8+$0x0], $0xffff  }
0x22f: {  	v0 =	vld.idx.msk [tilespmem:v0+s8+$0x0], $0xffff  }
0x230: {  	v4 =	vor.u32 v62, v49;
	v5 =	vld.idx.msk [tilespmem:v5+s8+$0x0], $0xffff  }
0x231: {  	v1 =	vld.idx.msk [tilespmem:v1+s8+$0x0], $0xffff  }
0x232: {  	v2 =	vld.idx.msk [tilespmem:v2+s8+$0x0], $0xffff  }
0x233: {  	v23 =	vld.idx.msk [tilespmem:v3+s8+$0x0], $0xffff;
	v3 =	vor.u32 v38, v49  }
0x234: {  	[tilespmem:$0x1FB00] =	vst v0;
	v0 =	vor.u32 v35, v49  }
0x235: {  	v24 =	vld.idx.msk [tilespmem:v4+s8+$0x0], $0xffff;
	v4 =	vor.u32 v39, v49  }
0x236: {  	[tilespmem:$0x1FAF0] =	vst v5;
	v5 =	vor.u32 v34, v49  }
0x237: {  	[tilespmem:$0x1FB10] =	vst v1;
	v1 =	vor.u32 v36, v49  }
0x238: {  	[tilespmem:$0x1FB20] =	vst v2;
	v2 =	vor.u32 v37, v49;
	v30 =	vld.idx.msk [tilespmem:v3+s8+$0x0], $0xffff  }
0x239: {  	v26 =	vld.idx.msk [tilespmem:v0+s8+$0x0], $0xffff;
	v0 =	vor.u32 v52, v49  }
0x23a: {  	v3 =	vor.u32 v56, v49;
	v31 =	vld.idx.msk [tilespmem:v4+s8+$0x0], $0xffff  }
0x23b: {  	v4 =	vor.u32 v41, v49;
	v25 =	vld.idx.msk [tilespmem:v5+s8+$0x0], $0xffff  }
0x23c: {  	v5 =	vor.u32 v40, v49;
	v27 =	vld.idx.msk [tilespmem:v1+s8+$0x0], $0xffff  }
0x23d: {  	v1 =	vor.u32 v54, v49;
	v28 =	vld.idx.msk [tilespmem:v2+s8+$0x0], $0xffff  }
0x23e: {  	v33 =	vld.idx.msk [tilespmem:v0+s8+$0x0], $0xffff;
	v0 =	vor.u32 v47, v49  }
0x23f: {  	v2 =	vor.u32 v55, v49;
	v36 =	vld.idx.msk [tilespmem:v3+s8+$0x0], $0xffff  }
0x240: {  	v3 =	vor.u32 v44, v49;
	v37 =	vld.idx.msk [tilespmem:v4+s8+$0x0], $0xffff  }
0x241: {  	v4 =	vor.u32 v45, v49;
	v32 =	vld.idx.msk [tilespmem:v5+s8+$0x0], $0xffff  }
0x242: {  	v5 =	vor.u32 v43, v49;
	v34 =	vld.idx.msk [tilespmem:v1+s8+$0x0], $0xffff  }
0x243: {  	v54 =	vld.idx.msk [tilespmem:v0+s8+$0x0], $0xffff;
	v0 =	vor.u32 v58, v49  }
0x244: {  	v1 =	vor.u32 v53, v49;
	v35 =	vld.idx.msk [tilespmem:v2+s8+$0x0], $0xffff  }
0x245: {  	v2 =	vor.u32 v42, v49;
	v40 =	vld.idx.msk [tilespmem:v3+s8+$0x0], $0xffff  }
0x246: {  	v43 =	vld.idx.msk [tilespmem:v4+s8+$0x0], $0xffff;
	v4 =	vor.u32 v61, v49  }
0x247: {  	v52 =	vld.idx.msk [tilespmem:v5+s8+$0x0], $0xffff  }
0x248: {  	v53 =	vld.idx.msk [tilespmem:v0+s8+$0x0], $0xffff;
	v0 =	vor.u32 v48, v49  }
0x249: {  	v55 =	vld.idx.msk [tilespmem:v1+s8+$0x0], $0xffff  }
0x24a: {  	v3 =	vor.u32 v60, v49;
	v56 =	vld.idx.msk [tilespmem:v2+s8+$0x0], $0xffff  }
0x24b: {  	v5 =	vor.u32 v50, v49;
	v50 =	vld.idx.msk [tilespmem:v4+s8+$0x0], $0xffff  }
0x24c: {  	v4 =	vld [tilespmem:$0x1FC10]  }
0x24d: {  	v1 =	vor.u32 v59, v49;
	v59 =	vld.idx.msk [tilespmem:v0+s8+$0x0], $0xffff  }
0x24e: {  	v2 =	vor.u32 v46, v49;
	v0 =	vld [tilespmem:$0x1FBF0]  }
0x24f: {  	v44 =	vld.idx.msk [tilespmem:v3+s8+$0x0], $0xffff  }
0x250: {  	v47 =	vld.idx.msk [tilespmem:v5+s8+$0x0], $0xffff;
	v5 =	vor.u32 v51, v49  }
0x251: {  	v3 =	vld [tilespmem:$0x1FC20];
	v4 =	vor.u32 v4, v49  }
0x252: {  	v38 =	vld.idx.msk [tilespmem:v1+s8+$0x0], $0xffff  }
0x253: {  	v39 =	vld.idx.msk [tilespmem:v2+s8+$0x0], $0xffff;
	v0 =	vor.u32 v0, v49  }
0x254: {  	v2 =	vld [tilespmem:$0x1FC30]  }
0x255: {  	v58 =	vld.idx.msk [tilespmem:v5+s8+$0x0], $0xffff  }
0x256: {  	v1 =	vor.u32 v63, v49;
	v62 =	vld.idx.msk [tilespmem:v4+s8+$0x0], $0xffff  }
0x257: {  	v4 =	vld [tilespmem:$0x1FBB0]  }
0x258: {  	v41 =	vld.idx.msk [tilespmem:v0+s8+$0x0], $0xffff  }
0x259: {  	v0 =	vld [tilespmem:$0x1FB90]  }
0x25a: {  	v3 =	vor.u32 v3, v49;
	v5 =	vld [tilespmem:$0x1FC00]  }
0x25b: {  	v42 =	vld.idx.msk [tilespmem:v1+s8+$0x0], $0xffff  }
0x25c: {  	v1 =	vld [tilespmem:$0x1FBE0];
	v2 =	vor.u32 v2, v49  }
0x25d: {  	v8 =	vor.u32 v4, v49;
	v4 =	vld [tilespmem:$0x1FBA0]  }
0x25e: {  	v57 =	vor.u32 v0, v49;
	v0 =	vld [tilespmem:$0x1FB80]  }
0x25f: {  	v61 =	vld.idx.msk [tilespmem:v3+s8+$0x0], $0xffff  }
0x260: {  	v3 =	vld [tilespmem:$0x1FBC0]  }
0x261: {  	v60 =	vld.idx.msk [tilespmem:v2+s8+$0x0], $0xffff  }
0x262: {  	v2 =	vld [tilespmem:$0x1FBD0]  }
0x263: {  	v7 =	vor.u32 v4, v49;
	v4 =	vor.u32 v0, v49;
	v0 =	vld [tilespmem:$0x1FB70]  }
0x264: {  	v5 =	vor.u32 v5, v49  }
0x265: {  	v1 =	vor.u32 v1, v49  }
0x266: {  	v3 =	vor.u32 v3, v49;
	_ =	sdelay $0x1  }
0x267: {  	p0 =	sne.s32 s22, $0x1E0;
	v2 =	vor.u32 v2, v49;
	v29 =	vor.u32 v0, v49;
	v0 =	vld [tilespmem:$0x1FB60]  }
.Ltmp0:
0x268: {  	v51 =	vld.idx.msk [tilespmem:v5+s8+$0x0], $0xffff;
	(pc) =	sbr.rel @p0 .LBB2_2-.Ltmp0, $4  }
0x269: {  	v48 =	vld.idx.msk [tilespmem:v1+s8+$0x0], $0xffff  }
0x26a: {  	v3 =	vld.idx.msk [tilespmem:v3+s8+$0x0], $0xffff  }
0x26b: {  	v46 =	vld.idx.msk [tilespmem:v8+s8+$0x0], $0xffff  }
0x26c: {  	s23 =	sadd.s32 $0x10, s22;
	s22 =	sadd.s32 $0x20, s22;
	v1 =	vld.idx.msk [tilespmem:v2+s8+$0x0], $0xffff;
	v6 =	vor.u32 v0, v49  }
0x26d: {  	_ =	sdelay $0x3  }
0x26e: {  	v0 =	vld.idx.msk [tilespmem:v7+s8+$0x0], $0xffff  }
0x26f: {  	v22 =	vld [tilespmem:$0x1FFF0]  }
0x270: {  	v7 =	vld.idx.msk [tilespmem:v57+s8+$0x0], $0xffff  }
0x271: {  	v9 =	vld [tilespmem:$0x1FB50]  }
0x272: {  	v6 =	vld.idx.msk [tilespmem:v6+s8+$0x0], $0xffff  }
0x273: {  	v11 =	vlaneseq.u32;
	v15 =	vld [tilespmem:$0x1FB60]  }
0x274: {  	v2 =	vmov s23;
	v45 =	vld [tilespmem:$0x1FB80];
	v8 =	vor.u32 v11, v49  }
0x275: {  	v20 =	vld [tilespmem:$0x1FB30];
	v2 =	vshll.u32 v2, $0x7  }
0x276: {  	v57 =	vor.u32 v9, v2;
	v2 =	vld.idx.msk [tilespmem:v4+s8+$0x0], $0xffff  }
0x277: {  	v4 =	vld.idx.msk [tilespmem:v29+s8+$0x0], $0xffff  }
0x278: {  	v5 =	vor.u32 v22, v49;
	v29 =	vld [tilespmem:$0x1FB70]  }
0x279: {  	v9 =	vor.u32 v11, v57;
	v8 =	vld.idx.msk [tilespmem:v8+s8+$0x0], $0xffff  }
0x27a: {  	v11 =	vld.idx.msk [tilespmem:v11+s19+$0x0], $0xffff  }
0x27b: {  	v13 =	vld.idx.msk [tilespmem:v22+s19+$0x0], $0xffff  }
0x27c: {  	v10 =	vor.u32 v22, v57;
	v22 =	vmov v17;
	v17 =	vld [tilespmem:$0x1FB90]  }
0x27d: {  	v12 =	vor.u32 v15, v57;
	v5 =	vld.idx.msk [tilespmem:v5+s8+$0x0], $0xffff  }
0x27e: {  	v9 =	vld.idx.msk [tilespmem:v9+s8+$0x0], $0xffff  }
0x27f: {  	v63 =	vmov v18;
	v18 =	vld [tilespmem:$0x1FBA0];
	v16 =	vor.u32 v45, v57  }
0x280: {  	v15 =	vld.idx.msk [tilespmem:v15+s19+$0x0], $0xffff;
	v8 =	vmul.f32 v8, v11  }
0x281: {  	v14 =	vor.u32 v29, v57;
	v10 =	vld.idx.msk [tilespmem:v10+s8+$0x0], $0xffff  }
0x282: {  	v12 =	vld.idx.msk [tilespmem:v12+s8+$0x0], $0xffff;
	v8 =	vadd.f32 v8, v20;
	v5 =	vmul.f32 v5, v13  }
0x283: {  	v9 =	vmul.f32 v9, v11;
	v11 =	vld.idx.msk [tilespmem:v29+s19+$0x0], $0xffff;
	v29 =	vor.u32 v17, v57  }
0x284: {  	v5 =	vadd.f32 v5, v8;
	v8 =	vld.idx.msk [tilespmem:v16+s8+$0x0], $0xffff  }
0x285: {  	v16 =	vld [tilespmem:$0x1FBB0]  }
0x286: {  	v6 =	vmul.f32 v6, v15;
	v14 =	vld.idx.msk [tilespmem:v14+s8+$0x0], $0xffff  }
0x287: {  	v10 =	vmul.f32 v10, v13;
	v13 =	vld.idx.msk [tilespmem:v45+s19+$0x0], $0xffff  }
0x288: {  	v9 =	vadd.f32 v9, v20;
	v5 =	vadd.f32 v6, v5;
	v6 =	vld.idx.msk [tilespmem:v29+s8+$0x0], $0xffff  }
0x289: {  	v29 =	vld [tilespmem:$0x1FBC0]  }
0x28a: {  	v45 =	vor.u32 v18, v57;
	v20 =	vmul.f32 v12, v15;
	v9 =	vadd.f32 v10, v9  }
0x28b: {  	v12 =	vld.idx.msk [tilespmem:v17+s19+$0x0], $0xffff;
	v15 =	vor.u32 v16, v57  }
0x28c: {  	v4 =	vmul.f32 v4, v11;
	v9 =	vadd.f32 v20, v9;
	v20 =	vmul.f32 v14, v11;
	v11 =	vld.idx.msk [tilespmem:v18+s19+$0x0], $0xffff  }
0x28d: {  	v10 =	vld.idx.msk [tilespmem:v16+s19+$0x0], $0xffff  }
0x28e: {  	v8 =	vmul.f32 v8, v13;
	v16 =	vld [tilespmem:$0x1FBD0]  }
0x28f: {  	v4 =	vadd.f32 v4, v5;
	v5 =	vld.idx.msk [tilespmem:v45+s8+$0x0], $0xffff;
	v9 =	vadd.f32 v20, v9;
	v14 =	vor.u32 v29, v57  }
0x290: {  	v20 =	vld.idx.msk [tilespmem:v15+s8+$0x0], $0xffff  }
0x291: {  	v8 =	vadd.f32 v8, v9;
	v9 =	vld.idx.msk [tilespmem:v29+s19+$0x0], $0xffff  }
0x292: {  	v29 =	vld [tilespmem:$0x1FBE0]  }
0x293: {  	v21 =	vmov v19;
	v6 =	vmul.f32 v6, v12;
	v19 =	vor.u32 v16, v57  }
0x294: {  	v2 =	vmul.f32 v2, v13;
	v45 =	vld.idx.msk [tilespmem:v14+s8+$0x0], $0xffff  }
0x295: {  	v6 =	vadd.f32 v6, v8;
	v5 =	vmul.f32 v5, v11;
	v14 =	vld [tilespmem:$0x1FBF0]  }
0x296: {  	v7 =	vmul.f32 v7, v12;
	v2 =	vadd.f32 v2, v4;
	v4 =	vmul.f32 v20, v10;
	v20 =	vld [tilespmem:$0x1FC00]  }
0x297: {  	v5 =	vadd.f32 v5, v6;
	v8 =	vld.idx.msk [tilespmem:v16+s19+$0x0], $0xffff;
	v12 =	vor.u32 v29, v57  }
0x298: {  	v2 =	vadd.f32 v7, v2;
	v0 =	vmul.f32 v0, v11;
	v18 =	vld.idx.msk [tilespmem:v19+s8+$0x0], $0xffff  }
0x299: {  	v4 =	vadd.f32 v4, v5;
	v19 =	vmul.f32 v46, v10;
	v46 =	vld [tilespmem:$0x1FC10];
	v45 =	vmul.f32 v45, v9  }
0x29a: {  	v11 =	vor.u32 v14, v57;
	v6 =	vld.idx.msk [tilespmem:v29+s19+$0x0], $0xffff  }
0x29b: {  	v0 =	vadd.f32 v0, v2;
	v4 =	vadd.f32 v45, v4;
	v45 =	vld [tilespmem:$0x1FC30]  }
0x29c: {  	v29 =	vor.u32 v20, v57;
	v12 =	vld.idx.msk [tilespmem:v12+s8+$0x0], $0xffff  }
0x29d: {  	v3 =	vmul.f32 v3, v9;
	v0 =	vadd.f32 v19, v0;
	v7 =	vld.idx.msk [tilespmem:v14+s19+$0x0], $0xffff  }
0x29e: {  	v2 =	vmul.f32 v18, v8;
	v18 =	vld [tilespmem:$0x1FC20]  }
0x29f: {  	v1 =	vmul.f32 v1, v8;
	v0 =	vadd.f32 v3, v0;
	v17 =	vld.idx.msk [tilespmem:v11+s8+$0x0], $0xffff  }
0x2a0: {  	v16 =	vor.u32 v46, v57;
	v5 =	vld.idx.msk [tilespmem:v20+s19+$0x0], $0xffff  }
0x2a1: {  	v0 =	vadd.f32 v1, v0;
	v1 =	vld.idx.msk [tilespmem:v29+s8+$0x0], $0xffff;
	v20 =	vmul.f32 v48, v6  }
0x2a2: {  	v29 =	vmul.f32 v12, v6;
	v6 =	vld.idx.msk [tilespmem:v46+s19+$0x0], $0xffff  }
0x2a3: {  	v2 =	vadd.f32 v2, v4;
	v0 =	vadd.f32 v20, v0;
	v20 =	vld [tilespmem:$0x1FC50]  }
0x2a4: {  	v48 =	vmul.f32 v41, v7;
	v19 =	vor.u32 v18, v57;
	v3 =	vmul.f32 v17, v7;
	v17 =	vld [tilespmem:$0x1FC40]  }
0x2a5: {  	v46 =	vor.u32 v45, v57;
	v9 =	vld.idx.msk [tilespmem:v16+s8+$0x0], $0xffff  }
0x2a6: {  	v2 =	vadd.f32 v29, v2;
	v0 =	vadd.f32 v48, v0;
	v48 =	vld [tilespmem:$0x1FC60]  }
0x2a7: {  	v16 =	vld.idx.msk [tilespmem:v18+s19+$0x0], $0xffff  }
0x2a8: {  	v2 =	vadd.f32 v3, v2;
	v3 =	vld.idx.msk [tilespmem:v45+s19+$0x0], $0xffff  }
0x2a9: {  	v8 =	vld.idx.msk [tilespmem:v19+s8+$0x0], $0xffff  }
0x2aa: {  	v41 =	vld.idx.msk [tilespmem:v46+s8+$0x0], $0xffff;
	_ =	sdelay $0x1  }
0x2ab: {  	v29 =	vor.u32 v20, v57;
	v45 =	vmul.f32 v62, v6;
	v46 =	vmul.f32 v9, v6;
	v6 =	vld.idx.msk [tilespmem:v17+s19+$0x0], $0xffff  }
0x2ac: {  	v19 =	vmul.f32 v51, v5;
	v18 =	vor.u32 v17, v57;
	v17 =	vld [tilespmem:$0x1FC70]  }
0x2ad: {  	v61 =	vmul.f32 v61, v16;
	v62 =	vmul.f32 v8, v16;
	v16 =	vld.idx.msk [tilespmem:v20+s19+$0x0], $0xffff  }
0x2ae: {  	v51 =	vor.u32 v48, v57;
	v0 =	vadd.f32 v19, v0;
	v20 =	vmul.f32 v41, v3;
	v41 =	vld [tilespmem:$0x1FC80]  }
0x2af: {  	v1 =	vmul.f32 v1, v5;
	v19 =	vmul.f32 v60, v3;
	v60 =	vld [tilespmem:$0x1FC90]  }
0x2b0: {  	v0 =	vadd.f32 v45, v0;
	v5 =	vld.idx.msk [tilespmem:v29+s8+$0x0], $0xffff  }
0x2b1: {  	v1 =	vadd.f32 v1, v2;
	v29 =	vld.idx.msk [tilespmem:v48+s19+$0x0], $0xffff  }
0x2b2: {  	v7 =	vld.idx.msk [tilespmem:v18+s8+$0x0], $0xffff;
	v0 =	vadd.f32 v61, v0  }
0x2b3: {  	v1 =	vadd.f32 v46, v1;
	v9 =	vld.idx.msk [tilespmem:v51+s8+$0x0], $0xffff  }
0x2b4: {  	v0 =	vadd.f32 v19, v0;
	v18 =	vor.u32 v17, v57;
	v46 =	vmul.f32 v42, v6;
	v42 =	vld [tilespmem:$0x1FCB0]  }
0x2b5: {  	v1 =	vadd.f32 v62, v1;
	v51 =	vld.idx.msk [tilespmem:v17+s19+$0x0], $0xffff  }
0x2b6: {  	v61 =	vor.u32 v60, v57;
	v62 =	vmul.f32 v59, v16;
	v0 =	vadd.f32 v46, v0;
	v17 =	vld.idx.msk [tilespmem:v41+s19+$0x0], $0xffff  }
0x2b7: {  	v45 =	vor.u32 v41, v57;
	v41 =	vld.idx.msk [tilespmem:v60+s19+$0x0], $0xffff  }
0x2b8: {  	v0 =	vadd.f32 v62, v0;
	v62 =	vld [tilespmem:$0x1FCD0]  }
0x2b9: {  	v8 =	vld.idx.msk [tilespmem:v18+s8+$0x0], $0xffff  }
0x2ba: {  	v18 =	vld [tilespmem:$0x1FCA0]  }
0x2bb: {  	v1 =	vadd.f32 v20, v1;
	v20 =	vmul.f32 v58, v29;
	v48 =	vmul.f32 v7, v6;
	v7 =	vld.idx.msk [tilespmem:v61+s8+$0x0], $0xffff  }
0x2bc: {  	v10 =	vld.idx.msk [tilespmem:v45+s8+$0x0], $0xffff;
	v45 =	vor.u32 v42, v57  }
0x2bd: {  	v16 =	vmul.f32 v5, v16;
	v1 =	vadd.f32 v48, v1;
	v0 =	vadd.f32 v20, v0;
	v20 =	vld [tilespmem:$0x1FCE0]  }
0x2be: {  	v61 =	vld.idx.msk [tilespmem:v42+s19+$0x0], $0xffff  }
0x2bf: {  	v29 =	vmul.f32 v9, v29;
	v1 =	vadd.f32 v16, v1;
	v42 =	vld [tilespmem:$0x1FCF0];
	v16 =	vor.u32 v62, v57  }
0x2c0: {  	v46 =	vmul.f32 v50, v51;
	v48 =	vmul.f32 v8, v51;
	v51 =	vld [tilespmem:$0x1FCC0]  }
0x2c1: {  	v1 =	vadd.f32 v29, v1;
	v9 =	vld.idx.msk [tilespmem:v45+s8+$0x0], $0xffff  }
0x2c2: {  	v59 =	vmul.f32 v44, v17;
	v19 =	vor.u32 v18, v57;
	v60 =	vmul.f32 v10, v17;
	v50 =	vld.idx.msk [tilespmem:v18+s19+$0x0], $0xffff  }
0x2c3: {  	v0 =	vadd.f32 v46, v0;
	v17 =	vmul.f32 v39, v41;
	v18 =	vmul.f32 v7, v41;
	v41 =	vld.idx.msk [tilespmem:v62+s19+$0x0], $0xffff  }
0x2c4: {  	v29 =	vor.u32 v20, v57;
	v1 =	vadd.f32 v48, v1;
	v10 =	vld.idx.msk [tilespmem:v16+s8+$0x0], $0xffff  }
0x2c5: {  	v0 =	vadd.f32 v59, v0;
	v48 =	vld.idx.msk [tilespmem:v20+s19+$0x0], $0xffff  }
0x2c6: {  	v1 =	vadd.f32 v60, v1;
	v60 =	vld [tilespmem:$0x1FD10]  }
0x2c7: {  	v0 =	vadd.f32 v17, v0;
	v17 =	vld [tilespmem:$0x1FD20]  }
0x2c8: {  	v44 =	vor.u32 v42, v57;
	v5 =	vld.idx.msk [tilespmem:v19+s8+$0x0], $0xffff  }
0x2c9: {  	v58 =	vor.u32 v51, v57;
	v7 =	vld.idx.msk [tilespmem:v29+s8+$0x0], $0xffff  }
0x2ca: {  	v59 =	vld.idx.msk [tilespmem:v42+s19+$0x0], $0xffff  }
0x2cb: {  	v29 =	vld [tilespmem:$0x1FD30]  }
0x2cc: {  	v19 =	vld.idx.msk [tilespmem:v51+s19+$0x0], $0xffff  }
0x2cd: {  	v6 =	vld.idx.msk [tilespmem:v44+s8+$0x0], $0xffff  }
0x2ce: {  	v45 =	vmul.f32 v53, v61;
	v38 =	vmul.f32 v38, v50;
	v8 =	vld.idx.msk [tilespmem:v58+s8+$0x0], $0xffff  }
0x2cf: {  	v1 =	vadd.f32 v18, v1;
	v18 =	vor.u32 v17, v57;
	v39 =	vmul.f32 v5, v50;
	v50 =	vld [tilespmem:$0x1FD00]  }
0x2d0: {  	v62 =	vmul.f32 v43, v41;
	v0 =	vadd.f32 v38, v0;
	v5 =	vmul.f32 v10, v41;
	v41 =	vld [tilespmem:$0x1FD40]  }
0x2d1: {  	v46 =	vmul.f32 v9, v61;
	v61 =	vor.u32 v60, v57;
	v20 =	vld.idx.msk [tilespmem:v60+s19+$0x0], $0xffff  }
0x2d2: {  	v38 =	vor.u32 v29, v57;
	v0 =	vadd.f32 v45, v0;
	v45 =	vld [tilespmem:$0x1FD50]  }
0x2d3: {  	v1 =	vadd.f32 v39, v1;
	v39 =	vmul.f32 v56, v59;
	v3 =	vmul.f32 v6, v59;
	v59 =	vld [tilespmem:$0x1FF20]  }
0x2d4: {  	v10 =	vld.idx.msk [tilespmem:v18+s8+$0x0], $0xffff  }
0x2d5: {  	v44 =	vld.idx.msk [tilespmem:v29+s19+$0x0], $0xffff  }
0x2d6: {  	v58 =	vmul.f32 v8, v19;
	v8 =	vld.idx.msk [tilespmem:v61+s8+$0x0], $0xffff  }
0x2d7: {  	v53 =	vmul.f32 v47, v19;
	v19 =	vmul.f32 v40, v48;
	v40 =	vld.idx.msk [tilespmem:v17+s19+$0x0], $0xffff  }
0x2d8: {  	v4 =	vmul.f32 v7, v48;
	v51 =	vor.u32 v50, v57;
	v7 =	vld.idx.msk [tilespmem:v38+s8+$0x0], $0xffff  }
0x2d9: {  	v42 =	vor.u32 v41, v57;
	v47 =	vmul.f32 v54, v20;
	v54 =	vld [tilespmem:$0x1FF10]  }
0x2da: {  	v16 =	vld.idx.msk [tilespmem:v50+s19+$0x0], $0xffff  }
0x2db: {  	v1 =	vadd.f32 v46, v1;
	v48 =	vld.idx.msk [tilespmem:v41+s19+$0x0], $0xffff  }
0x2dc: {  	v50 =	vld [tilespmem:$0x1FD60]  }
0x2dd: {  	v0 =	vadd.f32 v53, v0;
	v1 =	vadd.f32 v58, v1;
	v9 =	vld.idx.msk [tilespmem:v51+s8+$0x0], $0xffff  }
0x2de: {  	v60 =	vor.u32 v59, v57;
	v6 =	vld.idx.msk [tilespmem:v42+s8+$0x0], $0xffff  }
0x2df: {  	v0 =	vadd.f32 v62, v0;
	v1 =	vadd.f32 v5, v1;
	v53 =	vld.idx.msk [tilespmem:v45+s19+$0x0], $0xffff  }
0x2e0: {  	v5 =	vmul.f32 v8, v20;
	v20 =	vld [tilespmem:$0x1FF40]  }
0x2e1: {  	v46 =	vor.u32 v45, v57;
	v0 =	vadd.f32 v19, v0;
	v1 =	vadd.f32 v4, v1;
	v19 =	vld.idx.msk [tilespmem:v59+s19+$0x0], $0xffff  }
0x2e2: {  	v52 =	vmul.f32 v52, v40;
	v4 =	vmul.f32 v10, v40;
	v40 =	vld [tilespmem:$0x1FF60]  }
0x2e3: {  	v1 =	vadd.f32 v3, v1;
	v3 =	vmul.f32 v7, v44;
	v7 =	vld.idx.msk [tilespmem:v60+s8+$0x0], $0xffff  }
0x2e4: {  	v61 =	vmul.f32 v36, v48;
	v36 =	vld [tilespmem:$0x1FF50]  }
0x2e5: {  	v56 =	vmul.f32 v37, v44;
	v44 =	vld [tilespmem:$0x1FF70]  }
0x2e6: {  	v51 =	vor.u32 v50, v57;
	v2 =	vmul.f32 v9, v16;
	v9 =	vld.idx.msk [tilespmem:v46+s8+$0x0], $0xffff  }
0x2e7: {  	v43 =	vmul.f32 v55, v16;
	v55 =	vor.u32 v54, v57;
	v62 =	vld.idx.msk [tilespmem:v54+s19+$0x0], $0xffff  }
0x2e8: {  	v16 =	vld [tilespmem:$0x1FF30]  }
0x2e9: {  	v0 =	vadd.f32 v39, v0;
	v58 =	vld.idx.msk [tilespmem:v50+s19+$0x0], $0xffff  }
0x2ea: {  	v29 =	vor.u32 v20, v57;
	v1 =	vadd.f32 v2, v1;
	v2 =	vmul.f32 v6, v48;
	v48 =	vld [tilespmem:$0x1FF80]  }
0x2eb: {  	v8 =	vld.idx.msk [tilespmem:v51+s8+$0x0], $0xffff  }
0x2ec: {  	v0 =	vadd.f32 v43, v0;
	v10 =	vld.idx.msk [tilespmem:v55+s8+$0x0], $0xffff  }
0x2ed: {  	v39 =	vld.idx.msk [tilespmem:v20+s19+$0x0], $0xffff  }
0x2ee: {  	v0 =	vadd.f32 v47, v0;
	v47 =	vld.idx.msk [tilespmem:v40+s19+$0x0], $0xffff  }
0x2ef: {  	v37 =	vor.u32 v36, v57;
	v1 =	vadd.f32 v5, v1;
	v5 =	vmul.f32 v9, v53;
	v9 =	vld.idx.msk [tilespmem:v29+s8+$0x0], $0xffff  }
0x2f0: {  	v18 =	vmul.f32 v35, v53;
	v41 =	vor.u32 v40, v57;
	v53 =	vld [tilespmem:$0x1FF90]  }
0x2f1: {  	v43 =	vld.idx.msk [tilespmem:v36+s19+$0x0], $0xffff  }
0x2f2: {  	v0 =	vadd.f32 v52, v0;
	v52 =	vld.idx.msk [tilespmem:v44+s19+$0x0], $0xffff  }
0x2f3: {  	v1 =	vadd.f32 v4, v1;
	v35 =	vld.idx.msk [tilespmem:v16+s19+$0x0], $0xffff  }
0x2f4: {  	v4 =	vmul.f32 v8, v58;
	v8 =	vld.idx.msk [tilespmem:v37+s8+$0x0], $0xffff  }
0x2f5: {  	v1 =	vadd.f32 v3, v1;
	v3 =	vmul.f32 v10, v62;
	v10 =	vld.idx.msk [tilespmem:v41+s8+$0x0], $0xffff  }
0x2f6: {  	v17 =	vor.u32 v16, v57;
	v34 =	vmul.f32 v34, v58;
	v58 =	vld [tilespmem:$0x1FFA0]  }
0x2f7: {  	v45 =	vor.u32 v44, v57;
	v38 =	vmul.f32 v33, v62;
	v62 =	vld [tilespmem:$0x1FFB0]  }
0x2f8: {  	v37 =	vld [tilespmem:$0x1FB20]  }
0x2f9: {  	v41 =	vld [tilespmem:$0x1FB10]  }
0x2fa: {  	v60 =	vmul.f32 v27, v47;
	v27 =	vld [tilespmem:$0x1FFD0]  }
0x2fb: {  	v6 =	vld.idx.msk [tilespmem:v17+s8+$0x0], $0xffff  }
0x2fc: {  	v1 =	vadd.f32 v2, v1;
	v2 =	vmul.f32 v7, v19;
	v7 =	vld.idx.msk [tilespmem:v45+s8+$0x0], $0xffff  }
0x2fd: {  	v0 =	vadd.f32 v56, v0;
	v56 =	vld.idx.msk [tilespmem:v48+s19+$0x0], $0xffff  }
0x2fe: {  	v42 =	vmul.f32 v32, v19;
	v50 =	vor.u32 v48, v57;
	v19 =	vld [tilespmem:$0x1FFC0]  }
0x2ff: {  	v54 =	vor.u32 v53, v57;
	v45 =	vld [tilespmem:$0x1FB00]  }
0x300: {  	v0 =	vadd.f32 v61, v0;
	v1 =	vadd.f32 v5, v1;
	v61 =	vld.idx.msk [tilespmem:v53+s19+$0x0], $0xffff  }
0x301: {  	v46 =	vmul.f32 v31, v35;
	v31 =	vld [tilespmem:$0x1FFE0]  }
0x302: {  	v51 =	vmul.f32 v30, v39;
	v1 =	vadd.f32 v4, v1;
	v4 =	vmul.f32 v9, v39;
	v39 =	vld [tilespmem:$0x1FA90]  }
0x303: {  	v5 =	vmul.f32 v6, v35;
	v6 =	vld.idx.msk [tilespmem:v50+s8+$0x0], $0xffff  }
0x304: {  	v9 =	vld.idx.msk [tilespmem:v54+s8+$0x0], $0xffff  }
0x305: {  	v35 =	vld [tilespmem:$0x1FAB0]  }
0x306: {  	v50 =	vld [tilespmem:$0x1FAF0]  }
0x307: {  	v0 =	vadd.f32 v18, v0;
	v59 =	vor.u32 v58, v57;
	v18 =	vld.idx.msk [tilespmem:v58+s19+$0x0], $0xffff  }
0x308: {  	v17 =	vmul.f32 v26, v52;
	v16 =	vor.u32 v62, v57;
	v26 =	vld.idx.msk [tilespmem:v62+s19+$0x0], $0xffff  }
0x309: {  	v55 =	vmul.f32 v28, v43;
	v1 =	vadd.f32 v3, v1;
	v3 =	vmul.f32 v8, v43;
	v43 =	vld [tilespmem:$0x1FA70]  }
0x30a: {  	v0 =	vadd.f32 v34, v0;
	v34 =	vld.idx.msk [tilespmem:v27+s19+$0x0], $0xffff  }
0x30b: {  	v28 =	vor.u32 v27, v57;
	v27 =	vld [tilespmem:$0x1FAC0]  }
0x30c: {  	v20 =	vor.u32 v19, v57;
	v8 =	vld.idx.msk [tilespmem:v59+s8+$0x0], $0xffff  }
0x30d: {  	v1 =	vadd.f32 v2, v1;
	v2 =	vmul.f32 v10, v47;
	v10 =	vld.idx.msk [tilespmem:v16+s8+$0x0], $0xffff  }
0x30e: {  	v30 =	vld.idx.msk [tilespmem:v19+s19+$0x0], $0xffff  }
0x30f: {  	v47 =	vld [tilespmem:$0x1FE10]  }
0x310: {  	v19 =	vld [tilespmem:$0x1FAE0]  }
0x311: {  	v1 =	vadd.f32 v5, v1;
	v5 =	vmul.f32 v7, v52;
	v7 =	vld.idx.msk [tilespmem:v20+s8+$0x0], $0xffff  }
0x312: {  	v52 =	vld [tilespmem:$0x1FA40]  }
0x313: {  	v0 =	vadd.f32 v38, v0;
	v38 =	vld.idx.msk [tilespmem:v31+s19+$0x0], $0xffff  }
0x314: {  	v33 =	vmul.f32 v23, v18;
	v23 =	vld [tilespmem:$0x1FAD0]  }
0x315: {  	v32 =	vor.u32 v31, v57;
	v31 =	vld [tilespmem:$0x1FAA0]  }
0x316: {  	v0 =	vadd.f32 v42, v0;
	v11 =	vmul.f32 v37, v26;
	v37 =	vld [tilespmem:$0x1FE60]  }
0x317: {  	v1 =	vadd.f32 v4, v1;
	v4 =	vmul.f32 v6, v56;
	v6 =	vld.idx.msk [tilespmem:v28+s8+$0x0], $0xffff  }
0x318: {  	v0 =	vadd.f32 v46, v0;
	v46 =	vld.idx.msk [tilespmem:v39+s19+$0x0], $0xffff  }
0x319: {  	v25 =	vmul.f32 v25, v56;
	v56 =	vld [tilespmem:$0x1FA20]  }
0x31a: {  	v40 =	vor.u32 v39, v57;
	v39 =	vld [tilespmem:$0x1FA60]  }
0x31b: {  	v42 =	vld.idx.msk [tilespmem:v35+s19+$0x0], $0xffff  }
0x31c: {  	v0 =	vadd.f32 v51, v0;
	v36 =	vor.u32 v35, v57;
	v35 =	vld [tilespmem:$0x1FA80]  }
0x31d: {  	v1 =	vadd.f32 v3, v1;
	v3 =	vmul.f32 v9, v61;
	v9 =	vld.idx.msk [tilespmem:v32+s8+$0x0], $0xffff  }
0x31e: {  	v0 =	vadd.f32 v55, v0;
	v51 =	vld.idx.msk [tilespmem:v43+s19+$0x0], $0xffff  }
0x31f: {  	v29 =	vmul.f32 v24, v61;
	v61 =	vld [tilespmem:$0x1FA00]  }
0x320: {  	v44 =	vor.u32 v43, v57;
	v0 =	vadd.f32 v60, v0;
	v43 =	vld [tilespmem:$0x1FA50]  }
0x321: {  	v1 =	vadd.f32 v2, v1;
	v2 =	vmul.f32 v8, v18;
	v8 =	vld.idx.msk [tilespmem:v36+s8+$0x0], $0xffff  }
0x322: {  	v0 =	vadd.f32 v17, v0;
	v55 =	vld.idx.msk [tilespmem:v47+s19+$0x0], $0xffff  }
0x323: {  	v17 =	vld [tilespmem:$0x1F9E0];
	v1 =	vadd.f32 v5, v1  }
0x324: {  	v48 =	vor.u32 v47, v57;
	v47 =	vld [tilespmem:$0x1FA30];
	v0 =	vadd.f32 v25, v0  }
0x325: {  	v5 =	vmul.f32 v10, v26;
	v10 =	vld.idx.msk [tilespmem:v40+s8+$0x0], $0xffff;
	v1 =	vadd.f32 v4, v1  }
0x326: {  	v60 =	vld.idx.msk [tilespmem:v52+s19+$0x0], $0xffff;
	v0 =	vadd.f32 v29, v0  }
0x327: {  	v54 =	vmul.f32 v21, v42;
	v21 =	vld [tilespmem:$0x1F9C0];
	v1 =	vadd.f32 v3, v1  }
0x328: {  	v25 =	vld [tilespmem:$0x1F9A0];
	v0 =	vadd.f32 v33, v0  }
0x329: {  	v4 =	vmul.f32 v7, v30;
	v7 =	vld.idx.msk [tilespmem:v44+s8+$0x0], $0xffff;
	v1 =	vadd.f32 v2, v1  }
0x32a: {  	v16 =	vld.idx.msk [tilespmem:v56+s19+$0x0], $0xffff;
	v0 =	vadd.f32 v11, v0;
	v11 =	vmul.f32 v41, v30  }
0x32b: {  	v53 =	vor.u32 v52, v57;
	v29 =	vld [tilespmem:$0x1F990];
	v1 =	vadd.f32 v5, v1  }
0x32c: {  	v44 =	vld.idx.msk [tilespmem:v37+s19+$0x0], $0xffff;
	v0 =	vadd.f32 v11, v0;
	v11 =	vmul.f32 v45, v34  }
0x32d: {  	v3 =	vmul.f32 v6, v34;
	v6 =	vld.idx.msk [tilespmem:v48+s8+$0x0], $0xffff;
	v1 =	vadd.f32 v4, v1  }
0x32e: {  	v20 =	vld.idx.msk [tilespmem:v61+s19+$0x0], $0xffff;
	v0 =	vadd.f32 v11, v0;
	v11 =	vmul.f32 v50, v38  }
0x32f: {  	v58 =	vor.u32 v56, v57;
	v33 =	vld [tilespmem:$0x1FE40];
	v2 =	vmul.f32 v9, v38;
	v1 =	vadd.f32 v3, v1  }
0x330: {  	v9 =	vld.idx.msk [tilespmem:v53+s8+$0x0], $0xffff;
	v0 =	vadd.f32 v11, v0  }
0x331: {  	v24 =	vld.idx.msk [tilespmem:v17+s19+$0x0], $0xffff;
	v5 =	vmul.f32 v8, v42;
	v1 =	vadd.f32 v2, v1  }
0x332: {  	v59 =	vmul.f32 v63, v46;
	v41 =	vld [tilespmem:$0x1FE70];
	v0 =	vadd.f32 v54, v0  }
0x333: {  	v62 =	vor.u32 v61, v57;
	v53 =	vld [tilespmem:$0x1F9F0];
	v4 =	vmul.f32 v10, v46;
	v1 =	vadd.f32 v5, v1  }
0x334: {  	v63 =	vmul.f32 v22, v51;
	v8 =	vld.idx.msk [tilespmem:v58+s8+$0x0], $0xffff;
	v0 =	vadd.f32 v59, v0  }
0x335: {  	v18 =	vor.u32 v17, v57;
	v28 =	vld.idx.msk [tilespmem:v21+s19+$0x0], $0xffff;
	v3 =	vmul.f32 v7, v51;
	v1 =	vadd.f32 v4, v1  }
0x336: {  	v32 =	vld.idx.msk [tilespmem:v25+s19+$0x0], $0xffff;
	v11 =	vmul.f32 v19, v55;
	v0 =	vadd.f32 v63, v0  }
0x337: {  	v22 =	vor.u32 v21, v57;
	v45 =	vld [tilespmem:$0x1FE80];
	v2 =	vmul.f32 v6, v55;
	v1 =	vadd.f32 v3, v1  }
0x338: {  	v10 =	vld.idx.msk [tilespmem:v62+s8+$0x0], $0xffff;
	v0 =	vadd.f32 v11, v0;
	v11 =	vmul.f32 v23, v60  }
0x339: {  	v26 =	vor.u32 v25, v57;
	v58 =	vld [tilespmem:$0x1F9B0];
	v5 =	vmul.f32 v9, v60;
	v1 =	vadd.f32 v2, v1  }
0x33a: {  	v7 =	vld.idx.msk [tilespmem:v18+s8+$0x0], $0xffff;
	v0 =	vadd.f32 v11, v0;
	v11 =	vmul.f32 v27, v16  }
0x33b: {  	v30 =	vor.u32 v29, v57;
	v36 =	vld.idx.msk [tilespmem:v29+s19+$0x0], $0xffff;
	v4 =	vmul.f32 v8, v16;
	v1 =	vadd.f32 v5, v1  }
0x33c: {  	v6 =	vld.idx.msk [tilespmem:v22+s8+$0x0], $0xffff;
	v0 =	vadd.f32 v11, v0;
	v11 =	vmul.f32 v31, v20  }
0x33d: {  	v34 =	vor.u32 v33, v57;
	v50 =	vld [tilespmem:$0x1FA10];
	v3 =	vmul.f32 v10, v20;
	v1 =	vadd.f32 v4, v1  }
0x33e: {  	v9 =	vld.idx.msk [tilespmem:v26+s8+$0x0], $0xffff;
	v0 =	vadd.f32 v11, v0;
	v11 =	vmul.f32 v35, v24  }
0x33f: {  	v38 =	vor.u32 v37, v57;
	v40 =	vld.idx.msk [tilespmem:v33+s19+$0x0], $0xffff;
	v2 =	vmul.f32 v7, v24;
	v1 =	vadd.f32 v3, v1  }
0x340: {  	v8 =	vld.idx.msk [tilespmem:v30+s8+$0x0], $0xffff;
	v0 =	vadd.f32 v11, v0;
	v11 =	vmul.f32 v39, v28  }
0x341: {  	v42 =	vor.u32 v41, v57;
	v48 =	vld.idx.msk [tilespmem:v41+s19+$0x0], $0xffff;
	v5 =	vmul.f32 v6, v28;
	v1 =	vadd.f32 v2, v1  }
0x342: {  	v46 =	vor.u32 v45, v57;
	v10 =	vld.idx.msk [tilespmem:v34+s8+$0x0], $0xffff;
	v0 =	vadd.f32 v11, v0;
	v11 =	vmul.f32 v43, v32  }
0x343: {  	v55 =	vld [tilespmem:$0x1F9D0];
	v4 =	vmul.f32 v9, v32;
	v1 =	vadd.f32 v5, v1  }
0x344: {  	v7 =	vld.idx.msk [tilespmem:v38+s8+$0x0], $0xffff;
	v0 =	vadd.f32 v11, v0;
	v11 =	vmul.f32 v47, v36  }
0x345: {  	v51 =	vld.idx.msk [tilespmem:v45+s19+$0x0], $0xffff;
	v3 =	vmul.f32 v8, v36;
	v1 =	vadd.f32 v4, v1  }
0x346: {  	v6 =	vld.idx.msk [tilespmem:v42+s8+$0x0], $0xffff;
	v8 =	vmul.f32 v50, v40;
	v0 =	vadd.f32 v11, v0  }
0x347: {  	v52 =	vld.idx.msk [tilespmem:v46+s8+$0x0], $0xffff;
	v2 =	vmul.f32 v10, v40;
	v1 =	vadd.f32 v3, v1  }
0x348: {  	v60 =	vld [tilespmem:$0x1F970];
	v9 =	vmul.f32 v53, v44;
	v0 =	vadd.f32 v8, v0  }
0x349: {  	v54 =	vmul.f32 v7, v44;
	v1 =	vadd.f32 v2, v1  }
0x34a: {  	v5 =	vmul.f32 v55, v48;
	v0 =	vadd.f32 v9, v0  }
0x34b: {  	v63 =	vld [tilespmem:$0x1F980];
	v56 =	vmul.f32 v6, v48;
	v1 =	vadd.f32 v54, v1  }
0x34c: {  	v4 =	vmul.f32 v58, v51;
	v0 =	vadd.f32 v5, v0  }
0x34d: {  	v59 =	vmul.f32 v52, v51;
	v61 =	vadd.s32 v60, v49;
	v1 =	vadd.f32 v56, v1  }
0x34e: {  	v62 =	vadd.s32 v60, v57;
	v0 =	vadd.f32 v4, v0  }
0x34f: {  	v1 =	vadd.f32 v59, v1  }
0x350: {  	v0 =	vmul.f32 v0, v63  }
0x351: {  	s21 =	sadd.s32 $0x1, s21;
	v1 =	vmul.f32 v1, v63  }
0x352: {  	p0 =	sne.s32 s21, s11;
	[tilespmem:v61+s8+$0x0] =	vst.idx.add.f32.msk $0xffff, v0  }
.Ltmp1:
0x353: {  	[tilespmem:v62+s8+$0x0] =	vst.idx.add.f32.msk $0xffff, v1;
	(pc) =	sbr.rel @p0 .LBB2_1-.Ltmp1, $4  }
0x354: {  	[hbm4b:s10+s8] =	stream.linear.scatter [tilespmem:s8], [sflag:$0x2], $0x10000, $0x38;
	[tilespmem:$0x10380] =	vst v63  }
0x355: {  	_ =	swait.ge [sflag:s13], $0x10000  }
0x356: {  	[sflag:s13] =	ssyncset.done $0x0  }
0x357: {  	[sflag:s13] =	ssyncadd.s32 $0xFFFF0000  }
0x358: {  	_ =	sfence.sel $0x180000  }
0x359: {  	[bflag:$0x0] =	sbarrier.arrive $0xFFFF  }
0x35a: {  	p0 =	sne.s32 s5, $0x0;
	_ =	strace $0x90000047  }
0x35b: {  	s0 =	sadd.s32 @!p0 $0x100000, s6;
	[bflag:$0x2] =	sbarrier.arrive $0xFFFF  }
0x35c: {  	[sflag:s0] =	ssyncadd.tile.s32 @!p0 $0x1;
	_ =	shalt  }
.Lfunc_end2:
_tile_overlayer_lowered:
.L_overlay_start_2:
0x35d: {  	(tag) =	ssettag $0x2  }
0x35e: {  	s0 =	rddreg [dreg:$0x0];
	s2 =	stileid.u32  }
0x35f: {  	s1 =	rddreg [dreg:$0x1];
	p0 =	sne.s32 s2, $0x0  }
0x360: {  	s3 =	rddreg [dreg:$0x2];
	[bflag:$0x3] =	sbarrier.arrive $0xFFFF;
	s2 =	simm.s32 @!p0 $0x1C02  }
0x361: {  	[timem:s3], [sflag:s2] =	dma.local @!p0 [hbm:s0], s1  }
0x362: {  	s0 =	simm.s32 @!p0 $0x2  }
0x363: {  	_ =	swait.ge @!p0 [sflag:s0], s1  }
0x364: {  	s1 =	ssub.s32 @!p0 $0x0, s1;
	[sflag:s0] =	ssyncset.done @!p0 $0x0  }
0x365: {  	[sflag:s0] =	ssyncadd.s32 @!p0 s1  }
0x366: {  	[bflag:$0x3] =	sbarrier.arrive $0xFFFF  }
0x367: {  	_ =	shalt  }

</sc_bundles>
